<compile_context>
chip_gen: v7x
topology: tpu7x:2x2x1
jax: 0.10.2.dev20260603
libtpu: 0.0.44.dev20260713+nightly
codegen_flags: <defaults>
</compile_context>

<pallas_src>
import functools

import jax
import jax.numpy as jnp
from jax import lax
from jax.experimental import pallas as pl
from jax.experimental.pallas import tpu as pltpu
from jax.experimental.pallas import tpu_sc as plsc

_L = 16
_BT = 32
_C = 768


def _sc_lane_shuffle(x3, indices):
    n_slabs = x3.shape[0]
    info = plsc.get_sparse_core_info()
    NC, NS = info.num_cores, info.num_subcores
    NW = NC * NS
    assert n_slabs % NW == 0, (n_slabs, NW)
    TPW = n_slabs // NW
    NG = _C // _L

    mesh = plsc.VectorSubcoreMesh(core_axis_name="c", subcore_axis_name="s")

    @functools.partial(
        pl.kernel,
        mesh=mesh,
        compiler_params=pltpu.CompilerParams(needs_layout_passes=False),
        out_type=jax.ShapeDtypeStruct((n_slabs, _BT, _C), jnp.float32),
        scratch_types=[
            pltpu.VMEM((_C,), jnp.int32),
            pltpu.VMEM((_BT, _C), jnp.float32),
            pltpu.VMEM((_BT, _C), jnp.float32),
            pltpu.VMEM((_BT, _C), jnp.float32),
            pltpu.VMEM((_BT, _C), jnp.float32),
            pltpu.SemaphoreType.DMA,
            pltpu.SemaphoreType.DMA,
            pltpu.SemaphoreType.DMA,
            pltpu.SemaphoreType.DMA,
        ],
    )
    def k(x_hbm, idx_hbm, o_hbm, idx_v, in0, in1, ou0, ou1, g0, g1, s0, s1):
        ins = (in0, in1)
        ous = (ou0, ou1)
        gsem = (g0, g1)
        ssem = (s0, s1)
        wid = lax.axis_index("s") * NC + lax.axis_index("c")
        base_slab = wid * TPW

        pltpu.sync_copy(idx_hbm, idx_v)

        def start_in(t, k2):
            pltpu.async_copy(x_hbm.at[base_slab + t], ins[k2], gsem[k2])

        def wait_in(k2):
            pltpu.make_async_copy(x_hbm.at[0], ins[k2], gsem[k2]).wait()

        def start_out(t, k2):
            pltpu.async_copy(ous[k2], o_hbm.at[base_slab + t], ssem[k2])

        def wait_out(k2):
            pltpu.make_async_copy(ous[k2], o_hbm.at[0], ssem[k2]).wait()

        def compute(k2):
            src, dst = ins[k2], ous[k2]

            def grp(j, carry):
                off = pl.multiple_of(j * _L, _L)
                cv = idx_v[pl.ds(off, _L)]

                def lds(b0):
                    return [
                        plsc.load_gather(
                            src, [jnp.zeros((_L,), jnp.int32) + (b0 + i), cv])
                        for i in range(4)
                    ]

                vs0, vs1 = lds(0), lds(4)
                for b0 in range(8, _BT, 4):
                    nvs = lds(b0)
                    for i in range(4):
                        dst[b0 - 8 + i, pl.ds(off, _L)] = vs0[i]
                    vs0, vs1 = vs1, nvs
                for b1 in (_BT - 8, _BT - 4):
                    for i in range(4):
                        dst[b1 + i, pl.ds(off, _L)] = vs0[i]
                    vs0 = vs1
                return carry

            lax.fori_loop(0, NG, grp, 0)

        start_in(0, 0)
        start_in(1, 1)
        for t in range(2):
            wait_in(t)
            compute(t)
            start_out(t, t)
            start_in(t + 2, t)

        def pair(p, carry):
            for k2 in range(2):
                t = 2 * p + k2
                wait_in(k2)
                wait_out(k2)
                compute(k2)
                start_out(t, k2)
                start_in(t + 2, k2)
            return carry

        lax.fori_loop(1, (TPW - 3) // 2, pair, 0)

        for t in range(TPW - 3, TPW):
            k2 = t % 2
            wait_in(k2)
            wait_out(k2)
            compute(k2)
            start_out(t, k2)
            if t + 2 < TPW:
                start_in(t + 2, k2)
        wait_out(0)
        wait_out(1)

    return k(x3, indices)


def kernel(x, logdet, indices):
    B, C, H, W = x.shape
    assert C == _C and B % _BT == 0
    x3 = x.transpose(2, 3, 0, 1).reshape(H * W * (B // _BT), _BT, C)
    out3 = _sc_lane_shuffle(x3, indices.astype(jnp.int32))
    out = out3.reshape(H, W, B, C).transpose(2, 3, 0, 1)
    return out, logdet

# --- scband reference (transcript-rebuilt; emitter-appended) ---
"""Pipeline reference for scband-shuffle-32564442038508 (READ-ONLY COPY).

The authoritative reference and input builder live on the scoring server;
editing this copy changes nothing except your own understanding.
"""

import jax, jax.numpy as jnp
import numpy as np

B, C, H, W = 64, 768, 28, 28

def setup_inputs(seed: int = 0) -> dict:
    key = jax.random.key(seed)
    k1, k2 = jax.random.split(key, 2)
    x = jax.random.normal(k1, (B, C, H, W), dtype=jnp.float32)
    logdet = jnp.zeros((B,), dtype=jnp.float32)
    # fixed random channel permutation (buffer built in __init__)
    indices = jax.random.permutation(k2, C).astype(jnp.int32)
    return {"x": x, "logdet": logdet, "indices": indices}

def reference(x, logdet, indices):
    # forward (reverse=False): gather channels by the permutation
    out = jnp.take(x, indices, axis=1)
    return (out, logdet)

if __name__ == "__main__":
    import jax
    _d = setup_inputs()
    print(jax.jit(kernel)(*tuple(_d.values())))

</pallas_src>

<mosaic_0001>
#map = affine_map<(d0, d1) -> (0, 0, 0)>
#map1 = affine_map<(d0, d1) -> (0)>
module attributes {stable_mosaic.version = 14 : i64} {
  func.func @k(%arg0: i32, %arg1: i32, %arg2: memref<1568x32x768xf32, #tpu.memory_space<hbm>>, %arg3: memref<768xi32, #tpu.memory_space<hbm>>, %arg4: memref<1568x32x768xf32, #tpu.memory_space<hbm>>, %arg5: memref<768xi32, #tpu.memory_space<vmem>>, %arg6: memref<32x768xf32, #tpu.memory_space<vmem>>, %arg7: memref<32x768xf32, #tpu.memory_space<vmem>>, %arg8: memref<32x768xf32, #tpu.memory_space<vmem>>, %arg9: memref<32x768xf32, #tpu.memory_space<vmem>>, %arg10: memref<!tpu.dma_semaphore, #tpu.memory_space<semaphore_mem>>, %arg11: memref<!tpu.dma_semaphore, #tpu.memory_space<semaphore_mem>>, %arg12: memref<!tpu.dma_semaphore, #tpu.memory_space<semaphore_mem>>, %arg13: memref<!tpu.dma_semaphore, #tpu.memory_space<semaphore_mem>>) attributes {dimension_semantics = [#tpu.dimension_semantics<core_parallel>, #tpu.dimension_semantics<subcore_parallel>], iteration_bounds = array<i64: 2, 16>, scalar_prefetch = 0 : i64, scratch_operands = 9 : i64, tpu.core_type = #tpu.core_type<sc_vector_subcore>, window_params = [{transform_indices = #map}, {transform_indices = #map1}, {transform_indices = #map}]} {
    %mul3A = arith.constant 2 : i32
    %mul3A_0 = arith.muli %arg1, %mul3A : i32
    %add3A = arith.addi %mul3A_0, %arg0 : i32
    %mul3A_1 = arith.constant 49 : i32
    %mul3A_2 = arith.muli %add3A, %mul3A_1 : i32
    "tpu.region"() ({
      %run_scoped3A = tpu.sem_alloc : memref<!tpu.dma_semaphore, #tpu.memory_space<semaphore_mem>>
      tpu.enqueue_dma source(%arg3 : memref<768xi32, #tpu.memory_space<hbm>>) target(%arg5 : memref<768xi32, #tpu.memory_space<vmem>>) target_semaphore(%run_scoped3A : memref<!tpu.dma_semaphore, #tpu.memory_space<semaphore_mem>>)
      tpu.wait_dma2 semaphore(%run_scoped3A : memref<!tpu.dma_semaphore, #tpu.memory_space<semaphore_mem>>) src(%arg3 : memref<768xi32, #tpu.memory_space<hbm>>) dst(%arg5 : memref<768xi32, #tpu.memory_space<vmem>>)
      tpu.yield
    }) : () -> ()
    %add3A_3 = arith.constant 0 : i32
    %add3A_4 = arith.addi %mul3A_2, %add3A_3 : i32
    %dma_start3A = arith.constant 0 : i32
    %dma_start3A_5 = arith.constant 0 : i32
    %dma_start3A_6 = tpu.memref_slice %arg2[%add3A_4, %dma_start3A, %dma_start3A_5] : memref<1568x32x768xf32, #tpu.memory_space<hbm>> -> memref<1x32x768xf32, #tpu.memory_space<hbm>>
    %dma_start3A_7 = tpu.memref_squeeze %dma_start3A_6 : memref<1x32x768xf32, #tpu.memory_space<hbm>> -> memref<32x768xf32, #tpu.memory_space<hbm>>
    %dma_start3A_8 = arith.constant 0 : i32
    %dma_start3A_9 = arith.constant 0 : i32
    %dma_start3A_10 = tpu.memref_slice %arg2[%add3A_4, %dma_start3A_8, %dma_start3A_9] : memref<1568x32x768xf32, #tpu.memory_space<hbm>> -> memref<1x32x768xf32, #tpu.memory_space<hbm>>
    %dma_start3A_11 = tpu.memref_squeeze %dma_start3A_10 : memref<1x32x768xf32, #tpu.memory_space<hbm>> -> memref<32x768xf32, #tpu.memory_space<hbm>>
    tpu.enqueue_dma source(%dma_start3A_11 : memref<32x768xf32, #tpu.memory_space<hbm>>) target(%arg6 : memref<32x768xf32, #tpu.memory_space<vmem>>) target_semaphore(%arg10 : memref<!tpu.dma_semaphore, #tpu.memory_space<semaphore_mem>>)
    %add3A_12 = arith.constant 1 : i32
    %add3A_13 = arith.addi %mul3A_2, %add3A_12 : i32
    %dma_start3A_14 = arith.constant 0 : i32
    %dma_start3A_15 = arith.constant 0 : i32
    %dma_start3A_16 = tpu.memref_slice %arg2[%add3A_13, %dma_start3A_14, %dma_start3A_15] : memref<1568x32x768xf32, #tpu.memory_space<hbm>> -> memref<1x32x768xf32, #tpu.memory_space<hbm>>
    %dma_start3A_17 = tpu.memref_squeeze %dma_start3A_16 : memref<1x32x768xf32, #tpu.memory_space<hbm>> -> memref<32x768xf32, #tpu.memory_space<hbm>>
    %dma_start3A_18 = arith.constant 0 : i32
    %dma_start3A_19 = arith.constant 0 : i32
    %dma_start3A_20 = tpu.memref_slice %arg2[%add3A_13, %dma_start3A_18, %dma_start3A_19] : memref<1568x32x768xf32, #tpu.memory_space<hbm>> -> memref<1x32x768xf32, #tpu.memory_space<hbm>>
    %dma_start3A_21 = tpu.memref_squeeze %dma_start3A_20 : memref<1x32x768xf32, #tpu.memory_space<hbm>> -> memref<32x768xf32, #tpu.memory_space<hbm>>
    tpu.enqueue_dma source(%dma_start3A_21 : memref<32x768xf32, #tpu.memory_space<hbm>>) target(%arg7 : memref<32x768xf32, #tpu.memory_space<vmem>>) target_semaphore(%arg11 : memref<!tpu.dma_semaphore, #tpu.memory_space<semaphore_mem>>)
    %dma_wait3A = arith.constant 0 : i32
    %dma_wait3A_22 = arith.constant 0 : i32
    %dma_wait3A_23 = arith.constant 0 : i32
    %dma_wait3A_24 = tpu.memref_slice %arg2[%dma_wait3A, %dma_wait3A_22, %dma_wait3A_23] : memref<1568x32x768xf32, #tpu.memory_space<hbm>> -> memref<1x32x768xf32, #tpu.memory_space<hbm>>
    %dma_wait3A_25 = tpu.memref_squeeze %dma_wait3A_24 : memref<1x32x768xf32, #tpu.memory_space<hbm>> -> memref<32x768xf32, #tpu.memory_space<hbm>>
    %dma_wait3A_26 = arith.constant 0 : i32
    %dma_wait3A_27 = arith.constant 0 : i32
    %dma_wait3A_28 = tpu.memref_slice %arg2[%dma_wait3A, %dma_wait3A_26, %dma_wait3A_27] : memref<1568x32x768xf32, #tpu.memory_space<hbm>> -> memref<1x32x768xf32, #tpu.memory_space<hbm>>
    %dma_wait3A_29 = tpu.memref_squeeze %dma_wait3A_28 : memref<1x32x768xf32, #tpu.memory_space<hbm>> -> memref<32x768xf32, #tpu.memory_space<hbm>>
    tpu.wait_dma2 semaphore(%arg10 : memref<!tpu.dma_semaphore, #tpu.memory_space<semaphore_mem>>) src(%dma_wait3A_29 : memref<32x768xf32, #tpu.memory_space<hbm>>) dst(%arg6 : memref<32x768xf32, #tpu.memory_space<vmem>>)
    %scan3A = arith.constant 0 : i32
    %scan3A_30 = arith.constant 0 : i32
    %scan3A_31 = arith.constant 48 : i32
    %scan3A_32 = arith.addi %scan3A_30, %scan3A_31 : i32
    %scan3A_33 = arith.constant 1 : i32
    scf.for %scan3A_226 = %scan3A_30 to %scan3A_32 step %scan3A_33  : i32 {
      %mul3A_227 = arith.constant 16 : i32
      %mul3A_228 = arith.muli %scan3A_226, %mul3A_227 : i32
      %multiple_of3A = tpu.assume_multiple %mul3A_228, 16 : i32
      %get3A = arith.index_cast %multiple_of3A : i32 to index
      %get3A_229 = tpu.vector_load %arg5[%get3A] {strides = array<i32>} : memref<768xi32, #tpu.memory_space<vmem>>, vector<16xi32>,
      %broadcast_in_dim3A = arith.constant 0 : i32
      %broadcast_in_dim3A_230 = vector.broadcast %broadcast_in_dim3A : i32 to vector<16xi32>
      %add3A_231 = arith.constant 0 : i32
      %add3A_232 = vector.broadcast %add3A_231 : i32 to vector<16xi32>
      %add3A_233 = arith.addi %broadcast_in_dim3A_230, %add3A_232 : vector<16xi32>
      %gather3A = tpu.vector_load_idx %arg6[%add3A_233, %get3A_229] : memref<32x768xf32, #tpu.memory_space<vmem>>[vector<16xi32>, vector<16xi32>], vector<16xf32>,
      %broadcast_in_dim3A_234 = arith.constant 0 : i32
      %broadcast_in_dim3A_235 = vector.broadcast %broadcast_in_dim3A_234 : i32 to vector<16xi32>
      %add3A_236 = arith.constant 1 : i32
      %add3A_237 = vector.broadcast %add3A_236 : i32 to vector<16xi32>
      %add3A_238 = arith.addi %broadcast_in_dim3A_235, %add3A_237 : vector<16xi32>
      %gather3A_239 = tpu.vector_load_idx %arg6[%add3A_238, %get3A_229] : memref<32x768xf32, #tpu.memory_space<vmem>>[vector<16xi32>, vector<16xi32>], vector<16xf32>,
      %broadcast_in_dim3A_240 = arith.constant 0 : i32
      %broadcast_in_dim3A_241 = vector.broadcast %broadcast_in_dim3A_240 : i32 to vector<16xi32>
      %add3A_242 = arith.constant 2 : i32
      %add3A_243 = vector.broadcast %add3A_242 : i32 to vector<16xi32>
      %add3A_244 = arith.addi %broadcast_in_dim3A_241, %add3A_243 : vector<16xi32>
      %gather3A_245 = tpu.vector_load_idx %arg6[%add3A_244, %get3A_229] : memref<32x768xf32, #tpu.memory_space<vmem>>[vector<16xi32>, vector<16xi32>], vector<16xf32>,
      %broadcast_in_dim3A_246 = arith.constant 0 : i32
      %broadcast_in_dim3A_247 = vector.broadcast %broadcast_in_dim3A_246 : i32 to vector<16xi32>
      %add3A_248 = arith.constant 3 : i32
      %add3A_249 = vector.broadcast %add3A_248 : i32 to vector<16xi32>
      %add3A_250 = arith.addi %broadcast_in_dim3A_247, %add3A_249 : vector<16xi32>
      %gather3A_251 = tpu.vector_load_idx %arg6[%add3A_250, %get3A_229] : memref<32x768xf32, #tpu.memory_space<vmem>>[vector<16xi32>, vector<16xi32>], vector<16xf32>,
      %broadcast_in_dim3A_252 = arith.constant 0 : i32
      %broadcast_in_dim3A_253 = vector.broadcast %broadcast_in_dim3A_252 : i32 to vector<16xi32>
      %add3A_254 = arith.constant 4 : i32
      %add3A_255 = vector.broadcast %add3A_254 : i32 to vector<16xi32>
      %add3A_256 = arith.addi %broadcast_in_dim3A_253, %add3A_255 : vector<16xi32>
      %gather3A_257 = tpu.vector_load_idx %arg6[%add3A_256, %get3A_229] : memref<32x768xf32, #tpu.memory_space<vmem>>[vector<16xi32>, vector<16xi32>], vector<16xf32>,
      %broadcast_in_dim3A_258 = arith.constant 0 : i32
      %broadcast_in_dim3A_259 = vector.broadcast %broadcast_in_dim3A_258 : i32 to vector<16xi32>
      %add3A_260 = arith.constant 5 : i32
      %add3A_261 = vector.broadcast %add3A_260 : i32 to vector<16xi32>
      %add3A_262 = arith.addi %broadcast_in_dim3A_259, %add3A_261 : vector<16xi32>
      %gather3A_263 = tpu.vector_load_idx %arg6[%add3A_262, %get3A_229] : memref<32x768xf32, #tpu.memory_space<vmem>>[vector<16xi32>, vector<16xi32>], vector<16xf32>,
      %broadcast_in_dim3A_264 = arith.constant 0 : i32
      %broadcast_in_dim3A_265 = vector.broadcast %broadcast_in_dim3A_264 : i32 to vector<16xi32>
      %add3A_266 = arith.constant 6 : i32
      %add3A_267 = vector.broadcast %add3A_266 : i32 to vector<16xi32>
      %add3A_268 = arith.addi %broadcast_in_dim3A_265, %add3A_267 : vector<16xi32>
      %gather3A_269 = tpu.vector_load_idx %arg6[%add3A_268, %get3A_229] : memref<32x768xf32, #tpu.memory_space<vmem>>[vector<16xi32>, vector<16xi32>], vector<16xf32>,
      %broadcast_in_dim3A_270 = arith.constant 0 : i32
      %broadcast_in_dim3A_271 = vector.broadcast %broadcast_in_dim3A_270 : i32 to vector<16xi32>
      %add3A_272 = arith.constant 7 : i32
      %add3A_273 = vector.broadcast %add3A_272 : i32 to vector<16xi32>
      %add3A_274 = arith.addi %broadcast_in_dim3A_271, %add3A_273 : vector<16xi32>
      %gather3A_275 = tpu.vector_load_idx %arg6[%add3A_274, %get3A_229] : memref<32x768xf32, #tpu.memory_space<vmem>>[vector<16xi32>, vector<16xi32>], vector<16xf32>,
      %broadcast_in_dim3A_276 = arith.constant 0 : i32
      %broadcast_in_dim3A_277 = vector.broadcast %broadcast_in_dim3A_276 : i32 to vector<16xi32>
      %add3A_278 = arith.constant 8 : i32
      %add3A_279 = vector.broadcast %add3A_278 : i32 to vector<16xi32>
      %add3A_280 = arith.addi %broadcast_in_dim3A_277, %add3A_279 : vector<16xi32>
      %gather3A_281 = tpu.vector_load_idx %arg6[%add3A_280, %get3A_229] : memref<32x768xf32, #tpu.memory_space<vmem>>[vector<16xi32>, vector<16xi32>], vector<16xf32>,
      %broadcast_in_dim3A_282 = arith.constant 0 : i32
      %broadcast_in_dim3A_283 = vector.broadcast %broadcast_in_dim3A_282 : i32 to vector<16xi32>
      %add3A_284 = arith.constant 9 : i32
      %add3A_285 = vector.broadcast %add3A_284 : i32 to vector<16xi32>
      %add3A_286 = arith.addi %broadcast_in_dim3A_283, %add3A_285 : vector<16xi32>
      %gather3A_287 = tpu.vector_load_idx %arg6[%add3A_286, %get3A_229] : memref<32x768xf32, #tpu.memory_space<vmem>>[vector<16xi32>, vector<16xi32>], vector<16xf32>,
      %broadcast_in_dim3A_288 = arith.constant 0 : i32
      %broadcast_in_dim3A_289 = vector.broadcast %broadcast_in_dim3A_288 : i32 to vector<16xi32>
      %add3A_290 = arith.constant 10 : i32
      %add3A_291 = vector.broadcast %add3A_290 : i32 to vector<16xi32>
      %add3A_292 = arith.addi %broadcast_in_dim3A_289, %add3A_291 : vector<16xi32>
      %gather3A_293 = tpu.vector_load_idx %arg6[%add3A_292, %get3A_229] : memref<32x768xf32, #tpu.memory_space<vmem>>[vector<16xi32>, vector<16xi32>], vector<16xf32>,
      %broadcast_in_dim3A_294 = arith.constant 0 : i32
      %broadcast_in_dim3A_295 = vector.broadcast %broadcast_in_dim3A_294 : i32 to vector<16xi32>
      %add3A_296 = arith.constant 11 : i32
      %add3A_297 = vector.broadcast %add3A_296 : i32 to vector<16xi32>
      %add3A_298 = arith.addi %broadcast_in_dim3A_295, %add3A_297 : vector<16xi32>
      %gather3A_299 = tpu.vector_load_idx %arg6[%add3A_298, %get3A_229] : memref<32x768xf32, #tpu.memory_space<vmem>>[vector<16xi32>, vector<16xi32>], vector<16xf32>,
      %swap3A = arith.constant 0 : i32
      %swap3A_300 = arith.index_cast %swap3A : i32 to index
      %swap3A_301 = arith.index_cast %multiple_of3A : i32 to index
      %swap3A_302 = tpu.vector_load %arg8[%swap3A_300, %swap3A_301] {strides = array<i32>} : memref<32x768xf32, #tpu.memory_space<vmem>>, vector<16xf32>,
      tpu.vector_store %arg8[%swap3A_300, %swap3A_301], %gather3A {strides = array<i32>} : memref<32x768xf32, #tpu.memory_space<vmem>>, vector<16xf32>,
      %swap3A_303 = arith.constant 1 : i32
      %swap3A_304 = arith.index_cast %swap3A_303 : i32 to index
      %swap3A_305 = arith.index_cast %multiple_of3A : i32 to index
      %swap3A_306 = tpu.vector_load %arg8[%swap3A_304, %swap3A_305] {strides = array<i32>} : memref<32x768xf32, #tpu.memory_space<vmem>>, vector<16xf32>,
      tpu.vector_store %arg8[%swap3A_304, %swap3A_305], %gather3A_239 {strides = array<i32>} : memref<32x768xf32, #tpu.memory_space<vmem>>, vector<16xf32>,
      %swap3A_307 = arith.constant 2 : i32
      %swap3A_308 = arith.index_cast %swap3A_307 : i32 to index
      %swap3A_309 = arith.index_cast %multiple_of3A : i32 to index
      %swap3A_310 = tpu.vector_load %arg8[%swap3A_308, %swap3A_309] {strides = array<i32>} : memref<32x768xf32, #tpu.memory_space<vmem>>, vector<16xf32>,
      tpu.vector_store %arg8[%swap3A_308, %swap3A_309], %gather3A_245 {strides = array<i32>} : memref<32x768xf32, #tpu.memory_space<vmem>>, vector<16xf32>,
      %swap3A_311 = arith.constant 3 : i32
      %swap3A_312 = arith.index_cast %swap3A_311 : i32 to index
      %swap3A_313 = arith.index_cast %multiple_of3A : i32 to index
      %swap3A_314 = tpu.vector_load %arg8[%swap3A_312, %swap3A_313] {strides = array<i32>} : memref<32x768xf32, #tpu.memory_space<vmem>>, vector<16xf32>,
      tpu.vector_store %arg8[%swap3A_312, %swap3A_313], %gather3A_251 {strides = array<i32>} : memref<32x768xf32, #tpu.memory_space<vmem>>, vector<16xf32>,
      %broadcast_in_dim3A_315 = arith.constant 0 : i32
      %broadcast_in_dim3A_316 = vector.broadcast %broadcast_in_dim3A_315 : i32 to vector<16xi32>
      %add3A_317 = arith.constant 12 : i32
      %add3A_318 = vector.broadcast %add3A_317 : i32 to vector<16xi32>
      %add3A_319 = arith.addi %broadcast_in_dim3A_316, %add3A_318 : vector<16xi32>
      %gather3A_320 = tpu.vector_load_idx %arg6[%add3A_319, %get3A_229] : memref<32x768xf32, #tpu.memory_space<vmem>>[vector<16xi32>, vector<16xi32>], vector<16xf32>,
      %broadcast_in_dim3A_321 = arith.constant 0 : i32
      %broadcast_in_dim3A_322 = vector.broadcast %broadcast_in_dim3A_321 : i32 to vector<16xi32>
      %add3A_323 = arith.constant 13 : i32
      %add3A_324 = vector.broadcast %add3A_323 : i32 to vector<16xi32>
      %add3A_325 = arith.addi %broadcast_in_dim3A_322, %add3A_324 : vector<16xi32>
      %gather3A_326 = tpu.vector_load_idx %arg6[%add3A_325, %get3A_229] : memref<32x768xf32, #tpu.memory_space<vmem>>[vector<16xi32>, vector<16xi32>], vector<16xf32>,
      %broadcast_in_dim3A_327 = arith.constant 0 : i32
      %broadcast_in_dim3A_328 = vector.broadcast %broadcast_in_dim3A_327 : i32 to vector<16xi32>
      %add3A_329 = arith.constant 14 : i32
      %add3A_330 = vector.broadcast %add3A_329 : i32 to vector<16xi32>
      %add3A_331 = arith.addi %broadcast_in_dim3A_328, %add3A_330 : vector<16xi32>
      %gather3A_332 = tpu.vector_load_idx %arg6[%add3A_331, %get3A_229] : memref<32x768xf32, #tpu.memory_space<vmem>>[vector<16xi32>, vector<16xi32>], vector<16xf32>,
      %broadcast_in_dim3A_333 = arith.constant 0 : i32
      %broadcast_in_dim3A_334 = vector.broadcast %broadcast_in_dim3A_333 : i32 to vector<16xi32>
      %add3A_335 = arith.constant 15 : i32
      %add3A_336 = vector.broadcast %add3A_335 : i32 to vector<16xi32>
      %add3A_337 = arith.addi %broadcast_in_dim3A_334, %add3A_336 : vector<16xi32>
      %gather3A_338 = tpu.vector_load_idx %arg6[%add3A_337, %get3A_229] : memref<32x768xf32, #tpu.memory_space<vmem>>[vector<16xi32>, vector<16xi32>], vector<16xf32>,
      %swap3A_339 = arith.constant 4 : i32
      %swap3A_340 = arith.index_cast %swap3A_339 : i32 to index
      %swap3A_341 = arith.index_cast %multiple_of3A : i32 to index
      %swap3A_342 = tpu.vector_load %arg8[%swap3A_340, %swap3A_341] {strides = array<i32>} : memref<32x768xf32, #tpu.memory_space<vmem>>, vector<16xf32>,
      tpu.vector_store %arg8[%swap3A_340, %swap3A_341], %gather3A_257 {strides = array<i32>} : memref<32x768xf32, #tpu.memory_space<vmem>>, vector<16xf32>,
      %swap3A_343 = arith.constant 5 : i32
      %swap3A_344 = arith.index_cast %swap3A_343 : i32 to index
      %swap3A_345 = arith.index_cast %multiple_of3A : i32 to index
      %swap3A_346 = tpu.vector_load %arg8[%swap3A_344, %swap3A_345] {strides = array<i32>} : memref<32x768xf32, #tpu.memory_space<vmem>>, vector<16xf32>,
      tpu.vector_store %arg8[%swap3A_344, %swap3A_345], %gather3A_263 {strides = array<i32>} : memref<32x768xf32, #tpu.memory_space<vmem>>, vector<16xf32>,
      %swap3A_347 = arith.constant 6 : i32
      %swap3A_348 = arith.index_cast %swap3A_347 : i32 to index
      %swap3A_349 = arith.index_cast %multiple_of3A : i32 to index
      %swap3A_350 = tpu.vector_load %arg8[%swap3A_348, %swap3A_349] {strides = array<i32>} : memref<32x768xf32, #tpu.memory_space<vmem>>, vector<16xf32>,
      tpu.vector_store %arg8[%swap3A_348, %swap3A_349], %gather3A_269 {strides = array<i32>} : memref<32x768xf32, #tpu.memory_space<vmem>>, vector<16xf32>,
      %swap3A_351 = arith.constant 7 : i32
      %swap3A_352 = arith.index_cast %swap3A_351 : i32 to index
      %swap3A_353 = arith.index_cast %multiple_of3A : i32 to index
      %swap3A_354 = tpu.vector_load %arg8[%swap3A_352, %swap3A_353] {strides = array<i32>} : memref<32x768xf32, #tpu.memory_space<vmem>>, vector<16xf32>,
      tpu.vector_store %arg8[%swap3A_352, %swap3A_353], %gather3A_275 {strides = array<i32>} : memref<32x768xf32, #tpu.memory_space<vmem>>, vector<16xf32>,
      %broadcast_in_dim3A_355 = arith.constant 0 : i32
      %broadcast_in_dim3A_356 = vector.broadcast %broadcast_in_dim3A_355 : i32 to vector<16xi32>
      %add3A_357 = arith.constant 16 : i32
      %add3A_358 = vector.broadcast %add3A_357 : i32 to vector<16xi32>
      %add3A_359 = arith.addi %broadcast_in_dim3A_356, %add3A_358 : vector<16xi32>
      %gather3A_360 = tpu.vector_load_idx %arg6[%add3A_359, %get3A_229] : memref<32x768xf32, #tpu.memory_space<vmem>>[vector<16xi32>, vector<16xi32>], vector<16xf32>,
      %broadcast_in_dim3A_361 = arith.constant 0 : i32
      %broadcast_in_dim3A_362 = vector.broadcast %broadcast_in_dim3A_361 : i32 to vector<16xi32>
      %add3A_363 = arith.constant 17 : i32
      %add3A_364 = vector.broadcast %add3A_363 : i32 to vector<16xi32>
      %add3A_365 = arith.addi %broadcast_in_dim3A_362, %add3A_364 : vector<16xi32>
      %gather3A_366 = tpu.vector_load_idx %arg6[%add3A_365, %get3A_229] : memref<32x768xf32, #tpu.memory_space<vmem>>[vector<16xi32>, vector<16xi32>], vector<16xf32>,
      %broadcast_in_dim3A_367 = arith.constant 0 : i32
      %broadcast_in_dim3A_368 = vector.broadcast %broadcast_in_dim3A_367 : i32 to vector<16xi32>
      %add3A_369 = arith.constant 18 : i32
      %add3A_370 = vector.broadcast %add3A_369 : i32 to vector<16xi32>
      %add3A_371 = arith.addi %broadcast_in_dim3A_368, %add3A_370 : vector<16xi32>
      %gather3A_372 = tpu.vector_load_idx %arg6[%add3A_371, %get3A_229] : memref<32x768xf32, #tpu.memory_space<vmem>>[vector<16xi32>, vector<16xi32>], vector<16xf32>,
      %broadcast_in_dim3A_373 = arith.constant 0 : i32
      %broadcast_in_dim3A_374 = vector.broadcast %broadcast_in_dim3A_373 : i32 to vector<16xi32>
      %add3A_375 = arith.constant 19 : i32
      %add3A_376 = vector.broadcast %add3A_375 : i32 to vector<16xi32>
      %add3A_377 = arith.addi %broadcast_in_dim3A_374, %add3A_376 : vector<16xi32>
      %gather3A_378 = tpu.vector_load_idx %arg6[%add3A_377, %get3A_229] : memref<32x768xf32, #tpu.memory_space<vmem>>[vector<16xi32>, vector<16xi32>], vector<16xf32>,
      %swap3A_379 = arith.constant 8 : i32
      %swap3A_380 = arith.index_cast %swap3A_379 : i32 to index
      %swap3A_381 = arith.index_cast %multiple_of3A : i32 to index
      %swap3A_382 = tpu.vector_load %arg8[%swap3A_380, %swap3A_381] {strides = array<i32>} : memref<32x768xf32, #tpu.memory_space<vmem>>, vector<16xf32>,
      tpu.vector_store %arg8[%swap3A_380, %swap3A_381], %gather3A_281 {strides = array<i32>} : memref<32x768xf32, #tpu.memory_space<vmem>>, vector<16xf32>,
      %swap3A_383 = arith.constant 9 : i32
      %swap3A_384 = arith.index_cast %swap3A_383 : i32 to index
      %swap3A_385 = arith.index_cast %multiple_of3A : i32 to index
      %swap3A_386 = tpu.vector_load %arg8[%swap3A_384, %swap3A_385] {strides = array<i32>} : memref<32x768xf32, #tpu.memory_space<vmem>>, vector<16xf32>,
      tpu.vector_store %arg8[%swap3A_384, %swap3A_385], %gather3A_287 {strides = array<i32>} : memref<32x768xf32, #tpu.memory_space<vmem>>, vector<16xf32>,
      %swap3A_387 = arith.constant 10 : i32
      %swap3A_388 = arith.index_cast %swap3A_387 : i32 to index
      %swap3A_389 = arith.index_cast %multiple_of3A : i32 to index
      %swap3A_390 = tpu.vector_load %arg8[%swap3A_388, %swap3A_389] {strides = array<i32>} : memref<32x768xf32, #tpu.memory_space<vmem>>, vector<16xf32>,
      tpu.vector_store %arg8[%swap3A_388, %swap3A_389], %gather3A_293 {strides = array<i32>} : memref<32x768xf32, #tpu.memory_space<vmem>>, vector<16xf32>,
      %swap3A_391 = arith.constant 11 : i32
      %swap3A_392 = arith.index_cast %swap3A_391 : i32 to index
      %swap3A_393 = arith.index_cast %multiple_of3A : i32 to index
      %swap3A_394 = tpu.vector_load %arg8[%swap3A_392, %swap3A_393] {strides = array<i32>} : memref<32x768xf32, #tpu.memory_space<vmem>>, vector<16xf32>,
      tpu.vector_store %arg8[%swap3A_392, %swap3A_393], %gather3A_299 {strides = array<i32>} : memref<32x768xf32, #tpu.memory_space<vmem>>, vector<16xf32>,
      %broadcast_in_dim3A_395 = arith.constant 0 : i32
      %broadcast_in_dim3A_396 = vector.broadcast %broadcast_in_dim3A_395 : i32 to vector<16xi32>
      %add3A_397 = arith.constant 20 : i32
      %add3A_398 = vector.broadcast %add3A_397 : i32 to vector<16xi32>
      %add3A_399 = arith.addi %broadcast_in_dim3A_396, %add3A_398 : vector<16xi32>
      %gather3A_400 = tpu.vector_load_idx %arg6[%add3A_399, %get3A_229] : memref<32x768xf32, #tpu.memory_space<vmem>>[vector<16xi32>, vector<16xi32>], vector<16xf32>,
      %broadcast_in_dim3A_401 = arith.constant 0 : i32
      %broadcast_in_dim3A_402 = vector.broadcast %broadcast_in_dim3A_401 : i32 to vector<16xi32>
      %add3A_403 = arith.constant 21 : i32
      %add3A_404 = vector.broadcast %add3A_403 : i32 to vector<16xi32>
      %add3A_405 = arith.addi %broadcast_in_dim3A_402, %add3A_404 : vector<16xi32>
      %gather3A_406 = tpu.vector_load_idx %arg6[%add3A_405, %get3A_229] : memref<32x768xf32, #tpu.memory_space<vmem>>[vector<16xi32>, vector<16xi32>], vector<16xf32>,
      %broadcast_in_dim3A_407 = arith.constant 0 : i32
      %broadcast_in_dim3A_408 = vector.broadcast %broadcast_in_dim3A_407 : i32 to vector<16xi32>
      %add3A_409 = arith.constant 22 : i32
      %add3A_410 = vector.broadcast %add3A_409 : i32 to vector<16xi32>
      %add3A_411 = arith.addi %broadcast_in_dim3A_408, %add3A_410 : vector<16xi32>
      %gather3A_412 = tpu.vector_load_idx %arg6[%add3A_411, %get3A_229] : memref<32x768xf32, #tpu.memory_space<vmem>>[vector<16xi32>, vector<16xi32>], vector<16xf32>,
      %broadcast_in_dim3A_413 = arith.constant 0 : i32
      %broadcast_in_dim3A_414 = vector.broadcast %broadcast_in_dim3A_413 : i32 to vector<16xi32>
      %add3A_415 = arith.constant 23 : i32
      %add3A_416 = vector.broadcast %add3A_415 : i32 to vector<16xi32>
      %add3A_417 = arith.addi %broadcast_in_dim3A_414, %add3A_416 : vector<16xi32>
      %gather3A_418 = tpu.vector_load_idx %arg6[%add3A_417, %get3A_229] : memref<32x768xf32, #tpu.memory_space<vmem>>[vector<16xi32>, vector<16xi32>], vector<16xf32>,
      %swap3A_419 = arith.constant 12 : i32
      %swap3A_420 = arith.index_cast %swap3A_419 : i32 to index
      %swap3A_421 = arith.index_cast %multiple_of3A : i32 to index
      %swap3A_422 = tpu.vector_load %arg8[%swap3A_420, %swap3A_421] {strides = array<i32>} : memref<32x768xf32, #tpu.memory_space<vmem>>, vector<16xf32>,
      tpu.vector_store %arg8[%swap3A_420, %swap3A_421], %gather3A_320 {strides = array<i32>} : memref<32x768xf32, #tpu.memory_space<vmem>>, vector<16xf32>,
      %swap3A_423 = arith.constant 13 : i32
      %swap3A_424 = arith.index_cast %swap3A_423 : i32 to index
      %swap3A_425 = arith.index_cast %multiple_of3A : i32 to index
      %swap3A_426 = tpu.vector_load %arg8[%swap3A_424, %swap3A_425] {strides = array<i32>} : memref<32x768xf32, #tpu.memory_space<vmem>>, vector<16xf32>,
      tpu.vector_store %arg8[%swap3A_424, %swap3A_425], %gather3A_326 {strides = array<i32>} : memref<32x768xf32, #tpu.memory_space<vmem>>, vector<16xf32>,
      %swap3A_427 = arith.constant 14 : i32
      %swap3A_428 = arith.index_cast %swap3A_427 : i32 to index
      %swap3A_429 = arith.index_cast %multiple_of3A : i32 to index
      %swap3A_430 = tpu.vector_load %arg8[%swap3A_428, %swap3A_429] {strides = array<i32>} : memref<32x768xf32, #tpu.memory_space<vmem>>, vector<16xf32>,
      tpu.vector_store %arg8[%swap3A_428, %swap3A_429], %gather3A_332 {strides = array<i32>} : memref<32x768xf32, #tpu.memory_space<vmem>>, vector<16xf32>,
      %swap3A_431 = arith.constant 15 : i32
      %swap3A_432 = arith.index_cast %swap3A_431 : i32 to index
      %swap3A_433 = arith.index_cast %multiple_of3A : i32 to index
      %swap3A_434 = tpu.vector_load %arg8[%swap3A_432, %swap3A_433] {strides = array<i32>} : memref<32x768xf32, #tpu.memory_space<vmem>>, vector<16xf32>,
      tpu.vector_store %arg8[%swap3A_432, %swap3A_433], %gather3A_338 {strides = array<i32>} : memref<32x768xf32, #tpu.memory_space<vmem>>, vector<16xf32>,
      %broadcast_in_dim3A_435 = arith.constant 0 : i32
      %broadcast_in_dim3A_436 = vector.broadcast %broadcast_in_dim3A_435 : i32 to vector<16xi32>
      %add3A_437 = arith.constant 24 : i32
      %add3A_438 = vector.broadcast %add3A_437 : i32 to vector<16xi32>
      %add3A_439 = arith.addi %broadcast_in_dim3A_436, %add3A_438 : vector<16xi32>
      %gather3A_440 = tpu.vector_load_idx %arg6[%add3A_439, %get3A_229] : memref<32x768xf32, #tpu.memory_space<vmem>>[vector<16xi32>, vector<16xi32>], vector<16xf32>,
      %broadcast_in_dim3A_441 = arith.constant 0 : i32
      %broadcast_in_dim3A_442 = vector.broadcast %broadcast_in_dim3A_441 : i32 to vector<16xi32>
      %add3A_443 = arith.constant 25 : i32
      %add3A_444 = vector.broadcast %add3A_443 : i32 to vector<16xi32>
      %add3A_445 = arith.addi %broadcast_in_dim3A_442, %add3A_444 : vector<16xi32>
      %gather3A_446 = tpu.vector_load_idx %arg6[%add3A_445, %get3A_229] : memref<32x768xf32, #tpu.memory_space<vmem>>[vector<16xi32>, vector<16xi32>], vector<16xf32>,
      %broadcast_in_dim3A_447 = arith.constant 0 : i32
      %broadcast_in_dim3A_448 = vector.broadcast %broadcast_in_dim3A_447 : i32 to vector<16xi32>
      %add3A_449 = arith.constant 26 : i32
      %add3A_450 = vector.broadcast %add3A_449 : i32 to vector<16xi32>
      %add3A_451 = arith.addi %broadcast_in_dim3A_448, %add3A_450 : vector<16xi32>
      %gather3A_452 = tpu.vector_load_idx %arg6[%add3A_451, %get3A_229] : memref<32x768xf32, #tpu.memory_space<vmem>>[vector<16xi32>, vector<16xi32>], vector<16xf32>,
      %broadcast_in_dim3A_453 = arith.constant 0 : i32
      %broadcast_in_dim3A_454 = vector.broadcast %broadcast_in_dim3A_453 : i32 to vector<16xi32>
      %add3A_455 = arith.constant 27 : i32
      %add3A_456 = vector.broadcast %add3A_455 : i32 to vector<16xi32>
      %add3A_457 = arith.addi %broadcast_in_dim3A_454, %add3A_456 : vector<16xi32>
      %gather3A_458 = tpu.vector_load_idx %arg6[%add3A_457, %get3A_229] : memref<32x768xf32, #tpu.memory_space<vmem>>[vector<16xi32>, vector<16xi32>], vector<16xf32>,
      %swap3A_459 = arith.constant 16 : i32
      %swap3A_460 = arith.index_cast %swap3A_459 : i32 to index
      %swap3A_461 = arith.index_cast %multiple_of3A : i32 to index
      %swap3A_462 = tpu.vector_load %arg8[%swap3A_460, %swap3A_461] {strides = array<i32>} : memref<32x768xf32, #tpu.memory_space<vmem>>, vector<16xf32>,
      tpu.vector_store %arg8[%swap3A_460, %swap3A_461], %gather3A_360 {strides = array<i32>} : memref<32x768xf32, #tpu.memory_space<vmem>>, vector<16xf32>,
      %swap3A_463 = arith.constant 17 : i32
      %swap3A_464 = arith.index_cast %swap3A_463 : i32 to index
      %swap3A_465 = arith.index_cast %multiple_of3A : i32 to index
      %swap3A_466 = tpu.vector_load %arg8[%swap3A_464, %swap3A_465] {strides = array<i32>} : memref<32x768xf32, #tpu.memory_space<vmem>>, vector<16xf32>,
      tpu.vector_store %arg8[%swap3A_464, %swap3A_465], %gather3A_366 {strides = array<i32>} : memref<32x768xf32, #tpu.memory_space<vmem>>, vector<16xf32>,
      %swap3A_467 = arith.constant 18 : i32
      %swap3A_468 = arith.index_cast %swap3A_467 : i32 to index
      %swap3A_469 = arith.index_cast %multiple_of3A : i32 to index
      %swap3A_470 = tpu.vector_load %arg8[%swap3A_468, %swap3A_469] {strides = array<i32>} : memref<32x768xf32, #tpu.memory_space<vmem>>, vector<16xf32>,
      tpu.vector_store %arg8[%swap3A_468, %swap3A_469], %gather3A_372 {strides = array<i32>} : memref<32x768xf32, #tpu.memory_space<vmem>>, vector<16xf32>,
      %swap3A_471 = arith.constant 19 : i32
      %swap3A_472 = arith.index_cast %swap3A_471 : i32 to index
      %swap3A_473 = arith.index_cast %multiple_of3A : i32 to index
      %swap3A_474 = tpu.vector_load %arg8[%swap3A_472, %swap3A_473] {strides = array<i32>} : memref<32x768xf32, #tpu.memory_space<vmem>>, vector<16xf32>,
      tpu.vector_store %arg8[%swap3A_472, %swap3A_473], %gather3A_378 {strides = array<i32>} : memref<32x768xf32, #tpu.memory_space<vmem>>, vector<16xf32>,
      %broadcast_in_dim3A_475 = arith.constant 0 : i32
      %broadcast_in_dim3A_476 = vector.broadcast %broadcast_in_dim3A_475 : i32 to vector<16xi32>
      %add3A_477 = arith.constant 28 : i32
      %add3A_478 = vector.broadcast %add3A_477 : i32 to vector<16xi32>
      %add3A_479 = arith.addi %broadcast_in_dim3A_476, %add3A_478 : vector<16xi32>
      %gather3A_480 = tpu.vector_load_idx %arg6[%add3A_479, %get3A_229] : memref<32x768xf32, #tpu.memory_space<vmem>>[vector<16xi32>, vector<16xi32>], vector<16xf32>,
      %broadcast_in_dim3A_481 = arith.constant 0 : i32
      %broadcast_in_dim3A_482 = vector.broadcast %broadcast_in_dim3A_481 : i32 to vector<16xi32>
      %add3A_483 = arith.constant 29 : i32
      %add3A_484 = vector.broadcast %add3A_483 : i32 to vector<16xi32>
      %add3A_485 = arith.addi %broadcast_in_dim3A_482, %add3A_484 : vector<16xi32>
      %gather3A_486 = tpu.vector_load_idx %arg6[%add3A_485, %get3A_229] : memref<32x768xf32, #tpu.memory_space<vmem>>[vector<16xi32>, vector<16xi32>], vector<16xf32>,
      %broadcast_in_dim3A_487 = arith.constant 0 : i32
      %broadcast_in_dim3A_488 = vector.broadcast %broadcast_in_dim3A_487 : i32 to vector<16xi32>
      %add3A_489 = arith.constant 30 : i32
      %add3A_490 = vector.broadcast %add3A_489 : i32 to vector<16xi32>
      %add3A_491 = arith.addi %broadcast_in_dim3A_488, %add3A_490 : vector<16xi32>
      %gather3A_492 = tpu.vector_load_idx %arg6[%add3A_491, %get3A_229] : memref<32x768xf32, #tpu.memory_space<vmem>>[vector<16xi32>, vector<16xi32>], vector<16xf32>,
      %broadcast_in_dim3A_493 = arith.constant 0 : i32
      %broadcast_in_dim3A_494 = vector.broadcast %broadcast_in_dim3A_493 : i32 to vector<16xi32>
      %add3A_495 = arith.constant 31 : i32
      %add3A_496 = vector.broadcast %add3A_495 : i32 to vector<16xi32>
      %add3A_497 = arith.addi %broadcast_in_dim3A_494, %add3A_496 : vector<16xi32>
      %gather3A_498 = tpu.vector_load_idx %arg6[%add3A_497, %get3A_229] : memref<32x768xf32, #tpu.memory_space<vmem>>[vector<16xi32>, vector<16xi32>], vector<16xf32>,
      %swap3A_499 = arith.constant 20 : i32
      %swap3A_500 = arith.index_cast %swap3A_499 : i32 to index
      %swap3A_501 = arith.index_cast %multiple_of3A : i32 to index
      %swap3A_502 = tpu.vector_load %arg8[%swap3A_500, %swap3A_501] {strides = array<i32>} : memref<32x768xf32, #tpu.memory_space<vmem>>, vector<16xf32>,
      tpu.vector_store %arg8[%swap3A_500, %swap3A_501], %gather3A_400 {strides = array<i32>} : memref<32x768xf32, #tpu.memory_space<vmem>>, vector<16xf32>,
      %swap3A_503 = arith.constant 21 : i32
      %swap3A_504 = arith.index_cast %swap3A_503 : i32 to index
      %swap3A_505 = arith.index_cast %multiple_of3A : i32 to index
      %swap3A_506 = tpu.vector_load %arg8[%swap3A_504, %swap3A_505] {strides = array<i32>} : memref<32x768xf32, #tpu.memory_space<vmem>>, vector<16xf32>,
      tpu.vector_store %arg8[%swap3A_504, %swap3A_505], %gather3A_406 {strides = array<i32>} : memref<32x768xf32, #tpu.memory_space<vmem>>, vector<16xf32>,
      %swap3A_507 = arith.constant 22 : i32
      %swap3A_508 = arith.index_cast %swap3A_507 : i32 to index
      %swap3A_509 = arith.index_cast %multiple_of3A : i32 to index
      %swap3A_510 = tpu.vector_load %arg8[%swap3A_508, %swap3A_509] {strides = array<i32>} : memref<32x768xf32, #tpu.memory_space<vmem>>, vector<16xf32>,
      tpu.vector_store %arg8[%swap3A_508, %swap3A_509], %gather3A_412 {strides = array<i32>} : memref<32x768xf32, #tpu.memory_space<vmem>>, vector<16xf32>,
      %swap3A_511 = arith.constant 23 : i32
      %swap3A_512 = arith.index_cast %swap3A_511 : i32 to index
      %swap3A_513 = arith.index_cast %multiple_of3A : i32 to index
      %swap3A_514 = tpu.vector_load %arg8[%swap3A_512, %swap3A_513] {strides = array<i32>} : memref<32x768xf32, #tpu.memory_space<vmem>>, vector<16xf32>,
      tpu.vector_store %arg8[%swap3A_512, %swap3A_513], %gather3A_418 {strides = array<i32>} : memref<32x768xf32, #tpu.memory_space<vmem>>, vector<16xf32>,
      %swap3A_515 = arith.constant 24 : i32
      %swap3A_516 = arith.index_cast %swap3A_515 : i32 to index
      %swap3A_517 = arith.index_cast %multiple_of3A : i32 to index
      %swap3A_518 = tpu.vector_load %arg8[%swap3A_516, %swap3A_517] {strides = array<i32>} : memref<32x768xf32, #tpu.memory_space<vmem>>, vector<16xf32>,
      tpu.vector_store %arg8[%swap3A_516, %swap3A_517], %gather3A_440 {strides = array<i32>} : memref<32x768xf32, #tpu.memory_space<vmem>>, vector<16xf32>,
      %swap3A_519 = arith.constant 25 : i32
      %swap3A_520 = arith.index_cast %swap3A_519 : i32 to index
      %swap3A_521 = arith.index_cast %multiple_of3A : i32 to index
      %swap3A_522 = tpu.vector_load %arg8[%swap3A_520, %swap3A_521] {strides = array<i32>} : memref<32x768xf32, #tpu.memory_space<vmem>>, vector<16xf32>,
      tpu.vector_store %arg8[%swap3A_520, %swap3A_521], %gather3A_446 {strides = array<i32>} : memref<32x768xf32, #tpu.memory_space<vmem>>, vector<16xf32>,
      %swap3A_523 = arith.constant 26 : i32
      %swap3A_524 = arith.index_cast %swap3A_523 : i32 to index
      %swap3A_525 = arith.index_cast %multiple_of3A : i32 to index
      %swap3A_526 = tpu.vector_load %arg8[%swap3A_524, %swap3A_525] {strides = array<i32>} : memref<32x768xf32, #tpu.memory_space<vmem>>, vector<16xf32>,
      tpu.vector_store %arg8[%swap3A_524, %swap3A_525], %gather3A_452 {strides = array<i32>} : memref<32x768xf32, #tpu.memory_space<vmem>>, vector<16xf32>,
      %swap3A_527 = arith.constant 27 : i32
      %swap3A_528 = arith.index_cast %swap3A_527 : i32 to index
      %swap3A_529 = arith.index_cast %multiple_of3A : i32 to index
      %swap3A_530 = tpu.vector_load %arg8[%swap3A_528, %swap3A_529] {strides = array<i32>} : memref<32x768xf32, #tpu.memory_space<vmem>>, vector<16xf32>,
      tpu.vector_store %arg8[%swap3A_528, %swap3A_529], %gather3A_458 {strides = array<i32>} : memref<32x768xf32, #tpu.memory_space<vmem>>, vector<16xf32>,
      %swap3A_531 = arith.constant 28 : i32
      %swap3A_532 = arith.index_cast %swap3A_531 : i32 to index
      %swap3A_533 = arith.index_cast %multiple_of3A : i32 to index
      %swap3A_534 = tpu.vector_load %arg8[%swap3A_532, %swap3A_533] {strides = array<i32>} : memref<32x768xf32, #tpu.memory_space<vmem>>, vector<16xf32>,
      tpu.vector_store %arg8[%swap3A_532, %swap3A_533], %gather3A_480 {strides = array<i32>} : memref<32x768xf32, #tpu.memory_space<vmem>>, vector<16xf32>,
      %swap3A_535 = arith.constant 29 : i32
      %swap3A_536 = arith.index_cast %swap3A_535 : i32 to index
      %swap3A_537 = arith.index_cast %multiple_of3A : i32 to index
      %swap3A_538 = tpu.vector_load %arg8[%swap3A_536, %swap3A_537] {strides = array<i32>} : memref<32x768xf32, #tpu.memory_space<vmem>>, vector<16xf32>,
      tpu.vector_store %arg8[%swap3A_536, %swap3A_537], %gather3A_486 {strides = array<i32>} : memref<32x768xf32, #tpu.memory_space<vmem>>, vector<16xf32>,
      %swap3A_539 = arith.constant 30 : i32
      %swap3A_540 = arith.index_cast %swap3A_539 : i32 to index
      %swap3A_541 = arith.index_cast %multiple_of3A : i32 to index
      %swap3A_542 = tpu.vector_load %arg8[%swap3A_540, %swap3A_541] {strides = array<i32>} : memref<32x768xf32, #tpu.memory_space<vmem>>, vector<16xf32>,
      tpu.vector_store %arg8[%swap3A_540, %swap3A_541], %gather3A_492 {strides = array<i32>} : memref<32x768xf32, #tpu.memory_space<vmem>>, vector<16xf32>,
      %swap3A_543 = arith.constant 31 : i32
      %swap3A_544 = arith.index_cast %swap3A_543 : i32 to index
      %swap3A_545 = arith.index_cast %multiple_of3A : i32 to index
      %swap3A_546 = tpu.vector_load %arg8[%swap3A_544, %swap3A_545] {strides = array<i32>} : memref<32x768xf32, #tpu.memory_space<vmem>>, vector<16xf32>,
      tpu.vector_store %arg8[%swap3A_544, %swap3A_545], %gather3A_498 {strides = array<i32>} : memref<32x768xf32, #tpu.memory_space<vmem>>, vector<16xf32>,
    }
    %scan3A_34 = arith.constant 48 : i32
    %add3A_35 = arith.constant 0 : i32
    %add3A_36 = arith.addi %mul3A_2, %add3A_35 : i32
    %dma_start3A_37 = arith.constant 0 : i32
    %dma_start3A_38 = arith.constant 0 : i32
    %dma_start3A_39 = tpu.memref_slice %arg4[%add3A_36, %dma_start3A_37, %dma_start3A_38] : memref<1568x32x768xf32, #tpu.memory_space<hbm>> -> memref<1x32x768xf32, #tpu.memory_space<hbm>>
    %dma_start3A_40 = tpu.memref_squeeze %dma_start3A_39 : memref<1x32x768xf32, #tpu.memory_space<hbm>> -> memref<32x768xf32, #tpu.memory_space<hbm>>
    %dma_start3A_41 = arith.constant 0 : i32
    %dma_start3A_42 = arith.constant 0 : i32
    %dma_start3A_43 = tpu.memref_slice %arg4[%add3A_36, %dma_start3A_41, %dma_start3A_42] : memref<1568x32x768xf32, #tpu.memory_space<hbm>> -> memref<1x32x768xf32, #tpu.memory_space<hbm>>
    %dma_start3A_44 = tpu.memref_squeeze %dma_start3A_43 : memref<1x32x768xf32, #tpu.memory_space<hbm>> -> memref<32x768xf32, #tpu.memory_space<hbm>>
    tpu.enqueue_dma source(%arg8 : memref<32x768xf32, #tpu.memory_space<vmem>>) target(%dma_start3A_44 : memref<32x768xf32, #tpu.memory_space<hbm>>) target_semaphore(%arg12 : memref<!tpu.dma_semaphore, #tpu.memory_space<semaphore_mem>>)
    %add3A_45 = arith.constant 2 : i32
    %add3A_46 = arith.addi %mul3A_2, %add3A_45 : i32
    %dma_start3A_47 = arith.constant 0 : i32
    %dma_start3A_48 = arith.constant 0 : i32
    %dma_start3A_49 = tpu.memref_slice %arg2[%add3A_46, %dma_start3A_47, %dma_start3A_48] : memref<1568x32x768xf32, #tpu.memory_space<hbm>> -> memref<1x32x768xf32, #tpu.memory_space<hbm>>
    %dma_start3A_50 = tpu.memref_squeeze %dma_start3A_49 : memref<1x32x768xf32, #tpu.memory_space<hbm>> -> memref<32x768xf32, #tpu.memory_space<hbm>>
    %dma_start3A_51 = arith.constant 0 : i32
    %dma_start3A_52 = arith.constant 0 : i32
    %dma_start3A_53 = tpu.memref_slice %arg2[%add3A_46, %dma_start3A_51, %dma_start3A_52] : memref<1568x32x768xf32, #tpu.memory_space<hbm>> -> memref<1x32x768xf32, #tpu.memory_space<hbm>>
    %dma_start3A_54 = tpu.memref_squeeze %dma_start3A_53 : memref<1x32x768xf32, #tpu.memory_space<hbm>> -> memref<32x768xf32, #tpu.memory_space<hbm>>
    tpu.enqueue_dma source(%dma_start3A_54 : memref<32x768xf32, #tpu.memory_space<hbm>>) target(%arg6 : memref<32x768xf32, #tpu.memory_space<vmem>>) target_semaphore(%arg10 : memref<!tpu.dma_semaphore, #tpu.memory_space<semaphore_mem>>)
    %dma_wait3A_55 = arith.constant 0 : i32
    %dma_wait3A_56 = arith.constant 0 : i32
    %dma_wait3A_57 = arith.constant 0 : i32
    %dma_wait3A_58 = tpu.memref_slice %arg2[%dma_wait3A_55, %dma_wait3A_56, %dma_wait3A_57] : memref<1568x32x768xf32, #tpu.memory_space<hbm>> -> memref<1x32x768xf32, #tpu.memory_space<hbm>>
    %dma_wait3A_59 = tpu.memref_squeeze %dma_wait3A_58 : memref<1x32x768xf32, #tpu.memory_space<hbm>> -> memref<32x768xf32, #tpu.memory_space<hbm>>
    %dma_wait3A_60 = arith.constant 0 : i32
    %dma_wait3A_61 = arith.constant 0 : i32
    %dma_wait3A_62 = tpu.memref_slice %arg2[%dma_wait3A_55, %dma_wait3A_60, %dma_wait3A_61] : memref<1568x32x768xf32, #tpu.memory_space<hbm>> -> memref<1x32x768xf32, #tpu.memory_space<hbm>>
    %dma_wait3A_63 = tpu.memref_squeeze %dma_wait3A_62 : memref<1x32x768xf32, #tpu.memory_space<hbm>> -> memref<32x768xf32, #tpu.memory_space<hbm>>
    tpu.wait_dma2 semaphore(%arg11 : memref<!tpu.dma_semaphore, #tpu.memory_space<semaphore_mem>>) src(%dma_wait3A_63 : memref<32x768xf32, #tpu.memory_space<hbm>>) dst(%arg7 : memref<32x768xf32, #tpu.memory_space<vmem>>)
    %scan3A_64 = arith.constant 0 : i32
    %scan3A_65 = arith.constant 0 : i32
    %scan3A_66 = arith.constant 48 : i32
    %scan3A_67 = arith.addi %scan3A_65, %scan3A_66 : i32
    %scan3A_68 = arith.constant 1 : i32
    scf.for %scan3A_226 = %scan3A_65 to %scan3A_67 step %scan3A_68  : i32 {
      %mul3A_227 = arith.constant 16 : i32
      %mul3A_228 = arith.muli %scan3A_226, %mul3A_227 : i32
      %multiple_of3A = tpu.assume_multiple %mul3A_228, 16 : i32
      %get3A = arith.index_cast %multiple_of3A : i32 to index
      %get3A_229 = tpu.vector_load %arg5[%get3A] {strides = array<i32>} : memref<768xi32, #tpu.memory_space<vmem>>, vector<16xi32>,
      %broadcast_in_dim3A = arith.constant 0 : i32
      %broadcast_in_dim3A_230 = vector.broadcast %broadcast_in_dim3A : i32 to vector<16xi32>
      %add3A_231 = arith.constant 0 : i32
      %add3A_232 = vector.broadcast %add3A_231 : i32 to vector<16xi32>
      %add3A_233 = arith.addi %broadcast_in_dim3A_230, %add3A_232 : vector<16xi32>
      %gather3A = tpu.vector_load_idx %arg7[%add3A_233, %get3A_229] : memref<32x768xf32, #tpu.memory_space<vmem>>[vector<16xi32>, vector<16xi32>], vector<16xf32>,
      %broadcast_in_dim3A_234 = arith.constant 0 : i32
      %broadcast_in_dim3A_235 = vector.broadcast %broadcast_in_dim3A_234 : i32 to vector<16xi32>
      %add3A_236 = arith.constant 1 : i32
      %add3A_237 = vector.broadcast %add3A_236 : i32 to vector<16xi32>
      %add3A_238 = arith.addi %broadcast_in_dim3A_235, %add3A_237 : vector<16xi32>
      %gather3A_239 = tpu.vector_load_idx %arg7[%add3A_238, %get3A_229] : memref<32x768xf32, #tpu.memory_space<vmem>>[vector<16xi32>, vector<16xi32>], vector<16xf32>,
      %broadcast_in_dim3A_240 = arith.constant 0 : i32
      %broadcast_in_dim3A_241 = vector.broadcast %broadcast_in_dim3A_240 : i32 to vector<16xi32>
      %add3A_242 = arith.constant 2 : i32
      %add3A_243 = vector.broadcast %add3A_242 : i32 to vector<16xi32>
      %add3A_244 = arith.addi %broadcast_in_dim3A_241, %add3A_243 : vector<16xi32>
      %gather3A_245 = tpu.vector_load_idx %arg7[%add3A_244, %get3A_229] : memref<32x768xf32, #tpu.memory_space<vmem>>[vector<16xi32>, vector<16xi32>], vector<16xf32>,
      %broadcast_in_dim3A_246 = arith.constant 0 : i32
      %broadcast_in_dim3A_247 = vector.broadcast %broadcast_in_dim3A_246 : i32 to vector<16xi32>
      %add3A_248 = arith.constant 3 : i32
      %add3A_249 = vector.broadcast %add3A_248 : i32 to vector<16xi32>
      %add3A_250 = arith.addi %broadcast_in_dim3A_247, %add3A_249 : vector<16xi32>
      %gather3A_251 = tpu.vector_load_idx %arg7[%add3A_250, %get3A_229] : memref<32x768xf32, #tpu.memory_space<vmem>>[vector<16xi32>, vector<16xi32>], vector<16xf32>,
      %broadcast_in_dim3A_252 = arith.constant 0 : i32
      %broadcast_in_dim3A_253 = vector.broadcast %broadcast_in_dim3A_252 : i32 to vector<16xi32>
      %add3A_254 = arith.constant 4 : i32
      %add3A_255 = vector.broadcast %add3A_254 : i32 to vector<16xi32>
      %add3A_256 = arith.addi %broadcast_in_dim3A_253, %add3A_255 : vector<16xi32>
      %gather3A_257 = tpu.vector_load_idx %arg7[%add3A_256, %get3A_229] : memref<32x768xf32, #tpu.memory_space<vmem>>[vector<16xi32>, vector<16xi32>], vector<16xf32>,
      %broadcast_in_dim3A_258 = arith.constant 0 : i32
      %broadcast_in_dim3A_259 = vector.broadcast %broadcast_in_dim3A_258 : i32 to vector<16xi32>
      %add3A_260 = arith.constant 5 : i32
      %add3A_261 = vector.broadcast %add3A_260 : i32 to vector<16xi32>
      %add3A_262 = arith.addi %broadcast_in_dim3A_259, %add3A_261 : vector<16xi32>
      %gather3A_263 = tpu.vector_load_idx %arg7[%add3A_262, %get3A_229] : memref<32x768xf32, #tpu.memory_space<vmem>>[vector<16xi32>, vector<16xi32>], vector<16xf32>,
      %broadcast_in_dim3A_264 = arith.constant 0 : i32
      %broadcast_in_dim3A_265 = vector.broadcast %broadcast_in_dim3A_264 : i32 to vector<16xi32>
      %add3A_266 = arith.constant 6 : i32
      %add3A_267 = vector.broadcast %add3A_266 : i32 to vector<16xi32>
      %add3A_268 = arith.addi %broadcast_in_dim3A_265, %add3A_267 : vector<16xi32>
      %gather3A_269 = tpu.vector_load_idx %arg7[%add3A_268, %get3A_229] : memref<32x768xf32, #tpu.memory_space<vmem>>[vector<16xi32>, vector<16xi32>], vector<16xf32>,
      %broadcast_in_dim3A_270 = arith.constant 0 : i32
      %broadcast_in_dim3A_271 = vector.broadcast %broadcast_in_dim3A_270 : i32 to vector<16xi32>
      %add3A_272 = arith.constant 7 : i32
      %add3A_273 = vector.broadcast %add3A_272 : i32 to vector<16xi32>
      %add3A_274 = arith.addi %broadcast_in_dim3A_271, %add3A_273 : vector<16xi32>
      %gather3A_275 = tpu.vector_load_idx %arg7[%add3A_274, %get3A_229] : memref<32x768xf32, #tpu.memory_space<vmem>>[vector<16xi32>, vector<16xi32>], vector<16xf32>,
      %broadcast_in_dim3A_276 = arith.constant 0 : i32
      %broadcast_in_dim3A_277 = vector.broadcast %broadcast_in_dim3A_276 : i32 to vector<16xi32>
      %add3A_278 = arith.constant 8 : i32
      %add3A_279 = vector.broadcast %add3A_278 : i32 to vector<16xi32>
      %add3A_280 = arith.addi %broadcast_in_dim3A_277, %add3A_279 : vector<16xi32>
      %gather3A_281 = tpu.vector_load_idx %arg7[%add3A_280, %get3A_229] : memref<32x768xf32, #tpu.memory_space<vmem>>[vector<16xi32>, vector<16xi32>], vector<16xf32>,
      %broadcast_in_dim3A_282 = arith.constant 0 : i32
      %broadcast_in_dim3A_283 = vector.broadcast %broadcast_in_dim3A_282 : i32 to vector<16xi32>
      %add3A_284 = arith.constant 9 : i32
      %add3A_285 = vector.broadcast %add3A_284 : i32 to vector<16xi32>
      %add3A_286 = arith.addi %broadcast_in_dim3A_283, %add3A_285 : vector<16xi32>
      %gather3A_287 = tpu.vector_load_idx %arg7[%add3A_286, %get3A_229] : memref<32x768xf32, #tpu.memory_space<vmem>>[vector<16xi32>, vector<16xi32>], vector<16xf32>,
      %broadcast_in_dim3A_288 = arith.constant 0 : i32
      %broadcast_in_dim3A_289 = vector.broadcast %broadcast_in_dim3A_288 : i32 to vector<16xi32>
      %add3A_290 = arith.constant 10 : i32
      %add3A_291 = vector.broadcast %add3A_290 : i32 to vector<16xi32>
      %add3A_292 = arith.addi %broadcast_in_dim3A_289, %add3A_291 : vector<16xi32>
      %gather3A_293 = tpu.vector_load_idx %arg7[%add3A_292, %get3A_229] : memref<32x768xf32, #tpu.memory_space<vmem>>[vector<16xi32>, vector<16xi32>], vector<16xf32>,
      %broadcast_in_dim3A_294 = arith.constant 0 : i32
      %broadcast_in_dim3A_295 = vector.broadcast %broadcast_in_dim3A_294 : i32 to vector<16xi32>
      %add3A_296 = arith.constant 11 : i32
      %add3A_297 = vector.broadcast %add3A_296 : i32 to vector<16xi32>
      %add3A_298 = arith.addi %broadcast_in_dim3A_295, %add3A_297 : vector<16xi32>
      %gather3A_299 = tpu.vector_load_idx %arg7[%add3A_298, %get3A_229] : memref<32x768xf32, #tpu.memory_space<vmem>>[vector<16xi32>, vector<16xi32>], vector<16xf32>,
      %swap3A = arith.constant 0 : i32
      %swap3A_300 = arith.index_cast %swap3A : i32 to index
      %swap3A_301 = arith.index_cast %multiple_of3A : i32 to index
      %swap3A_302 = tpu.vector_load %arg9[%swap3A_300, %swap3A_301] {strides = array<i32>} : memref<32x768xf32, #tpu.memory_space<vmem>>, vector<16xf32>,
      tpu.vector_store %arg9[%swap3A_300, %swap3A_301], %gather3A {strides = array<i32>} : memref<32x768xf32, #tpu.memory_space<vmem>>, vector<16xf32>,
      %swap3A_303 = arith.constant 1 : i32
      %swap3A_304 = arith.index_cast %swap3A_303 : i32 to index
      %swap3A_305 = arith.index_cast %multiple_of3A : i32 to index
      %swap3A_306 = tpu.vector_load %arg9[%swap3A_304, %swap3A_305] {strides = array<i32>} : memref<32x768xf32, #tpu.memory_space<vmem>>, vector<16xf32>,
      tpu.vector_store %arg9[%swap3A_304, %swap3A_305], %gather3A_239 {strides = array<i32>} : memref<32x768xf32, #tpu.memory_space<vmem>>, vector<16xf32>,
      %swap3A_307 = arith.constant 2 : i32
      %swap3A_308 = arith.index_cast %swap3A_307 : i32 to index
      %swap3A_309 = arith.index_cast %multiple_of3A : i32 to index
      %swap3A_310 = tpu.vector_load %arg9[%swap3A_308, %swap3A_309] {strides = array<i32>} : memref<32x768xf32, #tpu.memory_space<vmem>>, vector<16xf32>,
      tpu.vector_store %arg9[%swap3A_308, %swap3A_309], %gather3A_245 {strides = array<i32>} : memref<32x768xf32, #tpu.memory_space<vmem>>, vector<16xf32>,
      %swap3A_311 = arith.constant 3 : i32
      %swap3A_312 = arith.index_cast %swap3A_311 : i32 to index
      %swap3A_313 = arith.index_cast %multiple_of3A : i32 to index
      %swap3A_314 = tpu.vector_load %arg9[%swap3A_312, %swap3A_313] {strides = array<i32>} : memref<32x768xf32, #tpu.memory_space<vmem>>, vector<16xf32>,
      tpu.vector_store %arg9[%swap3A_312, %swap3A_313], %gather3A_251 {strides = array<i32>} : memref<32x768xf32, #tpu.memory_space<vmem>>, vector<16xf32>,
      %broadcast_in_dim3A_315 = arith.constant 0 : i32
      %broadcast_in_dim3A_316 = vector.broadcast %broadcast_in_dim3A_315 : i32 to vector<16xi32>
      %add3A_317 = arith.constant 12 : i32
      %add3A_318 = vector.broadcast %add3A_317 : i32 to vector<16xi32>
      %add3A_319 = arith.addi %broadcast_in_dim3A_316, %add3A_318 : vector<16xi32>
      %gather3A_320 = tpu.vector_load_idx %arg7[%add3A_319, %get3A_229] : memref<32x768xf32, #tpu.memory_space<vmem>>[vector<16xi32>, vector<16xi32>], vector<16xf32>,
      %broadcast_in_dim3A_321 = arith.constant 0 : i32
      %broadcast_in_dim3A_322 = vector.broadcast %broadcast_in_dim3A_321 : i32 to vector<16xi32>
      %add3A_323 = arith.constant 13 : i32
      %add3A_324 = vector.broadcast %add3A_323 : i32 to vector<16xi32>
      %add3A_325 = arith.addi %broadcast_in_dim3A_322, %add3A_324 : vector<16xi32>
      %gather3A_326 = tpu.vector_load_idx %arg7[%add3A_325, %get3A_229] : memref<32x768xf32, #tpu.memory_space<vmem>>[vector<16xi32>, vector<16xi32>], vector<16xf32>,
      %broadcast_in_dim3A_327 = arith.constant 0 : i32
      %broadcast_in_dim3A_328 = vector.broadcast %broadcast_in_dim3A_327 : i32 to vector<16xi32>
      %add3A_329 = arith.constant 14 : i32
      %add3A_330 = vector.broadcast %add3A_329 : i32 to vector<16xi32>
      %add3A_331 = arith.addi %broadcast_in_dim3A_328, %add3A_330 : vector<16xi32>
      %gather3A_332 = tpu.vector_load_idx %arg7[%add3A_331, %get3A_229] : memref<32x768xf32, #tpu.memory_space<vmem>>[vector<16xi32>, vector<16xi32>], vector<16xf32>,
      %broadcast_in_dim3A_333 = arith.constant 0 : i32
      %broadcast_in_dim3A_334 = vector.broadcast %broadcast_in_dim3A_333 : i32 to vector<16xi32>
      %add3A_335 = arith.constant 15 : i32
      %add3A_336 = vector.broadcast %add3A_335 : i32 to vector<16xi32>
      %add3A_337 = arith.addi %broadcast_in_dim3A_334, %add3A_336 : vector<16xi32>
      %gather3A_338 = tpu.vector_load_idx %arg7[%add3A_337, %get3A_229] : memref<32x768xf32, #tpu.memory_space<vmem>>[vector<16xi32>, vector<16xi32>], vector<16xf32>,
      %swap3A_339 = arith.constant 4 : i32
      %swap3A_340 = arith.index_cast %swap3A_339 : i32 to index
      %swap3A_341 = arith.index_cast %multiple_of3A : i32 to index
      %swap3A_342 = tpu.vector_load %arg9[%swap3A_340, %swap3A_341] {strides = array<i32>} : memref<32x768xf32, #tpu.memory_space<vmem>>, vector<16xf32>,
      tpu.vector_store %arg9[%swap3A_340, %swap3A_341], %gather3A_257 {strides = array<i32>} : memref<32x768xf32, #tpu.memory_space<vmem>>, vector<16xf32>,
      %swap3A_343 = arith.constant 5 : i32
      %swap3A_344 = arith.index_cast %swap3A_343 : i32 to index
      %swap3A_345 = arith.index_cast %multiple_of3A : i32 to index
      %swap3A_346 = tpu.vector_load %arg9[%swap3A_344, %swap3A_345] {strides = array<i32>} : memref<32x768xf32, #tpu.memory_space<vmem>>, vector<16xf32>,
      tpu.vector_store %arg9[%swap3A_344, %swap3A_345], %gather3A_263 {strides = array<i32>} : memref<32x768xf32, #tpu.memory_space<vmem>>, vector<16xf32>,
      %swap3A_347 = arith.constant 6 : i32
      %swap3A_348 = arith.index_cast %swap3A_347 : i32 to index
      %swap3A_349 = arith.index_cast %multiple_of3A : i32 to index
      %swap3A_350 = tpu.vector_load %arg9[%swap3A_348, %swap3A_349] {strides = array<i32>} : memref<32x768xf32, #tpu.memory_space<vmem>>, vector<16xf32>,
      tpu.vector_store %arg9[%swap3A_348, %swap3A_349], %gather3A_269 {strides = array<i32>} : memref<32x768xf32, #tpu.memory_space<vmem>>, vector<16xf32>,
      %swap3A_351 = arith.constant 7 : i32
      %swap3A_352 = arith.index_cast %swap3A_351 : i32 to index
      %swap3A_353 = arith.index_cast %multiple_of3A : i32 to index
      %swap3A_354 = tpu.vector_load %arg9[%swap3A_352, %swap3A_353] {strides = array<i32>} : memref<32x768xf32, #tpu.memory_space<vmem>>, vector<16xf32>,
      tpu.vector_store %arg9[%swap3A_352, %swap3A_353], %gather3A_275 {strides = array<i32>} : memref<32x768xf32, #tpu.memory_space<vmem>>, vector<16xf32>,
      %broadcast_in_dim3A_355 = arith.constant 0 : i32
      %broadcast_in_dim3A_356 = vector.broadcast %broadcast_in_dim3A_355 : i32 to vector<16xi32>
      %add3A_357 = arith.constant 16 : i32
      %add3A_358 = vector.broadcast %add3A_357 : i32 to vector<16xi32>
      %add3A_359 = arith.addi %broadcast_in_dim3A_356, %add3A_358 : vector<16xi32>
      %gather3A_360 = tpu.vector_load_idx %arg7[%add3A_359, %get3A_229] : memref<32x768xf32, #tpu.memory_space<vmem>>[vector<16xi32>, vector<16xi32>], vector<16xf32>,
      %broadcast_in_dim3A_361 = arith.constant 0 : i32
      %broadcast_in_dim3A_362 = vector.broadcast %broadcast_in_dim3A_361 : i32 to vector<16xi32>
      %add3A_363 = arith.constant 17 : i32
      %add3A_364 = vector.broadcast %add3A_363 : i32 to vector<16xi32>
      %add3A_365 = arith.addi %broadcast_in_dim3A_362, %add3A_364 : vector<16xi32>
      %gather3A_366 = tpu.vector_load_idx %arg7[%add3A_365, %get3A_229] : memref<32x768xf32, #tpu.memory_space<vmem>>[vector<16xi32>, vector<16xi32>], vector<16xf32>,
      %broadcast_in_dim3A_367 = arith.constant 0 : i32
      %broadcast_in_dim3A_368 = vector.broadcast %broadcast_in_dim3A_367 : i32 to vector<16xi32>
      %add3A_369 = arith.constant 18 : i32
      %add3A_370 = vector.broadcast %add3A_369 : i32 to vector<16xi32>
      %add3A_371 = arith.addi %broadcast_in_dim3A_368, %add3A_370 : vector<16xi32>
      %gather3A_372 = tpu.vector_load_idx %arg7[%add3A_371, %get3A_229] : memref<32x768xf32, #tpu.memory_space<vmem>>[vector<16xi32>, vector<16xi32>], vector<16xf32>,
      %broadcast_in_dim3A_373 = arith.constant 0 : i32
      %broadcast_in_dim3A_374 = vector.broadcast %broadcast_in_dim3A_373 : i32 to vector<16xi32>
      %add3A_375 = arith.constant 19 : i32
      %add3A_376 = vector.broadcast %add3A_375 : i32 to vector<16xi32>
      %add3A_377 = arith.addi %broadcast_in_dim3A_374, %add3A_376 : vector<16xi32>
      %gather3A_378 = tpu.vector_load_idx %arg7[%add3A_377, %get3A_229] : memref<32x768xf32, #tpu.memory_space<vmem>>[vector<16xi32>, vector<16xi32>], vector<16xf32>,
      %swap3A_379 = arith.constant 8 : i32
      %swap3A_380 = arith.index_cast %swap3A_379 : i32 to index
      %swap3A_381 = arith.index_cast %multiple_of3A : i32 to index
      %swap3A_382 = tpu.vector_load %arg9[%swap3A_380, %swap3A_381] {strides = array<i32>} : memref<32x768xf32, #tpu.memory_space<vmem>>, vector<16xf32>,
      tpu.vector_store %arg9[%swap3A_380, %swap3A_381], %gather3A_281 {strides = array<i32>} : memref<32x768xf32, #tpu.memory_space<vmem>>, vector<16xf32>,
      %swap3A_383 = arith.constant 9 : i32
      %swap3A_384 = arith.index_cast %swap3A_383 : i32 to index
      %swap3A_385 = arith.index_cast %multiple_of3A : i32 to index
      %swap3A_386 = tpu.vector_load %arg9[%swap3A_384, %swap3A_385] {strides = array<i32>} : memref<32x768xf32, #tpu.memory_space<vmem>>, vector<16xf32>,
      tpu.vector_store %arg9[%swap3A_384, %swap3A_385], %gather3A_287 {strides = array<i32>} : memref<32x768xf32, #tpu.memory_space<vmem>>, vector<16xf32>,
      %swap3A_387 = arith.constant 10 : i32
      %swap3A_388 = arith.index_cast %swap3A_387 : i32 to index
      %swap3A_389 = arith.index_cast %multiple_of3A : i32 to index
      %swap3A_390 = tpu.vector_load %arg9[%swap3A_388, %swap3A_389] {strides = array<i32>} : memref<32x768xf32, #tpu.memory_space<vmem>>, vector<16xf32>,
      tpu.vector_store %arg9[%swap3A_388, %swap3A_389], %gather3A_293 {strides = array<i32>} : memref<32x768xf32, #tpu.memory_space<vmem>>, vector<16xf32>,
      %swap3A_391 = arith.constant 11 : i32
      %swap3A_392 = arith.index_cast %swap3A_391 : i32 to index
      %swap3A_393 = arith.index_cast %multiple_of3A : i32 to index
      %swap3A_394 = tpu.vector_load %arg9[%swap3A_392, %swap3A_393] {strides = array<i32>} : memref<32x768xf32, #tpu.memory_space<vmem>>, vector<16xf32>,
      tpu.vector_store %arg9[%swap3A_392, %swap3A_393], %gather3A_299 {strides = array<i32>} : memref<32x768xf32, #tpu.memory_space<vmem>>, vector<16xf32>,
      %broadcast_in_dim3A_395 = arith.constant 0 : i32
      %broadcast_in_dim3A_396 = vector.broadcast %broadcast_in_dim3A_395 : i32 to vector<16xi32>
      %add3A_397 = arith.constant 20 : i32
      %add3A_398 = vector.broadcast %add3A_397 : i32 to vector<16xi32>
      %add3A_399 = arith.addi %broadcast_in_dim3A_396, %add3A_398 : vector<16xi32>
      %gather3A_400 = tpu.vector_load_idx %arg7[%add3A_399, %get3A_229] : memref<32x768xf32, #tpu.memory_space<vmem>>[vector<16xi32>, vector<16xi32>], vector<16xf32>,
      %broadcast_in_dim3A_401 = arith.constant 0 : i32
      %broadcast_in_dim3A_402 = vector.broadcast %broadcast_in_dim3A_401 : i32 to vector<16xi32>
      %add3A_403 = arith.constant 21 : i32
      %add3A_404 = vector.broadcast %add3A_403 : i32 to vector<16xi32>
      %add3A_405 = arith.addi %broadcast_in_dim3A_402, %add3A_404 : vector<16xi32>
      %gather3A_406 = tpu.vector_load_idx %arg7[%add3A_405, %get3A_229] : memref<32x768xf32, #tpu.memory_space<vmem>>[vector<16xi32>, vector<16xi32>], vector<16xf32>,
      %broadcast_in_dim3A_407 = arith.constant 0 : i32
      %broadcast_in_dim3A_408 = vector.broadcast %broadcast_in_dim3A_407 : i32 to vector<16xi32>
      %add3A_409 = arith.constant 22 : i32
      %add3A_410 = vector.broadcast %add3A_409 : i32 to vector<16xi32>
      %add3A_411 = arith.addi %broadcast_in_dim3A_408, %add3A_410 : vector<16xi32>
      %gather3A_412 = tpu.vector_load_idx %arg7[%add3A_411, %get3A_229] : memref<32x768xf32, #tpu.memory_space<vmem>>[vector<16xi32>, vector<16xi32>], vector<16xf32>,
      %broadcast_in_dim3A_413 = arith.constant 0 : i32
      %broadcast_in_dim3A_414 = vector.broadcast %broadcast_in_dim3A_413 : i32 to vector<16xi32>
      %add3A_415 = arith.constant 23 : i32
      %add3A_416 = vector.broadcast %add3A_415 : i32 to vector<16xi32>
      %add3A_417 = arith.addi %broadcast_in_dim3A_414, %add3A_416 : vector<16xi32>
      %gather3A_418 = tpu.vector_load_idx %arg7[%add3A_417, %get3A_229] : memref<32x768xf32, #tpu.memory_space<vmem>>[vector<16xi32>, vector<16xi32>], vector<16xf32>,
      %swap3A_419 = arith.constant 12 : i32
      %swap3A_420 = arith.index_cast %swap3A_419 : i32 to index
      %swap3A_421 = arith.index_cast %multiple_of3A : i32 to index
      %swap3A_422 = tpu.vector_load %arg9[%swap3A_420, %swap3A_421] {strides = array<i32>} : memref<32x768xf32, #tpu.memory_space<vmem>>, vector<16xf32>,
      tpu.vector_store %arg9[%swap3A_420, %swap3A_421], %gather3A_320 {strides = array<i32>} : memref<32x768xf32, #tpu.memory_space<vmem>>, vector<16xf32>,
      %swap3A_423 = arith.constant 13 : i32
      %swap3A_424 = arith.index_cast %swap3A_423 : i32 to index
      %swap3A_425 = arith.index_cast %multiple_of3A : i32 to index
      %swap3A_426 = tpu.vector_load %arg9[%swap3A_424, %swap3A_425] {strides = array<i32>} : memref<32x768xf32, #tpu.memory_space<vmem>>, vector<16xf32>,
      tpu.vector_store %arg9[%swap3A_424, %swap3A_425], %gather3A_326 {strides = array<i32>} : memref<32x768xf32, #tpu.memory_space<vmem>>, vector<16xf32>,
      %swap3A_427 = arith.constant 14 : i32
      %swap3A_428 = arith.index_cast %swap3A_427 : i32 to index
      %swap3A_429 = arith.index_cast %multiple_of3A : i32 to index
      %swap3A_430 = tpu.vector_load %arg9[%swap3A_428, %swap3A_429] {strides = array<i32>} : memref<32x768xf32, #tpu.memory_space<vmem>>, vector<16xf32>,
      tpu.vector_store %arg9[%swap3A_428, %swap3A_429], %gather3A_332 {strides = array<i32>} : memref<32x768xf32, #tpu.memory_space<vmem>>, vector<16xf32>,
      %swap3A_431 = arith.constant 15 : i32
      %swap3A_432 = arith.index_cast %swap3A_431 : i32 to index
      %swap3A_433 = arith.index_cast %multiple_of3A : i32 to index
      %swap3A_434 = tpu.vector_load %arg9[%swap3A_432, %swap3A_433] {strides = array<i32>} : memref<32x768xf32, #tpu.memory_space<vmem>>, vector<16xf32>,
      tpu.vector_store %arg9[%swap3A_432, %swap3A_433], %gather3A_338 {strides = array<i32>} : memref<32x768xf32, #tpu.memory_space<vmem>>, vector<16xf32>,
      %broadcast_in_dim3A_435 = arith.constant 0 : i32
      %broadcast_in_dim3A_436 = vector.broadcast %broadcast_in_dim3A_435 : i32 to vector<16xi32>
      %add3A_437 = arith.constant 24 : i32
      %add3A_438 = vector.broadcast %add3A_437 : i32 to vector<16xi32>
      %add3A_439 = arith.addi %broadcast_in_dim3A_436, %add3A_438 : vector<16xi32>
      %gather3A_440 = tpu.vector_load_idx %arg7[%add3A_439, %get3A_229] : memref<32x768xf32, #tpu.memory_space<vmem>>[vector<16xi32>, vector<16xi32>], vector<16xf32>,
      %broadcast_in_dim3A_441 = arith.constant 0 : i32
      %broadcast_in_dim3A_442 = vector.broadcast %broadcast_in_dim3A_441 : i32 to vector<16xi32>
      %add3A_443 = arith.constant 25 : i32
      %add3A_444 = vector.broadcast %add3A_443 : i32 to vector<16xi32>
      %add3A_445 = arith.addi %broadcast_in_dim3A_442, %add3A_444 : vector<16xi32>
      %gather3A_446 = tpu.vector_load_idx %arg7[%add3A_445, %get3A_229] : memref<32x768xf32, #tpu.memory_space<vmem>>[vector<16xi32>, vector<16xi32>], vector<16xf32>,
      %broadcast_in_dim3A_447 = arith.constant 0 : i32
      %broadcast_in_dim3A_448 = vector.broadcast %broadcast_in_dim3A_447 : i32 to vector<16xi32>
      %add3A_449 = arith.constant 26 : i32
      %add3A_450 = vector.broadcast %add3A_449 : i32 to vector<16xi32>
      %add3A_451 = arith.addi %broadcast_in_dim3A_448, %add3A_450 : vector<16xi32>
      %gather3A_452 = tpu.vector_load_idx %arg7[%add3A_451, %get3A_229] : memref<32x768xf32, #tpu.memory_space<vmem>>[vector<16xi32>, vector<16xi32>], vector<16xf32>,
      %broadcast_in_dim3A_453 = arith.constant 0 : i32
      %broadcast_in_dim3A_454 = vector.broadcast %broadcast_in_dim3A_453 : i32 to vector<16xi32>
      %add3A_455 = arith.constant 27 : i32
      %add3A_456 = vector.broadcast %add3A_455 : i32 to vector<16xi32>
      %add3A_457 = arith.addi %broadcast_in_dim3A_454, %add3A_456 : vector<16xi32>
      %gather3A_458 = tpu.vector_load_idx %arg7[%add3A_457, %get3A_229] : memref<32x768xf32, #tpu.memory_space<vmem>>[vector<16xi32>, vector<16xi32>], vector<16xf32>,
      %swap3A_459 = arith.constant 16 : i32
      %swap3A_460 = arith.index_cast %swap3A_459 : i32 to index
      %swap3A_461 = arith.index_cast %multiple_of3A : i32 to index
      %swap3A_462 = tpu.vector_load %arg9[%swap3A_460, %swap3A_461] {strides = array<i32>} : memref<32x768xf32, #tpu.memory_space<vmem>>, vector<16xf32>,
      tpu.vector_store %arg9[%swap3A_460, %swap3A_461], %gather3A_360 {strides = array<i32>} : memref<32x768xf32, #tpu.memory_space<vmem>>, vector<16xf32>,
      %swap3A_463 = arith.constant 17 : i32
      %swap3A_464 = arith.index_cast %swap3A_463 : i32 to index
      %swap3A_465 = arith.index_cast %multiple_of3A : i32 to index
      %swap3A_466 = tpu.vector_load %arg9[%swap3A_464, %swap3A_465] {strides = array<i32>} : memref<32x768xf32, #tpu.memory_space<vmem>>, vector<16xf32>,
      tpu.vector_store %arg9[%swap3A_464, %swap3A_465], %gather3A_366 {strides = array<i32>} : memref<32x768xf32, #tpu.memory_space<vmem>>, vector<16xf32>,
      %swap3A_467 = arith.constant 18 : i32
      %swap3A_468 = arith.index_cast %swap3A_467 : i32 to index
      %swap3A_469 = arith.index_cast %multiple_of3A : i32 to index
      %swap3A_470 = tpu.vector_load %arg9[%swap3A_468, %swap3A_469] {strides = array<i32>} : memref<32x768xf32, #tpu.memory_space<vmem>>, vector<16xf32>,
      tpu.vector_store %arg9[%swap3A_468, %swap3A_469], %gather3A_372 {strides = array<i32>} : memref<32x768xf32, #tpu.memory_space<vmem>>, vector<16xf32>,
      %swap3A_471 = arith.constant 19 : i32
      %swap3A_472 = arith.index_cast %swap3A_471 : i32 to index
      %swap3A_473 = arith.index_cast %multiple_of3A : i32 to index
      %swap3A_474 = tpu.vector_load %arg9[%swap3A_472, %swap3A_473] {strides = array<i32>} : memref<32x768xf32, #tpu.memory_space<vmem>>, vector<16xf32>,
      tpu.vector_store %arg9[%swap3A_472, %swap3A_473], %gather3A_378 {strides = array<i32>} : memref<32x768xf32, #tpu.memory_space<vmem>>, vector<16xf32>,
      %broadcast_in_dim3A_475 = arith.constant 0 : i32
      %broadcast_in_dim3A_476 = vector.broadcast %broadcast_in_dim3A_475 : i32 to vector<16xi32>
      %add3A_477 = arith.constant 28 : i32
      %add3A_478 = vector.broadcast %add3A_477 : i32 to vector<16xi32>
      %add3A_479 = arith.addi %broadcast_in_dim3A_476, %add3A_478 : vector<16xi32>
      %gather3A_480 = tpu.vector_load_idx %arg7[%add3A_479, %get3A_229] : memref<32x768xf32, #tpu.memory_space<vmem>>[vector<16xi32>, vector<16xi32>], vector<16xf32>,
      %broadcast_in_dim3A_481 = arith.constant 0 : i32
      %broadcast_in_dim3A_482 = vector.broadcast %broadcast_in_dim3A_481 : i32 to vector<16xi32>
      %add3A_483 = arith.constant 29 : i32
      %add3A_484 = vector.broadcast %add3A_483 : i32 to vector<16xi32>
      %add3A_485 = arith.addi %broadcast_in_dim3A_482, %add3A_484 : vector<16xi32>
      %gather3A_486 = tpu.vector_load_idx %arg7[%add3A_485, %get3A_229] : memref<32x768xf32, #tpu.memory_space<vmem>>[vector<16xi32>, vector<16xi32>], vector<16xf32>,
      %broadcast_in_dim3A_487 = arith.constant 0 : i32
      %broadcast_in_dim3A_488 = vector.broadcast %broadcast_in_dim3A_487 : i32 to vector<16xi32>
      %add3A_489 = arith.constant 30 : i32
      %add3A_490 = vector.broadcast %add3A_489 : i32 to vector<16xi32>
      %add3A_491 = arith.addi %broadcast_in_dim3A_488, %add3A_490 : vector<16xi32>
      %gather3A_492 = tpu.vector_load_idx %arg7[%add3A_491, %get3A_229] : memref<32x768xf32, #tpu.memory_space<vmem>>[vector<16xi32>, vector<16xi32>], vector<16xf32>,
      %broadcast_in_dim3A_493 = arith.constant 0 : i32
      %broadcast_in_dim3A_494 = vector.broadcast %broadcast_in_dim3A_493 : i32 to vector<16xi32>
      %add3A_495 = arith.constant 31 : i32
      %add3A_496 = vector.broadcast %add3A_495 : i32 to vector<16xi32>
      %add3A_497 = arith.addi %broadcast_in_dim3A_494, %add3A_496 : vector<16xi32>
      %gather3A_498 = tpu.vector_load_idx %arg7[%add3A_497, %get3A_229] : memref<32x768xf32, #tpu.memory_space<vmem>>[vector<16xi32>, vector<16xi32>], vector<16xf32>,
      %swap3A_499 = arith.constant 20 : i32
      %swap3A_500 = arith.index_cast %swap3A_499 : i32 to index
      %swap3A_501 = arith.index_cast %multiple_of3A : i32 to index
      %swap3A_502 = tpu.vector_load %arg9[%swap3A_500, %swap3A_501] {strides = array<i32>} : memref<32x768xf32, #tpu.memory_space<vmem>>, vector<16xf32>,
      tpu.vector_store %arg9[%swap3A_500, %swap3A_501], %gather3A_400 {strides = array<i32>} : memref<32x768xf32, #tpu.memory_space<vmem>>, vector<16xf32>,
      %swap3A_503 = arith.constant 21 : i32
      %swap3A_504 = arith.index_cast %swap3A_503 : i32 to index
      %swap3A_505 = arith.index_cast %multiple_of3A : i32 to index
      %swap3A_506 = tpu.vector_load %arg9[%swap3A_504, %swap3A_505] {strides = array<i32>} : memref<32x768xf32, #tpu.memory_space<vmem>>, vector<16xf32>,
      tpu.vector_store %arg9[%swap3A_504, %swap3A_505], %gather3A_406 {strides = array<i32>} : memref<32x768xf32, #tpu.memory_space<vmem>>, vector<16xf32>,
      %swap3A_507 = arith.constant 22 : i32
      %swap3A_508 = arith.index_cast %swap3A_507 : i32 to index
      %swap3A_509 = arith.index_cast %multiple_of3A : i32 to index
      %swap3A_510 = tpu.vector_load %arg9[%swap3A_508, %swap3A_509] {strides = array<i32>} : memref<32x768xf32, #tpu.memory_space<vmem>>, vector<16xf32>,
      tpu.vector_store %arg9[%swap3A_508, %swap3A_509], %gather3A_412 {strides = array<i32>} : memref<32x768xf32, #tpu.memory_space<vmem>>, vector<16xf32>,
      %swap3A_511 = arith.constant 23 : i32
      %swap3A_512 = arith.index_cast %swap3A_511 : i32 to index
      %swap3A_513 = arith.index_cast %multiple_of3A : i32 to index
      %swap3A_514 = tpu.vector_load %arg9[%swap3A_512, %swap3A_513] {strides = array<i32>} : memref<32x768xf32, #tpu.memory_space<vmem>>, vector<16xf32>,
      tpu.vector_store %arg9[%swap3A_512, %swap3A_513], %gather3A_418 {strides = array<i32>} : memref<32x768xf32, #tpu.memory_space<vmem>>, vector<16xf32>,
      %swap3A_515 = arith.constant 24 : i32
      %swap3A_516 = arith.index_cast %swap3A_515 : i32 to index
      %swap3A_517 = arith.index_cast %multiple_of3A : i32 to index
      %swap3A_518 = tpu.vector_load %arg9[%swap3A_516, %swap3A_517] {strides = array<i32>} : memref<32x768xf32, #tpu.memory_space<vmem>>, vector<16xf32>,
      tpu.vector_store %arg9[%swap3A_516, %swap3A_517], %gather3A_440 {strides = array<i32>} : memref<32x768xf32, #tpu.memory_space<vmem>>, vector<16xf32>,
      %swap3A_519 = arith.constant 25 : i32
      %swap3A_520 = arith.index_cast %swap3A_519 : i32 to index
      %swap3A_521 = arith.index_cast %multiple_of3A : i32 to index
      %swap3A_522 = tpu.vector_load %arg9[%swap3A_520, %swap3A_521] {strides = array<i32>} : memref<32x768xf32, #tpu.memory_space<vmem>>, vector<16xf32>,
      tpu.vector_store %arg9[%swap3A_520, %swap3A_521], %gather3A_446 {strides = array<i32>} : memref<32x768xf32, #tpu.memory_space<vmem>>, vector<16xf32>,
      %swap3A_523 = arith.constant 26 : i32
      %swap3A_524 = arith.index_cast %swap3A_523 : i32 to index
      %swap3A_525 = arith.index_cast %multiple_of3A : i32 to index
      %swap3A_526 = tpu.vector_load %arg9[%swap3A_524, %swap3A_525] {strides = array<i32>} : memref<32x768xf32, #tpu.memory_space<vmem>>, vector<16xf32>,
      tpu.vector_store %arg9[%swap3A_524, %swap3A_525], %gather3A_452 {strides = array<i32>} : memref<32x768xf32, #tpu.memory_space<vmem>>, vector<16xf32>,
      %swap3A_527 = arith.constant 27 : i32
      %swap3A_528 = arith.index_cast %swap3A_527 : i32 to index
      %swap3A_529 = arith.index_cast %multiple_of3A : i32 to index
      %swap3A_530 = tpu.vector_load %arg9[%swap3A_528, %swap3A_529] {strides = array<i32>} : memref<32x768xf32, #tpu.memory_space<vmem>>, vector<16xf32>,
      tpu.vector_store %arg9[%swap3A_528, %swap3A_529], %gather3A_458 {strides = array<i32>} : memref<32x768xf32, #tpu.memory_space<vmem>>, vector<16xf32>,
      %swap3A_531 = arith.constant 28 : i32
      %swap3A_532 = arith.index_cast %swap3A_531 : i32 to index
      %swap3A_533 = arith.index_cast %multiple_of3A : i32 to index
      %swap3A_534 = tpu.vector_load %arg9[%swap3A_532, %swap3A_533] {strides = array<i32>} : memref<32x768xf32, #tpu.memory_space<vmem>>, vector<16xf32>,
      tpu.vector_store %arg9[%swap3A_532, %swap3A_533], %gather3A_480 {strides = array<i32>} : memref<32x768xf32, #tpu.memory_space<vmem>>, vector<16xf32>,
      %swap3A_535 = arith.constant 29 : i32
      %swap3A_536 = arith.index_cast %swap3A_535 : i32 to index
      %swap3A_537 = arith.index_cast %multiple_of3A : i32 to index
      %swap3A_538 = tpu.vector_load %arg9[%swap3A_536, %swap3A_537] {strides = array<i32>} : memref<32x768xf32, #tpu.memory_space<vmem>>, vector<16xf32>,
      tpu.vector_store %arg9[%swap3A_536, %swap3A_537], %gather3A_486 {strides = array<i32>} : memref<32x768xf32, #tpu.memory_space<vmem>>, vector<16xf32>,
      %swap3A_539 = arith.constant 30 : i32
      %swap3A_540 = arith.index_cast %swap3A_539 : i32 to index
      %swap3A_541 = arith.index_cast %multiple_of3A : i32 to index
      %swap3A_542 = tpu.vector_load %arg9[%swap3A_540, %swap3A_541] {strides = array<i32>} : memref<32x768xf32, #tpu.memory_space<vmem>>, vector<16xf32>,
      tpu.vector_store %arg9[%swap3A_540, %swap3A_541], %gather3A_492 {strides = array<i32>} : memref<32x768xf32, #tpu.memory_space<vmem>>, vector<16xf32>,
      %swap3A_543 = arith.constant 31 : i32
      %swap3A_544 = arith.index_cast %swap3A_543 : i32 to index
      %swap3A_545 = arith.index_cast %multiple_of3A : i32 to index
      %swap3A_546 = tpu.vector_load %arg9[%swap3A_544, %swap3A_545] {strides = array<i32>} : memref<32x768xf32, #tpu.memory_space<vmem>>, vector<16xf32>,
      tpu.vector_store %arg9[%swap3A_544, %swap3A_545], %gather3A_498 {strides = array<i32>} : memref<32x768xf32, #tpu.memory_space<vmem>>, vector<16xf32>,
    }
    %scan3A_69 = arith.constant 48 : i32
    %add3A_70 = arith.constant 1 : i32
    %add3A_71 = arith.addi %mul3A_2, %add3A_70 : i32
    %dma_start3A_72 = arith.constant 0 : i32
    %dma_start3A_73 = arith.constant 0 : i32
    %dma_start3A_74 = tpu.memref_slice %arg4[%add3A_71, %dma_start3A_72, %dma_start3A_73] : memref<1568x32x768xf32, #tpu.memory_space<hbm>> -> memref<1x32x768xf32, #tpu.memory_space<hbm>>
    %dma_start3A_75 = tpu.memref_squeeze %dma_start3A_74 : memref<1x32x768xf32, #tpu.memory_space<hbm>> -> memref<32x768xf32, #tpu.memory_space<hbm>>
    %dma_start3A_76 = arith.constant 0 : i32
    %dma_start3A_77 = arith.constant 0 : i32
    %dma_start3A_78 = tpu.memref_slice %arg4[%add3A_71, %dma_start3A_76, %dma_start3A_77] : memref<1568x32x768xf32, #tpu.memory_space<hbm>> -> memref<1x32x768xf32, #tpu.memory_space<hbm>>
    %dma_start3A_79 = tpu.memref_squeeze %dma_start3A_78 : memref<1x32x768xf32, #tpu.memory_space<hbm>> -> memref<32x768xf32, #tpu.memory_space<hbm>>
    tpu.enqueue_dma source(%arg9 : memref<32x768xf32, #tpu.memory_space<vmem>>) target(%dma_start3A_79 : memref<32x768xf32, #tpu.memory_space<hbm>>) target_semaphore(%arg13 : memref<!tpu.dma_semaphore, #tpu.memory_space<semaphore_mem>>)
    %add3A_80 = arith.constant 3 : i32
    %add3A_81 = arith.addi %mul3A_2, %add3A_80 : i32
    %dma_start3A_82 = arith.constant 0 : i32
    %dma_start3A_83 = arith.constant 0 : i32
    %dma_start3A_84 = tpu.memref_slice %arg2[%add3A_81, %dma_start3A_82, %dma_start3A_83] : memref<1568x32x768xf32, #tpu.memory_space<hbm>> -> memref<1x32x768xf32, #tpu.memory_space<hbm>>
    %dma_start3A_85 = tpu.memref_squeeze %dma_start3A_84 : memref<1x32x768xf32, #tpu.memory_space<hbm>> -> memref<32x768xf32, #tpu.memory_space<hbm>>
    %dma_start3A_86 = arith.constant 0 : i32
    %dma_start3A_87 = arith.constant 0 : i32
    %dma_start3A_88 = tpu.memref_slice %arg2[%add3A_81, %dma_start3A_86, %dma_start3A_87] : memref<1568x32x768xf32, #tpu.memory_space<hbm>> -> memref<1x32x768xf32, #tpu.memory_space<hbm>>
    %dma_start3A_89 = tpu.memref_squeeze %dma_start3A_88 : memref<1x32x768xf32, #tpu.memory_space<hbm>> -> memref<32x768xf32, #tpu.memory_space<hbm>>
    tpu.enqueue_dma source(%dma_start3A_89 : memref<32x768xf32, #tpu.memory_space<hbm>>) target(%arg7 : memref<32x768xf32, #tpu.memory_space<vmem>>) target_semaphore(%arg11 : memref<!tpu.dma_semaphore, #tpu.memory_space<semaphore_mem>>)
    %scan3A_90 = arith.constant 0 : i32
    %scan3A_91 = arith.constant 1 : i32
    %scan3A_92 = arith.constant 22 : i32
    %scan3A_93 = arith.addi %scan3A_91, %scan3A_92 : i32
    %scan3A_94 = arith.constant 1 : i32
    scf.for %scan3A_226 = %scan3A_91 to %scan3A_93 step %scan3A_94  : i32 {
      %mul3A_227 = arith.constant 2 : i32
      %mul3A_228 = arith.muli %mul3A_227, %scan3A_226 : i32
      %add3A_229 = arith.constant 0 : i32
      %add3A_230 = arith.addi %mul3A_228, %add3A_229 : i32
      %dma_wait3A_231 = arith.constant 0 : i32
      %dma_wait3A_232 = arith.constant 0 : i32
      %dma_wait3A_233 = arith.constant 0 : i32
      %dma_wait3A_234 = tpu.memref_slice %arg2[%dma_wait3A_231, %dma_wait3A_232, %dma_wait3A_233] : memref<1568x32x768xf32, #tpu.memory_space<hbm>> -> memref<1x32x768xf32, #tpu.memory_space<hbm>>
      %dma_wait3A_235 = tpu.memref_squeeze %dma_wait3A_234 : memref<1x32x768xf32, #tpu.memory_space<hbm>> -> memref<32x768xf32, #tpu.memory_space<hbm>>
      %dma_wait3A_236 = arith.constant 0 : i32
      %dma_wait3A_237 = arith.constant 0 : i32
      %dma_wait3A_238 = tpu.memref_slice %arg2[%dma_wait3A_231, %dma_wait3A_236, %dma_wait3A_237] : memref<1568x32x768xf32, #tpu.memory_space<hbm>> -> memref<1x32x768xf32, #tpu.memory_space<hbm>>
      %dma_wait3A_239 = tpu.memref_squeeze %dma_wait3A_238 : memref<1x32x768xf32, #tpu.memory_space<hbm>> -> memref<32x768xf32, #tpu.memory_space<hbm>>
      tpu.wait_dma2 semaphore(%arg10 : memref<!tpu.dma_semaphore, #tpu.memory_space<semaphore_mem>>) src(%dma_wait3A_239 : memref<32x768xf32, #tpu.memory_space<hbm>>) dst(%arg6 : memref<32x768xf32, #tpu.memory_space<vmem>>)
      %dma_wait3A_240 = arith.constant 0 : i32
      %dma_wait3A_241 = arith.constant 0 : i32
      %dma_wait3A_242 = arith.constant 0 : i32
      %dma_wait3A_243 = tpu.memref_slice %arg4[%dma_wait3A_240, %dma_wait3A_241, %dma_wait3A_242] : memref<1568x32x768xf32, #tpu.memory_space<hbm>> -> memref<1x32x768xf32, #tpu.memory_space<hbm>>
      %dma_wait3A_244 = tpu.memref_squeeze %dma_wait3A_243 : memref<1x32x768xf32, #tpu.memory_space<hbm>> -> memref<32x768xf32, #tpu.memory_space<hbm>>
      %dma_wait3A_245 = arith.constant 0 : i32
      %dma_wait3A_246 = arith.constant 0 : i32
      %dma_wait3A_247 = tpu.memref_slice %arg4[%dma_wait3A_240, %dma_wait3A_245, %dma_wait3A_246] : memref<1568x32x768xf32, #tpu.memory_space<hbm>> -> memref<1x32x768xf32, #tpu.memory_space<hbm>>
      %dma_wait3A_248 = tpu.memref_squeeze %dma_wait3A_247 : memref<1x32x768xf32, #tpu.memory_space<hbm>> -> memref<32x768xf32, #tpu.memory_space<hbm>>
      tpu.wait_dma2 semaphore(%arg12 : memref<!tpu.dma_semaphore, #tpu.memory_space<semaphore_mem>>) src(%arg8 : memref<32x768xf32, #tpu.memory_space<vmem>>) dst(%dma_wait3A_248 : memref<32x768xf32, #tpu.memory_space<hbm>>)
      %scan3A_249 = arith.constant 0 : i32
      %scan3A_250 = arith.constant 0 : i32
      %scan3A_251 = arith.constant 48 : i32
      %scan3A_252 = arith.addi %scan3A_250, %scan3A_251 : i32
      %scan3A_253 = arith.constant 1 : i32
      scf.for %scan3A_323 = %scan3A_250 to %scan3A_252 step %scan3A_253  : i32 {
        %mul3A_324 = arith.constant 16 : i32
        %mul3A_325 = arith.muli %scan3A_323, %mul3A_324 : i32
        %multiple_of3A = tpu.assume_multiple %mul3A_325, 16 : i32
        %get3A = arith.index_cast %multiple_of3A : i32 to index
        %get3A_326 = tpu.vector_load %arg5[%get3A] {strides = array<i32>} : memref<768xi32, #tpu.memory_space<vmem>>, vector<16xi32>,
        %broadcast_in_dim3A = arith.constant 0 : i32
        %broadcast_in_dim3A_327 = vector.broadcast %broadcast_in_dim3A : i32 to vector<16xi32>
        %add3A_328 = arith.constant 0 : i32
        %add3A_329 = vector.broadcast %add3A_328 : i32 to vector<16xi32>
        %add3A_330 = arith.addi %broadcast_in_dim3A_327, %add3A_329 : vector<16xi32>
        %gather3A = tpu.vector_load_idx %arg6[%add3A_330, %get3A_326] : memref<32x768xf32, #tpu.memory_space<vmem>>[vector<16xi32>, vector<16xi32>], vector<16xf32>,
        %broadcast_in_dim3A_331 = arith.constant 0 : i32
        %broadcast_in_dim3A_332 = vector.broadcast %broadcast_in_dim3A_331 : i32 to vector<16xi32>
        %add3A_333 = arith.constant 1 : i32
        %add3A_334 = vector.broadcast %add3A_333 : i32 to vector<16xi32>
        %add3A_335 = arith.addi %broadcast_in_dim3A_332, %add3A_334 : vector<16xi32>
        %gather3A_336 = tpu.vector_load_idx %arg6[%add3A_335, %get3A_326] : memref<32x768xf32, #tpu.memory_space<vmem>>[vector<16xi32>, vector<16xi32>], vector<16xf32>,
        %broadcast_in_dim3A_337 = arith.constant 0 : i32
        %broadcast_in_dim3A_338 = vector.broadcast %broadcast_in_dim3A_337 : i32 to vector<16xi32>
        %add3A_339 = arith.constant 2 : i32
        %add3A_340 = vector.broadcast %add3A_339 : i32 to vector<16xi32>
        %add3A_341 = arith.addi %broadcast_in_dim3A_338, %add3A_340 : vector<16xi32>
        %gather3A_342 = tpu.vector_load_idx %arg6[%add3A_341, %get3A_326] : memref<32x768xf32, #tpu.memory_space<vmem>>[vector<16xi32>, vector<16xi32>], vector<16xf32>,
        %broadcast_in_dim3A_343 = arith.constant 0 : i32
        %broadcast_in_dim3A_344 = vector.broadcast %broadcast_in_dim3A_343 : i32 to vector<16xi32>
        %add3A_345 = arith.constant 3 : i32
        %add3A_346 = vector.broadcast %add3A_345 : i32 to vector<16xi32>
        %add3A_347 = arith.addi %broadcast_in_dim3A_344, %add3A_346 : vector<16xi32>
        %gather3A_348 = tpu.vector_load_idx %arg6[%add3A_347, %get3A_326] : memref<32x768xf32, #tpu.memory_space<vmem>>[vector<16xi32>, vector<16xi32>], vector<16xf32>,
        %broadcast_in_dim3A_349 = arith.constant 0 : i32
        %broadcast_in_dim3A_350 = vector.broadcast %broadcast_in_dim3A_349 : i32 to vector<16xi32>
        %add3A_351 = arith.constant 4 : i32
        %add3A_352 = vector.broadcast %add3A_351 : i32 to vector<16xi32>
        %add3A_353 = arith.addi %broadcast_in_dim3A_350, %add3A_352 : vector<16xi32>
        %gather3A_354 = tpu.vector_load_idx %arg6[%add3A_353, %get3A_326] : memref<32x768xf32, #tpu.memory_space<vmem>>[vector<16xi32>, vector<16xi32>], vector<16xf32>,
        %broadcast_in_dim3A_355 = arith.constant 0 : i32
        %broadcast_in_dim3A_356 = vector.broadcast %broadcast_in_dim3A_355 : i32 to vector<16xi32>
        %add3A_357 = arith.constant 5 : i32
        %add3A_358 = vector.broadcast %add3A_357 : i32 to vector<16xi32>
        %add3A_359 = arith.addi %broadcast_in_dim3A_356, %add3A_358 : vector<16xi32>
        %gather3A_360 = tpu.vector_load_idx %arg6[%add3A_359, %get3A_326] : memref<32x768xf32, #tpu.memory_space<vmem>>[vector<16xi32>, vector<16xi32>], vector<16xf32>,
        %broadcast_in_dim3A_361 = arith.constant 0 : i32
        %broadcast_in_dim3A_362 = vector.broadcast %broadcast_in_dim3A_361 : i32 to vector<16xi32>
        %add3A_363 = arith.constant 6 : i32
        %add3A_364 = vector.broadcast %add3A_363 : i32 to vector<16xi32>
        %add3A_365 = arith.addi %broadcast_in_dim3A_362, %add3A_364 : vector<16xi32>
        %gather3A_366 = tpu.vector_load_idx %arg6[%add3A_365, %get3A_326] : memref<32x768xf32, #tpu.memory_space<vmem>>[vector<16xi32>, vector<16xi32>], vector<16xf32>,
        %broadcast_in_dim3A_367 = arith.constant 0 : i32
        %broadcast_in_dim3A_368 = vector.broadcast %broadcast_in_dim3A_367 : i32 to vector<16xi32>
        %add3A_369 = arith.constant 7 : i32
        %add3A_370 = vector.broadcast %add3A_369 : i32 to vector<16xi32>
        %add3A_371 = arith.addi %broadcast_in_dim3A_368, %add3A_370 : vector<16xi32>
        %gather3A_372 = tpu.vector_load_idx %arg6[%add3A_371, %get3A_326] : memref<32x768xf32, #tpu.memory_space<vmem>>[vector<16xi32>, vector<16xi32>], vector<16xf32>,
        %broadcast_in_dim3A_373 = arith.constant 0 : i32
        %broadcast_in_dim3A_374 = vector.broadcast %broadcast_in_dim3A_373 : i32 to vector<16xi32>
        %add3A_375 = arith.constant 8 : i32
        %add3A_376 = vector.broadcast %add3A_375 : i32 to vector<16xi32>
        %add3A_377 = arith.addi %broadcast_in_dim3A_374, %add3A_376 : vector<16xi32>
        %gather3A_378 = tpu.vector_load_idx %arg6[%add3A_377, %get3A_326] : memref<32x768xf32, #tpu.memory_space<vmem>>[vector<16xi32>, vector<16xi32>], vector<16xf32>,
        %broadcast_in_dim3A_379 = arith.constant 0 : i32
        %broadcast_in_dim3A_380 = vector.broadcast %broadcast_in_dim3A_379 : i32 to vector<16xi32>
        %add3A_381 = arith.constant 9 : i32
        %add3A_382 = vector.broadcast %add3A_381 : i32 to vector<16xi32>
        %add3A_383 = arith.addi %broadcast_in_dim3A_380, %add3A_382 : vector<16xi32>
        %gather3A_384 = tpu.vector_load_idx %arg6[%add3A_383, %get3A_326] : memref<32x768xf32, #tpu.memory_space<vmem>>[vector<16xi32>, vector<16xi32>], vector<16xf32>,
        %broadcast_in_dim3A_385 = arith.constant 0 : i32
        %broadcast_in_dim3A_386 = vector.broadcast %broadcast_in_dim3A_385 : i32 to vector<16xi32>
        %add3A_387 = arith.constant 10 : i32
        %add3A_388 = vector.broadcast %add3A_387 : i32 to vector<16xi32>
        %add3A_389 = arith.addi %broadcast_in_dim3A_386, %add3A_388 : vector<16xi32>
        %gather3A_390 = tpu.vector_load_idx %arg6[%add3A_389, %get3A_326] : memref<32x768xf32, #tpu.memory_space<vmem>>[vector<16xi32>, vector<16xi32>], vector<16xf32>,
        %broadcast_in_dim3A_391 = arith.constant 0 : i32
        %broadcast_in_dim3A_392 = vector.broadcast %broadcast_in_dim3A_391 : i32 to vector<16xi32>
        %add3A_393 = arith.constant 11 : i32
        %add3A_394 = vector.broadcast %add3A_393 : i32 to vector<16xi32>
        %add3A_395 = arith.addi %broadcast_in_dim3A_392, %add3A_394 : vector<16xi32>
        %gather3A_396 = tpu.vector_load_idx %arg6[%add3A_395, %get3A_326] : memref<32x768xf32, #tpu.memory_space<vmem>>[vector<16xi32>, vector<16xi32>], vector<16xf32>,
        %swap3A = arith.constant 0 : i32
        %swap3A_397 = arith.index_cast %swap3A : i32 to index
        %swap3A_398 = arith.index_cast %multiple_of3A : i32 to index
        %swap3A_399 = tpu.vector_load %arg8[%swap3A_397, %swap3A_398] {strides = array<i32>} : memref<32x768xf32, #tpu.memory_space<vmem>>, vector<16xf32>,
        tpu.vector_store %arg8[%swap3A_397, %swap3A_398], %gather3A {strides = array<i32>} : memref<32x768xf32, #tpu.memory_space<vmem>>, vector<16xf32>,
        %swap3A_400 = arith.constant 1 : i32
        %swap3A_401 = arith.index_cast %swap3A_400 : i32 to index
        %swap3A_402 = arith.index_cast %multiple_of3A : i32 to index
        %swap3A_403 = tpu.vector_load %arg8[%swap3A_401, %swap3A_402] {strides = array<i32>} : memref<32x768xf32, #tpu.memory_space<vmem>>, vector<16xf32>,
        tpu.vector_store %arg8[%swap3A_401, %swap3A_402], %gather3A_336 {strides = array<i32>} : memref<32x768xf32, #tpu.memory_space<vmem>>, vector<16xf32>,
        %swap3A_404 = arith.constant 2 : i32
        %swap3A_405 = arith.index_cast %swap3A_404 : i32 to index
        %swap3A_406 = arith.index_cast %multiple_of3A : i32 to index
        %swap3A_407 = tpu.vector_load %arg8[%swap3A_405, %swap3A_406] {strides = array<i32>} : memref<32x768xf32, #tpu.memory_space<vmem>>, vector<16xf32>,
        tpu.vector_store %arg8[%swap3A_405, %swap3A_406], %gather3A_342 {strides = array<i32>} : memref<32x768xf32, #tpu.memory_space<vmem>>, vector<16xf32>,
        %swap3A_408 = arith.constant 3 : i32
        %swap3A_409 = arith.index_cast %swap3A_408 : i32 to index
        %swap3A_410 = arith.index_cast %multiple_of3A : i32 to index
        %swap3A_411 = tpu.vector_load %arg8[%swap3A_409, %swap3A_410] {strides = array<i32>} : memref<32x768xf32, #tpu.memory_space<vmem>>, vector<16xf32>,
        tpu.vector_store %arg8[%swap3A_409, %swap3A_410], %gather3A_348 {strides = array<i32>} : memref<32x768xf32, #tpu.memory_space<vmem>>, vector<16xf32>,
        %broadcast_in_dim3A_412 = arith.constant 0 : i32
        %broadcast_in_dim3A_413 = vector.broadcast %broadcast_in_dim3A_412 : i32 to vector<16xi32>
        %add3A_414 = arith.constant 12 : i32
        %add3A_415 = vector.broadcast %add3A_414 : i32 to vector<16xi32>
        %add3A_416 = arith.addi %broadcast_in_dim3A_413, %add3A_415 : vector<16xi32>
        %gather3A_417 = tpu.vector_load_idx %arg6[%add3A_416, %get3A_326] : memref<32x768xf32, #tpu.memory_space<vmem>>[vector<16xi32>, vector<16xi32>], vector<16xf32>,
        %broadcast_in_dim3A_418 = arith.constant 0 : i32
        %broadcast_in_dim3A_419 = vector.broadcast %broadcast_in_dim3A_418 : i32 to vector<16xi32>
        %add3A_420 = arith.constant 13 : i32
        %add3A_421 = vector.broadcast %add3A_420 : i32 to vector<16xi32>
        %add3A_422 = arith.addi %broadcast_in_dim3A_419, %add3A_421 : vector<16xi32>
        %gather3A_423 = tpu.vector_load_idx %arg6[%add3A_422, %get3A_326] : memref<32x768xf32, #tpu.memory_space<vmem>>[vector<16xi32>, vector<16xi32>], vector<16xf32>,
        %broadcast_in_dim3A_424 = arith.constant 0 : i32
        %broadcast_in_dim3A_425 = vector.broadcast %broadcast_in_dim3A_424 : i32 to vector<16xi32>
        %add3A_426 = arith.constant 14 : i32
        %add3A_427 = vector.broadcast %add3A_426 : i32 to vector<16xi32>
        %add3A_428 = arith.addi %broadcast_in_dim3A_425, %add3A_427 : vector<16xi32>
        %gather3A_429 = tpu.vector_load_idx %arg6[%add3A_428, %get3A_326] : memref<32x768xf32, #tpu.memory_space<vmem>>[vector<16xi32>, vector<16xi32>], vector<16xf32>,
        %broadcast_in_dim3A_430 = arith.constant 0 : i32
        %broadcast_in_dim3A_431 = vector.broadcast %broadcast_in_dim3A_430 : i32 to vector<16xi32>
        %add3A_432 = arith.constant 15 : i32
        %add3A_433 = vector.broadcast %add3A_432 : i32 to vector<16xi32>
        %add3A_434 = arith.addi %broadcast_in_dim3A_431, %add3A_433 : vector<16xi32>
        %gather3A_435 = tpu.vector_load_idx %arg6[%add3A_434, %get3A_326] : memref<32x768xf32, #tpu.memory_space<vmem>>[vector<16xi32>, vector<16xi32>], vector<16xf32>,
        %swap3A_436 = arith.constant 4 : i32
        %swap3A_437 = arith.index_cast %swap3A_436 : i32 to index
        %swap3A_438 = arith.index_cast %multiple_of3A : i32 to index
        %swap3A_439 = tpu.vector_load %arg8[%swap3A_437, %swap3A_438] {strides = array<i32>} : memref<32x768xf32, #tpu.memory_space<vmem>>, vector<16xf32>,
        tpu.vector_store %arg8[%swap3A_437, %swap3A_438], %gather3A_354 {strides = array<i32>} : memref<32x768xf32, #tpu.memory_space<vmem>>, vector<16xf32>,
        %swap3A_440 = arith.constant 5 : i32
        %swap3A_441 = arith.index_cast %swap3A_440 : i32 to index
        %swap3A_442 = arith.index_cast %multiple_of3A : i32 to index
        %swap3A_443 = tpu.vector_load %arg8[%swap3A_441, %swap3A_442] {strides = array<i32>} : memref<32x768xf32, #tpu.memory_space<vmem>>, vector<16xf32>,
        tpu.vector_store %arg8[%swap3A_441, %swap3A_442], %gather3A_360 {strides = array<i32>} : memref<32x768xf32, #tpu.memory_space<vmem>>, vector<16xf32>,
        %swap3A_444 = arith.constant 6 : i32
        %swap3A_445 = arith.index_cast %swap3A_444 : i32 to index
        %swap3A_446 = arith.index_cast %multiple_of3A : i32 to index
        %swap3A_447 = tpu.vector_load %arg8[%swap3A_445, %swap3A_446] {strides = array<i32>} : memref<32x768xf32, #tpu.memory_space<vmem>>, vector<16xf32>,
        tpu.vector_store %arg8[%swap3A_445, %swap3A_446], %gather3A_366 {strides = array<i32>} : memref<32x768xf32, #tpu.memory_space<vmem>>, vector<16xf32>,
        %swap3A_448 = arith.constant 7 : i32
        %swap3A_449 = arith.index_cast %swap3A_448 : i32 to index
        %swap3A_450 = arith.index_cast %multiple_of3A : i32 to index
        %swap3A_451 = tpu.vector_load %arg8[%swap3A_449, %swap3A_450] {strides = array<i32>} : memref<32x768xf32, #tpu.memory_space<vmem>>, vector<16xf32>,
        tpu.vector_store %arg8[%swap3A_449, %swap3A_450], %gather3A_372 {strides = array<i32>} : memref<32x768xf32, #tpu.memory_space<vmem>>, vector<16xf32>,
        %broadcast_in_dim3A_452 = arith.constant 0 : i32
        %broadcast_in_dim3A_453 = vector.broadcast %broadcast_in_dim3A_452 : i32 to vector<16xi32>
        %add3A_454 = arith.constant 16 : i32
        %add3A_455 = vector.broadcast %add3A_454 : i32 to vector<16xi32>
        %add3A_456 = arith.addi %broadcast_in_dim3A_453, %add3A_455 : vector<16xi32>
        %gather3A_457 = tpu.vector_load_idx %arg6[%add3A_456, %get3A_326] : memref<32x768xf32, #tpu.memory_space<vmem>>[vector<16xi32>, vector<16xi32>], vector<16xf32>,
        %broadcast_in_dim3A_458 = arith.constant 0 : i32
        %broadcast_in_dim3A_459 = vector.broadcast %broadcast_in_dim3A_458 : i32 to vector<16xi32>
        %add3A_460 = arith.constant 17 : i32
        %add3A_461 = vector.broadcast %add3A_460 : i32 to vector<16xi32>
        %add3A_462 = arith.addi %broadcast_in_dim3A_459, %add3A_461 : vector<16xi32>
        %gather3A_463 = tpu.vector_load_idx %arg6[%add3A_462, %get3A_326] : memref<32x768xf32, #tpu.memory_space<vmem>>[vector<16xi32>, vector<16xi32>], vector<16xf32>,
        %broadcast_in_dim3A_464 = arith.constant 0 : i32
        %broadcast_in_dim3A_465 = vector.broadcast %broadcast_in_dim3A_464 : i32 to vector<16xi32>
        %add3A_466 = arith.constant 18 : i32
        %add3A_467 = vector.broadcast %add3A_466 : i32 to vector<16xi32>
        %add3A_468 = arith.addi %broadcast_in_dim3A_465, %add3A_467 : vector<16xi32>
        %gather3A_469 = tpu.vector_load_idx %arg6[%add3A_468, %get3A_326] : memref<32x768xf32, #tpu.memory_space<vmem>>[vector<16xi32>, vector<16xi32>], vector<16xf32>,
        %broadcast_in_dim3A_470 = arith.constant 0 : i32
        %broadcast_in_dim3A_471 = vector.broadcast %broadcast_in_dim3A_470 : i32 to vector<16xi32>
        %add3A_472 = arith.constant 19 : i32
        %add3A_473 = vector.broadcast %add3A_472 : i32 to vector<16xi32>
        %add3A_474 = arith.addi %broadcast_in_dim3A_471, %add3A_473 : vector<16xi32>
        %gather3A_475 = tpu.vector_load_idx %arg6[%add3A_474, %get3A_326] : memref<32x768xf32, #tpu.memory_space<vmem>>[vector<16xi32>, vector<16xi32>], vector<16xf32>,
        %swap3A_476 = arith.constant 8 : i32
        %swap3A_477 = arith.index_cast %swap3A_476 : i32 to index
        %swap3A_478 = arith.index_cast %multiple_of3A : i32 to index
        %swap3A_479 = tpu.vector_load %arg8[%swap3A_477, %swap3A_478] {strides = array<i32>} : memref<32x768xf32, #tpu.memory_space<vmem>>, vector<16xf32>,
        tpu.vector_store %arg8[%swap3A_477, %swap3A_478], %gather3A_378 {strides = array<i32>} : memref<32x768xf32, #tpu.memory_space<vmem>>, vector<16xf32>,
        %swap3A_480 = arith.constant 9 : i32
        %swap3A_481 = arith.index_cast %swap3A_480 : i32 to index
        %swap3A_482 = arith.index_cast %multiple_of3A : i32 to index
        %swap3A_483 = tpu.vector_load %arg8[%swap3A_481, %swap3A_482] {strides = array<i32>} : memref<32x768xf32, #tpu.memory_space<vmem>>, vector<16xf32>,
        tpu.vector_store %arg8[%swap3A_481, %swap3A_482], %gather3A_384 {strides = array<i32>} : memref<32x768xf32, #tpu.memory_space<vmem>>, vector<16xf32>,
        %swap3A_484 = arith.constant 10 : i32
        %swap3A_485 = arith.index_cast %swap3A_484 : i32 to index
        %swap3A_486 = arith.index_cast %multiple_of3A : i32 to index
        %swap3A_487 = tpu.vector_load %arg8[%swap3A_485, %swap3A_486] {strides = array<i32>} : memref<32x768xf32, #tpu.memory_space<vmem>>, vector<16xf32>,
        tpu.vector_store %arg8[%swap3A_485, %swap3A_486], %gather3A_390 {strides = array<i32>} : memref<32x768xf32, #tpu.memory_space<vmem>>, vector<16xf32>,
        %swap3A_488 = arith.constant 11 : i32
        %swap3A_489 = arith.index_cast %swap3A_488 : i32 to index
        %swap3A_490 = arith.index_cast %multiple_of3A : i32 to index
        %swap3A_491 = tpu.vector_load %arg8[%swap3A_489, %swap3A_490] {strides = array<i32>} : memref<32x768xf32, #tpu.memory_space<vmem>>, vector<16xf32>,
        tpu.vector_store %arg8[%swap3A_489, %swap3A_490], %gather3A_396 {strides = array<i32>} : memref<32x768xf32, #tpu.memory_space<vmem>>, vector<16xf32>,
        %broadcast_in_dim3A_492 = arith.constant 0 : i32
        %broadcast_in_dim3A_493 = vector.broadcast %broadcast_in_dim3A_492 : i32 to vector<16xi32>
        %add3A_494 = arith.constant 20 : i32
        %add3A_495 = vector.broadcast %add3A_494 : i32 to vector<16xi32>
        %add3A_496 = arith.addi %broadcast_in_dim3A_493, %add3A_495 : vector<16xi32>
        %gather3A_497 = tpu.vector_load_idx %arg6[%add3A_496, %get3A_326] : memref<32x768xf32, #tpu.memory_space<vmem>>[vector<16xi32>, vector<16xi32>], vector<16xf32>,
        %broadcast_in_dim3A_498 = arith.constant 0 : i32
        %broadcast_in_dim3A_499 = vector.broadcast %broadcast_in_dim3A_498 : i32 to vector<16xi32>
        %add3A_500 = arith.constant 21 : i32
        %add3A_501 = vector.broadcast %add3A_500 : i32 to vector<16xi32>
        %add3A_502 = arith.addi %broadcast_in_dim3A_499, %add3A_501 : vector<16xi32>
        %gather3A_503 = tpu.vector_load_idx %arg6[%add3A_502, %get3A_326] : memref<32x768xf32, #tpu.memory_space<vmem>>[vector<16xi32>, vector<16xi32>], vector<16xf32>,
        %broadcast_in_dim3A_504 = arith.constant 0 : i32
        %broadcast_in_dim3A_505 = vector.broadcast %broadcast_in_dim3A_504 : i32 to vector<16xi32>
        %add3A_506 = arith.constant 22 : i32
        %add3A_507 = vector.broadcast %add3A_506 : i32 to vector<16xi32>
        %add3A_508 = arith.addi %broadcast_in_dim3A_505, %add3A_507 : vector<16xi32>
        %gather3A_509 = tpu.vector_load_idx %arg6[%add3A_508, %get3A_326] : memref<32x768xf32, #tpu.memory_space<vmem>>[vector<16xi32>, vector<16xi32>], vector<16xf32>,
        %broadcast_in_dim3A_510 = arith.constant 0 : i32
        %broadcast_in_dim3A_511 = vector.broadcast %broadcast_in_dim3A_510 : i32 to vector<16xi32>
        %add3A_512 = arith.constant 23 : i32
        %add3A_513 = vector.broadcast %add3A_512 : i32 to vector<16xi32>
        %add3A_514 = arith.addi %broadcast_in_dim3A_511, %add3A_513 : vector<16xi32>
        %gather3A_515 = tpu.vector_load_idx %arg6[%add3A_514, %get3A_326] : memref<32x768xf32, #tpu.memory_space<vmem>>[vector<16xi32>, vector<16xi32>], vector<16xf32>,
        %swap3A_516 = arith.constant 12 : i32
        %swap3A_517 = arith.index_cast %swap3A_516 : i32 to index
        %swap3A_518 = arith.index_cast %multiple_of3A : i32 to index
        %swap3A_519 = tpu.vector_load %arg8[%swap3A_517, %swap3A_518] {strides = array<i32>} : memref<32x768xf32, #tpu.memory_space<vmem>>, vector<16xf32>,
        tpu.vector_store %arg8[%swap3A_517, %swap3A_518], %gather3A_417 {strides = array<i32>} : memref<32x768xf32, #tpu.memory_space<vmem>>, vector<16xf32>,
        %swap3A_520 = arith.constant 13 : i32
        %swap3A_521 = arith.index_cast %swap3A_520 : i32 to index
        %swap3A_522 = arith.index_cast %multiple_of3A : i32 to index
        %swap3A_523 = tpu.vector_load %arg8[%swap3A_521, %swap3A_522] {strides = array<i32>} : memref<32x768xf32, #tpu.memory_space<vmem>>, vector<16xf32>,
        tpu.vector_store %arg8[%swap3A_521, %swap3A_522], %gather3A_423 {strides = array<i32>} : memref<32x768xf32, #tpu.memory_space<vmem>>, vector<16xf32>,
        %swap3A_524 = arith.constant 14 : i32
        %swap3A_525 = arith.index_cast %swap3A_524 : i32 to index
        %swap3A_526 = arith.index_cast %multiple_of3A : i32 to index
        %swap3A_527 = tpu.vector_load %arg8[%swap3A_525, %swap3A_526] {strides = array<i32>} : memref<32x768xf32, #tpu.memory_space<vmem>>, vector<16xf32>,
        tpu.vector_store %arg8[%swap3A_525, %swap3A_526], %gather3A_429 {strides = array<i32>} : memref<32x768xf32, #tpu.memory_space<vmem>>, vector<16xf32>,
        %swap3A_528 = arith.constant 15 : i32
        %swap3A_529 = arith.index_cast %swap3A_528 : i32 to index
        %swap3A_530 = arith.index_cast %multiple_of3A : i32 to index
        %swap3A_531 = tpu.vector_load %arg8[%swap3A_529, %swap3A_530] {strides = array<i32>} : memref<32x768xf32, #tpu.memory_space<vmem>>, vector<16xf32>,
        tpu.vector_store %arg8[%swap3A_529, %swap3A_530], %gather3A_435 {strides = array<i32>} : memref<32x768xf32, #tpu.memory_space<vmem>>, vector<16xf32>,
        %broadcast_in_dim3A_532 = arith.constant 0 : i32
        %broadcast_in_dim3A_533 = vector.broadcast %broadcast_in_dim3A_532 : i32 to vector<16xi32>
        %add3A_534 = arith.constant 24 : i32
        %add3A_535 = vector.broadcast %add3A_534 : i32 to vector<16xi32>
        %add3A_536 = arith.addi %broadcast_in_dim3A_533, %add3A_535 : vector<16xi32>
        %gather3A_537 = tpu.vector_load_idx %arg6[%add3A_536, %get3A_326] : memref<32x768xf32, #tpu.memory_space<vmem>>[vector<16xi32>, vector<16xi32>], vector<16xf32>,
        %broadcast_in_dim3A_538 = arith.constant 0 : i32
        %broadcast_in_dim3A_539 = vector.broadcast %broadcast_in_dim3A_538 : i32 to vector<16xi32>
        %add3A_540 = arith.constant 25 : i32
        %add3A_541 = vector.broadcast %add3A_540 : i32 to vector<16xi32>
        %add3A_542 = arith.addi %broadcast_in_dim3A_539, %add3A_541 : vector<16xi32>
        %gather3A_543 = tpu.vector_load_idx %arg6[%add3A_542, %get3A_326] : memref<32x768xf32, #tpu.memory_space<vmem>>[vector<16xi32>, vector<16xi32>], vector<16xf32>,
        %broadcast_in_dim3A_544 = arith.constant 0 : i32
        %broadcast_in_dim3A_545 = vector.broadcast %broadcast_in_dim3A_544 : i32 to vector<16xi32>
        %add3A_546 = arith.constant 26 : i32
        %add3A_547 = vector.broadcast %add3A_546 : i32 to vector<16xi32>
        %add3A_548 = arith.addi %broadcast_in_dim3A_545, %add3A_547 : vector<16xi32>
        %gather3A_549 = tpu.vector_load_idx %arg6[%add3A_548, %get3A_326] : memref<32x768xf32, #tpu.memory_space<vmem>>[vector<16xi32>, vector<16xi32>], vector<16xf32>,
        %broadcast_in_dim3A_550 = arith.constant 0 : i32
        %broadcast_in_dim3A_551 = vector.broadcast %broadcast_in_dim3A_550 : i32 to vector<16xi32>
        %add3A_552 = arith.constant 27 : i32
        %add3A_553 = vector.broadcast %add3A_552 : i32 to vector<16xi32>
        %add3A_554 = arith.addi %broadcast_in_dim3A_551, %add3A_553 : vector<16xi32>
        %gather3A_555 = tpu.vector_load_idx %arg6[%add3A_554, %get3A_326] : memref<32x768xf32, #tpu.memory_space<vmem>>[vector<16xi32>, vector<16xi32>], vector<16xf32>,
        %swap3A_556 = arith.constant 16 : i32
        %swap3A_557 = arith.index_cast %swap3A_556 : i32 to index
        %swap3A_558 = arith.index_cast %multiple_of3A : i32 to index
        %swap3A_559 = tpu.vector_load %arg8[%swap3A_557, %swap3A_558] {strides = array<i32>} : memref<32x768xf32, #tpu.memory_space<vmem>>, vector<16xf32>,
        tpu.vector_store %arg8[%swap3A_557, %swap3A_558], %gather3A_457 {strides = array<i32>} : memref<32x768xf32, #tpu.memory_space<vmem>>, vector<16xf32>,
        %swap3A_560 = arith.constant 17 : i32
        %swap3A_561 = arith.index_cast %swap3A_560 : i32 to index
        %swap3A_562 = arith.index_cast %multiple_of3A : i32 to index
        %swap3A_563 = tpu.vector_load %arg8[%swap3A_561, %swap3A_562] {strides = array<i32>} : memref<32x768xf32, #tpu.memory_space<vmem>>, vector<16xf32>,
        tpu.vector_store %arg8[%swap3A_561, %swap3A_562], %gather3A_463 {strides = array<i32>} : memref<32x768xf32, #tpu.memory_space<vmem>>, vector<16xf32>,
        %swap3A_564 = arith.constant 18 : i32
        %swap3A_565 = arith.index_cast %swap3A_564 : i32 to index
        %swap3A_566 = arith.index_cast %multiple_of3A : i32 to index
        %swap3A_567 = tpu.vector_load %arg8[%swap3A_565, %swap3A_566] {strides = array<i32>} : memref<32x768xf32, #tpu.memory_space<vmem>>, vector<16xf32>,
        tpu.vector_store %arg8[%swap3A_565, %swap3A_566], %gather3A_469 {strides = array<i32>} : memref<32x768xf32, #tpu.memory_space<vmem>>, vector<16xf32>,
        %swap3A_568 = arith.constant 19 : i32
        %swap3A_569 = arith.index_cast %swap3A_568 : i32 to index
        %swap3A_570 = arith.index_cast %multiple_of3A : i32 to index
        %swap3A_571 = tpu.vector_load %arg8[%swap3A_569, %swap3A_570] {strides = array<i32>} : memref<32x768xf32, #tpu.memory_space<vmem>>, vector<16xf32>,
        tpu.vector_store %arg8[%swap3A_569, %swap3A_570], %gather3A_475 {strides = array<i32>} : memref<32x768xf32, #tpu.memory_space<vmem>>, vector<16xf32>,
        %broadcast_in_dim3A_572 = arith.constant 0 : i32
        %broadcast_in_dim3A_573 = vector.broadcast %broadcast_in_dim3A_572 : i32 to vector<16xi32>
        %add3A_574 = arith.constant 28 : i32
        %add3A_575 = vector.broadcast %add3A_574 : i32 to vector<16xi32>
        %add3A_576 = arith.addi %broadcast_in_dim3A_573, %add3A_575 : vector<16xi32>
        %gather3A_577 = tpu.vector_load_idx %arg6[%add3A_576, %get3A_326] : memref<32x768xf32, #tpu.memory_space<vmem>>[vector<16xi32>, vector<16xi32>], vector<16xf32>,
        %broadcast_in_dim3A_578 = arith.constant 0 : i32
        %broadcast_in_dim3A_579 = vector.broadcast %broadcast_in_dim3A_578 : i32 to vector<16xi32>
        %add3A_580 = arith.constant 29 : i32
        %add3A_581 = vector.broadcast %add3A_580 : i32 to vector<16xi32>
        %add3A_582 = arith.addi %broadcast_in_dim3A_579, %add3A_581 : vector<16xi32>
        %gather3A_583 = tpu.vector_load_idx %arg6[%add3A_582, %get3A_326] : memref<32x768xf32, #tpu.memory_space<vmem>>[vector<16xi32>, vector<16xi32>], vector<16xf32>,
        %broadcast_in_dim3A_584 = arith.constant 0 : i32
        %broadcast_in_dim3A_585 = vector.broadcast %broadcast_in_dim3A_584 : i32 to vector<16xi32>
        %add3A_586 = arith.constant 30 : i32
        %add3A_587 = vector.broadcast %add3A_586 : i32 to vector<16xi32>
        %add3A_588 = arith.addi %broadcast_in_dim3A_585, %add3A_587 : vector<16xi32>
        %gather3A_589 = tpu.vector_load_idx %arg6[%add3A_588, %get3A_326] : memref<32x768xf32, #tpu.memory_space<vmem>>[vector<16xi32>, vector<16xi32>], vector<16xf32>,
        %broadcast_in_dim3A_590 = arith.constant 0 : i32
        %broadcast_in_dim3A_591 = vector.broadcast %broadcast_in_dim3A_590 : i32 to vector<16xi32>
        %add3A_592 = arith.constant 31 : i32
        %add3A_593 = vector.broadcast %add3A_592 : i32 to vector<16xi32>
        %add3A_594 = arith.addi %broadcast_in_dim3A_591, %add3A_593 : vector<16xi32>
        %gather3A_595 = tpu.vector_load_idx %arg6[%add3A_594, %get3A_326] : memref<32x768xf32, #tpu.memory_space<vmem>>[vector<16xi32>, vector<16xi32>], vector<16xf32>,
        %swap3A_596 = arith.constant 20 : i32
        %swap3A_597 = arith.index_cast %swap3A_596 : i32 to index
        %swap3A_598 = arith.index_cast %multiple_of3A : i32 to index
        %swap3A_599 = tpu.vector_load %arg8[%swap3A_597, %swap3A_598] {strides = array<i32>} : memref<32x768xf32, #tpu.memory_space<vmem>>, vector<16xf32>,
        tpu.vector_store %arg8[%swap3A_597, %swap3A_598], %gather3A_497 {strides = array<i32>} : memref<32x768xf32, #tpu.memory_space<vmem>>, vector<16xf32>,
        %swap3A_600 = arith.constant 21 : i32
        %swap3A_601 = arith.index_cast %swap3A_600 : i32 to index
        %swap3A_602 = arith.index_cast %multiple_of3A : i32 to index
        %swap3A_603 = tpu.vector_load %arg8[%swap3A_601, %swap3A_602] {strides = array<i32>} : memref<32x768xf32, #tpu.memory_space<vmem>>, vector<16xf32>,
        tpu.vector_store %arg8[%swap3A_601, %swap3A_602], %gather3A_503 {strides = array<i32>} : memref<32x768xf32, #tpu.memory_space<vmem>>, vector<16xf32>,
        %swap3A_604 = arith.constant 22 : i32
        %swap3A_605 = arith.index_cast %swap3A_604 : i32 to index
        %swap3A_606 = arith.index_cast %multiple_of3A : i32 to index
        %swap3A_607 = tpu.vector_load %arg8[%swap3A_605, %swap3A_606] {strides = array<i32>} : memref<32x768xf32, #tpu.memory_space<vmem>>, vector<16xf32>,
        tpu.vector_store %arg8[%swap3A_605, %swap3A_606], %gather3A_509 {strides = array<i32>} : memref<32x768xf32, #tpu.memory_space<vmem>>, vector<16xf32>,
        %swap3A_608 = arith.constant 23 : i32
        %swap3A_609 = arith.index_cast %swap3A_608 : i32 to index
        %swap3A_610 = arith.index_cast %multiple_of3A : i32 to index
        %swap3A_611 = tpu.vector_load %arg8[%swap3A_609, %swap3A_610] {strides = array<i32>} : memref<32x768xf32, #tpu.memory_space<vmem>>, vector<16xf32>,
        tpu.vector_store %arg8[%swap3A_609, %swap3A_610], %gather3A_515 {strides = array<i32>} : memref<32x768xf32, #tpu.memory_space<vmem>>, vector<16xf32>,
        %swap3A_612 = arith.constant 24 : i32
        %swap3A_613 = arith.index_cast %swap3A_612 : i32 to index
        %swap3A_614 = arith.index_cast %multiple_of3A : i32 to index
        %swap3A_615 = tpu.vector_load %arg8[%swap3A_613, %swap3A_614] {strides = array<i32>} : memref<32x768xf32, #tpu.memory_space<vmem>>, vector<16xf32>,
        tpu.vector_store %arg8[%swap3A_613, %swap3A_614], %gather3A_537 {strides = array<i32>} : memref<32x768xf32, #tpu.memory_space<vmem>>, vector<16xf32>,
        %swap3A_616 = arith.constant 25 : i32
        %swap3A_617 = arith.index_cast %swap3A_616 : i32 to index
        %swap3A_618 = arith.index_cast %multiple_of3A : i32 to index
        %swap3A_619 = tpu.vector_load %arg8[%swap3A_617, %swap3A_618] {strides = array<i32>} : memref<32x768xf32, #tpu.memory_space<vmem>>, vector<16xf32>,
        tpu.vector_store %arg8[%swap3A_617, %swap3A_618], %gather3A_543 {strides = array<i32>} : memref<32x768xf32, #tpu.memory_space<vmem>>, vector<16xf32>,
        %swap3A_620 = arith.constant 26 : i32
        %swap3A_621 = arith.index_cast %swap3A_620 : i32 to index
        %swap3A_622 = arith.index_cast %multiple_of3A : i32 to index
        %swap3A_623 = tpu.vector_load %arg8[%swap3A_621, %swap3A_622] {strides = array<i32>} : memref<32x768xf32, #tpu.memory_space<vmem>>, vector<16xf32>,
        tpu.vector_store %arg8[%swap3A_621, %swap3A_622], %gather3A_549 {strides = array<i32>} : memref<32x768xf32, #tpu.memory_space<vmem>>, vector<16xf32>,
        %swap3A_624 = arith.constant 27 : i32
        %swap3A_625 = arith.index_cast %swap3A_624 : i32 to index
        %swap3A_626 = arith.index_cast %multiple_of3A : i32 to index
        %swap3A_627 = tpu.vector_load %arg8[%swap3A_625, %swap3A_626] {strides = array<i32>} : memref<32x768xf32, #tpu.memory_space<vmem>>, vector<16xf32>,
        tpu.vector_store %arg8[%swap3A_625, %swap3A_626], %gather3A_555 {strides = array<i32>} : memref<32x768xf32, #tpu.memory_space<vmem>>, vector<16xf32>,
        %swap3A_628 = arith.constant 28 : i32
        %swap3A_629 = arith.index_cast %swap3A_628 : i32 to index
        %swap3A_630 = arith.index_cast %multiple_of3A : i32 to index
        %swap3A_631 = tpu.vector_load %arg8[%swap3A_629, %swap3A_630] {strides = array<i32>} : memref<32x768xf32, #tpu.memory_space<vmem>>, vector<16xf32>,
        tpu.vector_store %arg8[%swap3A_629, %swap3A_630], %gather3A_577 {strides = array<i32>} : memref<32x768xf32, #tpu.memory_space<vmem>>, vector<16xf32>,
        %swap3A_632 = arith.constant 29 : i32
        %swap3A_633 = arith.index_cast %swap3A_632 : i32 to index
        %swap3A_634 = arith.index_cast %multiple_of3A : i32 to index
        %swap3A_635 = tpu.vector_load %arg8[%swap3A_633, %swap3A_634] {strides = array<i32>} : memref<32x768xf32, #tpu.memory_space<vmem>>, vector<16xf32>,
        tpu.vector_store %arg8[%swap3A_633, %swap3A_634], %gather3A_583 {strides = array<i32>} : memref<32x768xf32, #tpu.memory_space<vmem>>, vector<16xf32>,
        %swap3A_636 = arith.constant 30 : i32
        %swap3A_637 = arith.index_cast %swap3A_636 : i32 to index
        %swap3A_638 = arith.index_cast %multiple_of3A : i32 to index
        %swap3A_639 = tpu.vector_load %arg8[%swap3A_637, %swap3A_638] {strides = array<i32>} : memref<32x768xf32, #tpu.memory_space<vmem>>, vector<16xf32>,
        tpu.vector_store %arg8[%swap3A_637, %swap3A_638], %gather3A_589 {strides = array<i32>} : memref<32x768xf32, #tpu.memory_space<vmem>>, vector<16xf32>,
        %swap3A_640 = arith.constant 31 : i32
        %swap3A_641 = arith.index_cast %swap3A_640 : i32 to index
        %swap3A_642 = arith.index_cast %multiple_of3A : i32 to index
        %swap3A_643 = tpu.vector_load %arg8[%swap3A_641, %swap3A_642] {strides = array<i32>} : memref<32x768xf32, #tpu.memory_space<vmem>>, vector<16xf32>,
        tpu.vector_store %arg8[%swap3A_641, %swap3A_642], %gather3A_595 {strides = array<i32>} : memref<32x768xf32, #tpu.memory_space<vmem>>, vector<16xf32>,
      }
      %scan3A_254 = arith.constant 48 : i32
      %add3A_255 = arith.addi %mul3A_2, %add3A_230 : i32
      %dma_start3A_256 = arith.constant 0 : i32
      %dma_start3A_257 = arith.constant 0 : i32
      %dma_start3A_258 = tpu.memref_slice %arg4[%add3A_255, %dma_start3A_256, %dma_start3A_257] : memref<1568x32x768xf32, #tpu.memory_space<hbm>> -> memref<1x32x768xf32, #tpu.memory_space<hbm>>
      %dma_start3A_259 = tpu.memref_squeeze %dma_start3A_258 : memref<1x32x768xf32, #tpu.memory_space<hbm>> -> memref<32x768xf32, #tpu.memory_space<hbm>>
      %dma_start3A_260 = arith.constant 0 : i32
      %dma_start3A_261 = arith.constant 0 : i32
      %dma_start3A_262 = tpu.memref_slice %arg4[%add3A_255, %dma_start3A_260, %dma_start3A_261] : memref<1568x32x768xf32, #tpu.memory_space<hbm>> -> memref<1x32x768xf32, #tpu.memory_space<hbm>>
      %dma_start3A_263 = tpu.memref_squeeze %dma_start3A_262 : memref<1x32x768xf32, #tpu.memory_space<hbm>> -> memref<32x768xf32, #tpu.memory_space<hbm>>
      tpu.enqueue_dma source(%arg8 : memref<32x768xf32, #tpu.memory_space<vmem>>) target(%dma_start3A_263 : memref<32x768xf32, #tpu.memory_space<hbm>>) target_semaphore(%arg12 : memref<!tpu.dma_semaphore, #tpu.memory_space<semaphore_mem>>)
      %add3A_264 = arith.constant 2 : i32
      %add3A_265 = arith.addi %add3A_230, %add3A_264 : i32
      %add3A_266 = arith.addi %mul3A_2, %add3A_265 : i32
      %dma_start3A_267 = arith.constant 0 : i32
      %dma_start3A_268 = arith.constant 0 : i32
      %dma_start3A_269 = tpu.memref_slice %arg2[%add3A_266, %dma_start3A_267, %dma_start3A_268] : memref<1568x32x768xf32, #tpu.memory_space<hbm>> -> memref<1x32x768xf32, #tpu.memory_space<hbm>>
      %dma_start3A_270 = tpu.memref_squeeze %dma_start3A_269 : memref<1x32x768xf32, #tpu.memory_space<hbm>> -> memref<32x768xf32, #tpu.memory_space<hbm>>
      %dma_start3A_271 = arith.constant 0 : i32
      %dma_start3A_272 = arith.constant 0 : i32
      %dma_start3A_273 = tpu.memref_slice %arg2[%add3A_266, %dma_start3A_271, %dma_start3A_272] : memref<1568x32x768xf32, #tpu.memory_space<hbm>> -> memref<1x32x768xf32, #tpu.memory_space<hbm>>
      %dma_start3A_274 = tpu.memref_squeeze %dma_start3A_273 : memref<1x32x768xf32, #tpu.memory_space<hbm>> -> memref<32x768xf32, #tpu.memory_space<hbm>>
      tpu.enqueue_dma source(%dma_start3A_274 : memref<32x768xf32, #tpu.memory_space<hbm>>) target(%arg6 : memref<32x768xf32, #tpu.memory_space<vmem>>) target_semaphore(%arg10 : memref<!tpu.dma_semaphore, #tpu.memory_space<semaphore_mem>>)
      %mul3A_275 = arith.constant 2 : i32
      %mul3A_276 = arith.muli %mul3A_275, %scan3A_226 : i32
      %add3A_277 = arith.constant 1 : i32
      %add3A_278 = arith.addi %mul3A_276, %add3A_277 : i32
      %dma_wait3A_279 = arith.constant 0 : i32
      %dma_wait3A_280 = arith.constant 0 : i32
      %dma_wait3A_281 = arith.constant 0 : i32
      %dma_wait3A_282 = tpu.memref_slice %arg2[%dma_wait3A_279, %dma_wait3A_280, %dma_wait3A_281] : memref<1568x32x768xf32, #tpu.memory_space<hbm>> -> memref<1x32x768xf32, #tpu.memory_space<hbm>>
      %dma_wait3A_283 = tpu.memref_squeeze %dma_wait3A_282 : memref<1x32x768xf32, #tpu.memory_space<hbm>> -> memref<32x768xf32, #tpu.memory_space<hbm>>
      %dma_wait3A_284 = arith.constant 0 : i32
      %dma_wait3A_285 = arith.constant 0 : i32
      %dma_wait3A_286 = tpu.memref_slice %arg2[%dma_wait3A_279, %dma_wait3A_284, %dma_wait3A_285] : memref<1568x32x768xf32, #tpu.memory_space<hbm>> -> memref<1x32x768xf32, #tpu.memory_space<hbm>>
      %dma_wait3A_287 = tpu.memref_squeeze %dma_wait3A_286 : memref<1x32x768xf32, #tpu.memory_space<hbm>> -> memref<32x768xf32, #tpu.memory_space<hbm>>
      tpu.wait_dma2 semaphore(%arg11 : memref<!tpu.dma_semaphore, #tpu.memory_space<semaphore_mem>>) src(%dma_wait3A_287 : memref<32x768xf32, #tpu.memory_space<hbm>>) dst(%arg7 : memref<32x768xf32, #tpu.memory_space<vmem>>)
      %dma_wait3A_288 = arith.constant 0 : i32
      %dma_wait3A_289 = arith.constant 0 : i32
      %dma_wait3A_290 = arith.constant 0 : i32
      %dma_wait3A_291 = tpu.memref_slice %arg4[%dma_wait3A_288, %dma_wait3A_289, %dma_wait3A_290] : memref<1568x32x768xf32, #tpu.memory_space<hbm>> -> memref<1x32x768xf32, #tpu.memory_space<hbm>>
      %dma_wait3A_292 = tpu.memref_squeeze %dma_wait3A_291 : memref<1x32x768xf32, #tpu.memory_space<hbm>> -> memref<32x768xf32, #tpu.memory_space<hbm>>
      %dma_wait3A_293 = arith.constant 0 : i32
      %dma_wait3A_294 = arith.constant 0 : i32
      %dma_wait3A_295 = tpu.memref_slice %arg4[%dma_wait3A_288, %dma_wait3A_293, %dma_wait3A_294] : memref<1568x32x768xf32, #tpu.memory_space<hbm>> -> memref<1x32x768xf32, #tpu.memory_space<hbm>>
      %dma_wait3A_296 = tpu.memref_squeeze %dma_wait3A_295 : memref<1x32x768xf32, #tpu.memory_space<hbm>> -> memref<32x768xf32, #tpu.memory_space<hbm>>
      tpu.wait_dma2 semaphore(%arg13 : memref<!tpu.dma_semaphore, #tpu.memory_space<semaphore_mem>>) src(%arg9 : memref<32x768xf32, #tpu.memory_space<vmem>>) dst(%dma_wait3A_296 : memref<32x768xf32, #tpu.memory_space<hbm>>)
      %scan3A_297 = arith.constant 0 : i32
      %scan3A_298 = arith.constant 0 : i32
      %scan3A_299 = arith.constant 48 : i32
      %scan3A_300 = arith.addi %scan3A_298, %scan3A_299 : i32
      %scan3A_301 = arith.constant 1 : i32
      scf.for %scan3A_323 = %scan3A_298 to %scan3A_300 step %scan3A_301  : i32 {
        %mul3A_324 = arith.constant 16 : i32
        %mul3A_325 = arith.muli %scan3A_323, %mul3A_324 : i32
        %multiple_of3A = tpu.assume_multiple %mul3A_325, 16 : i32
        %get3A = arith.index_cast %multiple_of3A : i32 to index
        %get3A_326 = tpu.vector_load %arg5[%get3A] {strides = array<i32>} : memref<768xi32, #tpu.memory_space<vmem>>, vector<16xi32>,
        %broadcast_in_dim3A = arith.constant 0 : i32
        %broadcast_in_dim3A_327 = vector.broadcast %broadcast_in_dim3A : i32 to vector<16xi32>
        %add3A_328 = arith.constant 0 : i32
        %add3A_329 = vector.broadcast %add3A_328 : i32 to vector<16xi32>
        %add3A_330 = arith.addi %broadcast_in_dim3A_327, %add3A_329 : vector<16xi32>
        %gather3A = tpu.vector_load_idx %arg7[%add3A_330, %get3A_326] : memref<32x768xf32, #tpu.memory_space<vmem>>[vector<16xi32>, vector<16xi32>], vector<16xf32>,
        %broadcast_in_dim3A_331 = arith.constant 0 : i32
        %broadcast_in_dim3A_332 = vector.broadcast %broadcast_in_dim3A_331 : i32 to vector<16xi32>
        %add3A_333 = arith.constant 1 : i32
        %add3A_334 = vector.broadcast %add3A_333 : i32 to vector<16xi32>
        %add3A_335 = arith.addi %broadcast_in_dim3A_332, %add3A_334 : vector<16xi32>
        %gather3A_336 = tpu.vector_load_idx %arg7[%add3A_335, %get3A_326] : memref<32x768xf32, #tpu.memory_space<vmem>>[vector<16xi32>, vector<16xi32>], vector<16xf32>,
        %broadcast_in_dim3A_337 = arith.constant 0 : i32
        %broadcast_in_dim3A_338 = vector.broadcast %broadcast_in_dim3A_337 : i32 to vector<16xi32>
        %add3A_339 = arith.constant 2 : i32
        %add3A_340 = vector.broadcast %add3A_339 : i32 to vector<16xi32>
        %add3A_341 = arith.addi %broadcast_in_dim3A_338, %add3A_340 : vector<16xi32>
        %gather3A_342 = tpu.vector_load_idx %arg7[%add3A_341, %get3A_326] : memref<32x768xf32, #tpu.memory_space<vmem>>[vector<16xi32>, vector<16xi32>], vector<16xf32>,
        %broadcast_in_dim3A_343 = arith.constant 0 : i32
        %broadcast_in_dim3A_344 = vector.broadcast %broadcast_in_dim3A_343 : i32 to vector<16xi32>
        %add3A_345 = arith.constant 3 : i32
        %add3A_346 = vector.broadcast %add3A_345 : i32 to vector<16xi32>
        %add3A_347 = arith.addi %broadcast_in_dim3A_344, %add3A_346 : vector<16xi32>
        %gather3A_348 = tpu.vector_load_idx %arg7[%add3A_347, %get3A_326] : memref<32x768xf32, #tpu.memory_space<vmem>>[vector<16xi32>, vector<16xi32>], vector<16xf32>,
        %broadcast_in_dim3A_349 = arith.constant 0 : i32
        %broadcast_in_dim3A_350 = vector.broadcast %broadcast_in_dim3A_349 : i32 to vector<16xi32>
        %add3A_351 = arith.constant 4 : i32
        %add3A_352 = vector.broadcast %add3A_351 : i32 to vector<16xi32>
        %add3A_353 = arith.addi %broadcast_in_dim3A_350, %add3A_352 : vector<16xi32>
        %gather3A_354 = tpu.vector_load_idx %arg7[%add3A_353, %get3A_326] : memref<32x768xf32, #tpu.memory_space<vmem>>[vector<16xi32>, vector<16xi32>], vector<16xf32>,
        %broadcast_in_dim3A_355 = arith.constant 0 : i32
        %broadcast_in_dim3A_356 = vector.broadcast %broadcast_in_dim3A_355 : i32 to vector<16xi32>
        %add3A_357 = arith.constant 5 : i32
        %add3A_358 = vector.broadcast %add3A_357 : i32 to vector<16xi32>
        %add3A_359 = arith.addi %broadcast_in_dim3A_356, %add3A_358 : vector<16xi32>
        %gather3A_360 = tpu.vector_load_idx %arg7[%add3A_359, %get3A_326] : memref<32x768xf32, #tpu.memory_space<vmem>>[vector<16xi32>, vector<16xi32>], vector<16xf32>,
        %broadcast_in_dim3A_361 = arith.constant 0 : i32
        %broadcast_in_dim3A_362 = vector.broadcast %broadcast_in_dim3A_361 : i32 to vector<16xi32>
        %add3A_363 = arith.constant 6 : i32
        %add3A_364 = vector.broadcast %add3A_363 : i32 to vector<16xi32>
        %add3A_365 = arith.addi %broadcast_in_dim3A_362, %add3A_364 : vector<16xi32>
        %gather3A_366 = tpu.vector_load_idx %arg7[%add3A_365, %get3A_326] : memref<32x768xf32, #tpu.memory_space<vmem>>[vector<16xi32>, vector<16xi32>], vector<16xf32>,
        %broadcast_in_dim3A_367 = arith.constant 0 : i32
        %broadcast_in_dim3A_368 = vector.broadcast %broadcast_in_dim3A_367 : i32 to vector<16xi32>
        %add3A_369 = arith.constant 7 : i32
        %add3A_370 = vector.broadcast %add3A_369 : i32 to vector<16xi32>
        %add3A_371 = arith.addi %broadcast_in_dim3A_368, %add3A_370 : vector<16xi32>
        %gather3A_372 = tpu.vector_load_idx %arg7[%add3A_371, %get3A_326] : memref<32x768xf32, #tpu.memory_space<vmem>>[vector<16xi32>, vector<16xi32>], vector<16xf32>,
        %broadcast_in_dim3A_373 = arith.constant 0 : i32
        %broadcast_in_dim3A_374 = vector.broadcast %broadcast_in_dim3A_373 : i32 to vector<16xi32>
        %add3A_375 = arith.constant 8 : i32
        %add3A_376 = vector.broadcast %add3A_375 : i32 to vector<16xi32>
        %add3A_377 = arith.addi %broadcast_in_dim3A_374, %add3A_376 : vector<16xi32>
        %gather3A_378 = tpu.vector_load_idx %arg7[%add3A_377, %get3A_326] : memref<32x768xf32, #tpu.memory_space<vmem>>[vector<16xi32>, vector<16xi32>], vector<16xf32>,
        %broadcast_in_dim3A_379 = arith.constant 0 : i32
        %broadcast_in_dim3A_380 = vector.broadcast %broadcast_in_dim3A_379 : i32 to vector<16xi32>
        %add3A_381 = arith.constant 9 : i32
        %add3A_382 = vector.broadcast %add3A_381 : i32 to vector<16xi32>
        %add3A_383 = arith.addi %broadcast_in_dim3A_380, %add3A_382 : vector<16xi32>
        %gather3A_384 = tpu.vector_load_idx %arg7[%add3A_383, %get3A_326] : memref<32x768xf32, #tpu.memory_space<vmem>>[vector<16xi32>, vector<16xi32>], vector<16xf32>,
        %broadcast_in_dim3A_385 = arith.constant 0 : i32
        %broadcast_in_dim3A_386 = vector.broadcast %broadcast_in_dim3A_385 : i32 to vector<16xi32>
        %add3A_387 = arith.constant 10 : i32
        %add3A_388 = vector.broadcast %add3A_387 : i32 to vector<16xi32>
        %add3A_389 = arith.addi %broadcast_in_dim3A_386, %add3A_388 : vector<16xi32>
        %gather3A_390 = tpu.vector_load_idx %arg7[%add3A_389, %get3A_326] : memref<32x768xf32, #tpu.memory_space<vmem>>[vector<16xi32>, vector<16xi32>], vector<16xf32>,
        %broadcast_in_dim3A_391 = arith.constant 0 : i32
        %broadcast_in_dim3A_392 = vector.broadcast %broadcast_in_dim3A_391 : i32 to vector<16xi32>
        %add3A_393 = arith.constant 11 : i32
        %add3A_394 = vector.broadcast %add3A_393 : i32 to vector<16xi32>
        %add3A_395 = arith.addi %broadcast_in_dim3A_392, %add3A_394 : vector<16xi32>
        %gather3A_396 = tpu.vector_load_idx %arg7[%add3A_395, %get3A_326] : memref<32x768xf32, #tpu.memory_space<vmem>>[vector<16xi32>, vector<16xi32>], vector<16xf32>,
        %swap3A = arith.constant 0 : i32
        %swap3A_397 = arith.index_cast %swap3A : i32 to index
        %swap3A_398 = arith.index_cast %multiple_of3A : i32 to index
        %swap3A_399 = tpu.vector_load %arg9[%swap3A_397, %swap3A_398] {strides = array<i32>} : memref<32x768xf32, #tpu.memory_space<vmem>>, vector<16xf32>,
        tpu.vector_store %arg9[%swap3A_397, %swap3A_398], %gather3A {strides = array<i32>} : memref<32x768xf32, #tpu.memory_space<vmem>>, vector<16xf32>,
        %swap3A_400 = arith.constant 1 : i32
        %swap3A_401 = arith.index_cast %swap3A_400 : i32 to index
        %swap3A_402 = arith.index_cast %multiple_of3A : i32 to index
        %swap3A_403 = tpu.vector_load %arg9[%swap3A_401, %swap3A_402] {strides = array<i32>} : memref<32x768xf32, #tpu.memory_space<vmem>>, vector<16xf32>,
        tpu.vector_store %arg9[%swap3A_401, %swap3A_402], %gather3A_336 {strides = array<i32>} : memref<32x768xf32, #tpu.memory_space<vmem>>, vector<16xf32>,
        %swap3A_404 = arith.constant 2 : i32
        %swap3A_405 = arith.index_cast %swap3A_404 : i32 to index
        %swap3A_406 = arith.index_cast %multiple_of3A : i32 to index
        %swap3A_407 = tpu.vector_load %arg9[%swap3A_405, %swap3A_406] {strides = array<i32>} : memref<32x768xf32, #tpu.memory_space<vmem>>, vector<16xf32>,
        tpu.vector_store %arg9[%swap3A_405, %swap3A_406], %gather3A_342 {strides = array<i32>} : memref<32x768xf32, #tpu.memory_space<vmem>>, vector<16xf32>,
        %swap3A_408 = arith.constant 3 : i32
        %swap3A_409 = arith.index_cast %swap3A_408 : i32 to index
        %swap3A_410 = arith.index_cast %multiple_of3A : i32 to index
        %swap3A_411 = tpu.vector_load %arg9[%swap3A_409, %swap3A_410] {strides = array<i32>} : memref<32x768xf32, #tpu.memory_space<vmem>>, vector<16xf32>,
        tpu.vector_store %arg9[%swap3A_409, %swap3A_410], %gather3A_348 {strides = array<i32>} : memref<32x768xf32, #tpu.memory_space<vmem>>, vector<16xf32>,
        %broadcast_in_dim3A_412 = arith.constant 0 : i32
        %broadcast_in_dim3A_413 = vector.broadcast %broadcast_in_dim3A_412 : i32 to vector<16xi32>
        %add3A_414 = arith.constant 12 : i32
        %add3A_415 = vector.broadcast %add3A_414 : i32 to vector<16xi32>
        %add3A_416 = arith.addi %broadcast_in_dim3A_413, %add3A_415 : vector<16xi32>
        %gather3A_417 = tpu.vector_load_idx %arg7[%add3A_416, %get3A_326] : memref<32x768xf32, #tpu.memory_space<vmem>>[vector<16xi32>, vector<16xi32>], vector<16xf32>,
        %broadcast_in_dim3A_418 = arith.constant 0 : i32
        %broadcast_in_dim3A_419 = vector.broadcast %broadcast_in_dim3A_418 : i32 to vector<16xi32>
        %add3A_420 = arith.constant 13 : i32
        %add3A_421 = vector.broadcast %add3A_420 : i32 to vector<16xi32>
        %add3A_422 = arith.addi %broadcast_in_dim3A_419, %add3A_421 : vector<16xi32>
        %gather3A_423 = tpu.vector_load_idx %arg7[%add3A_422, %get3A_326] : memref<32x768xf32, #tpu.memory_space<vmem>>[vector<16xi32>, vector<16xi32>], vector<16xf32>,
        %broadcast_in_dim3A_424 = arith.constant 0 : i32
        %broadcast_in_dim3A_425 = vector.broadcast %broadcast_in_dim3A_424 : i32 to vector<16xi32>
        %add3A_426 = arith.constant 14 : i32
        %add3A_427 = vector.broadcast %add3A_426 : i32 to vector<16xi32>
        %add3A_428 = arith.addi %broadcast_in_dim3A_425, %add3A_427 : vector<16xi32>
        %gather3A_429 = tpu.vector_load_idx %arg7[%add3A_428, %get3A_326] : memref<32x768xf32, #tpu.memory_space<vmem>>[vector<16xi32>, vector<16xi32>], vector<16xf32>,
        %broadcast_in_dim3A_430 = arith.constant 0 : i32
        %broadcast_in_dim3A_431 = vector.broadcast %broadcast_in_dim3A_430 : i32 to vector<16xi32>
        %add3A_432 = arith.constant 15 : i32
        %add3A_433 = vector.broadcast %add3A_432 : i32 to vector<16xi32>
        %add3A_434 = arith.addi %broadcast_in_dim3A_431, %add3A_433 : vector<16xi32>
        %gather3A_435 = tpu.vector_load_idx %arg7[%add3A_434, %get3A_326] : memref<32x768xf32, #tpu.memory_space<vmem>>[vector<16xi32>, vector<16xi32>], vector<16xf32>,
        %swap3A_436 = arith.constant 4 : i32
        %swap3A_437 = arith.index_cast %swap3A_436 : i32 to index
        %swap3A_438 = arith.index_cast %multiple_of3A : i32 to index
        %swap3A_439 = tpu.vector_load %arg9[%swap3A_437, %swap3A_438] {strides = array<i32>} : memref<32x768xf32, #tpu.memory_space<vmem>>, vector<16xf32>,
        tpu.vector_store %arg9[%swap3A_437, %swap3A_438], %gather3A_354 {strides = array<i32>} : memref<32x768xf32, #tpu.memory_space<vmem>>, vector<16xf32>,
        %swap3A_440 = arith.constant 5 : i32
        %swap3A_441 = arith.index_cast %swap3A_440 : i32 to index
        %swap3A_442 = arith.index_cast %multiple_of3A : i32 to index
        %swap3A_443 = tpu.vector_load %arg9[%swap3A_441, %swap3A_442] {strides = array<i32>} : memref<32x768xf32, #tpu.memory_space<vmem>>, vector<16xf32>,
        tpu.vector_store %arg9[%swap3A_441, %swap3A_442], %gather3A_360 {strides = array<i32>} : memref<32x768xf32, #tpu.memory_space<vmem>>, vector<16xf32>,
        %swap3A_444 = arith.constant 6 : i32
        %swap3A_445 = arith.index_cast %swap3A_444 : i32 to index
        %swap3A_446 = arith.index_cast %multiple_of3A : i32 to index
        %swap3A_447 = tpu.vector_load %arg9[%swap3A_445, %swap3A_446] {strides = array<i32>} : memref<32x768xf32, #tpu.memory_space<vmem>>, vector<16xf32>,
        tpu.vector_store %arg9[%swap3A_445, %swap3A_446], %gather3A_366 {strides = array<i32>} : memref<32x768xf32, #tpu.memory_space<vmem>>, vector<16xf32>,
        %swap3A_448 = arith.constant 7 : i32
        %swap3A_449 = arith.index_cast %swap3A_448 : i32 to index
        %swap3A_450 = arith.index_cast %multiple_of3A : i32 to index
        %swap3A_451 = tpu.vector_load %arg9[%swap3A_449, %swap3A_450] {strides = array<i32>} : memref<32x768xf32, #tpu.memory_space<vmem>>, vector<16xf32>,
        tpu.vector_store %arg9[%swap3A_449, %swap3A_450], %gather3A_372 {strides = array<i32>} : memref<32x768xf32, #tpu.memory_space<vmem>>, vector<16xf32>,
        %broadcast_in_dim3A_452 = arith.constant 0 : i32
        %broadcast_in_dim3A_453 = vector.broadcast %broadcast_in_dim3A_452 : i32 to vector<16xi32>
        %add3A_454 = arith.constant 16 : i32
        %add3A_455 = vector.broadcast %add3A_454 : i32 to vector<16xi32>
        %add3A_456 = arith.addi %broadcast_in_dim3A_453, %add3A_455 : vector<16xi32>
        %gather3A_457 = tpu.vector_load_idx %arg7[%add3A_456, %get3A_326] : memref<32x768xf32, #tpu.memory_space<vmem>>[vector<16xi32>, vector<16xi32>], vector<16xf32>,
        %broadcast_in_dim3A_458 = arith.constant 0 : i32
        %broadcast_in_dim3A_459 = vector.broadcast %broadcast_in_dim3A_458 : i32 to vector<16xi32>
        %add3A_460 = arith.constant 17 : i32
        %add3A_461 = vector.broadcast %add3A_460 : i32 to vector<16xi32>
        %add3A_462 = arith.addi %broadcast_in_dim3A_459, %add3A_461 : vector<16xi32>
        %gather3A_463 = tpu.vector_load_idx %arg7[%add3A_462, %get3A_326] : memref<32x768xf32, #tpu.memory_space<vmem>>[vector<16xi32>, vector<16xi32>], vector<16xf32>,
        %broadcast_in_dim3A_464 = arith.constant 0 : i32
        %broadcast_in_dim3A_465 = vector.broadcast %broadcast_in_dim3A_464 : i32 to vector<16xi32>
        %add3A_466 = arith.constant 18 : i32
        %add3A_467 = vector.broadcast %add3A_466 : i32 to vector<16xi32>
        %add3A_468 = arith.addi %broadcast_in_dim3A_465, %add3A_467 : vector<16xi32>
        %gather3A_469 = tpu.vector_load_idx %arg7[%add3A_468, %get3A_326] : memref<32x768xf32, #tpu.memory_space<vmem>>[vector<16xi32>, vector<16xi32>], vector<16xf32>,
        %broadcast_in_dim3A_470 = arith.constant 0 : i32
        %broadcast_in_dim3A_471 = vector.broadcast %broadcast_in_dim3A_470 : i32 to vector<16xi32>
        %add3A_472 = arith.constant 19 : i32
        %add3A_473 = vector.broadcast %add3A_472 : i32 to vector<16xi32>
        %add3A_474 = arith.addi %broadcast_in_dim3A_471, %add3A_473 : vector<16xi32>
        %gather3A_475 = tpu.vector_load_idx %arg7[%add3A_474, %get3A_326] : memref<32x768xf32, #tpu.memory_space<vmem>>[vector<16xi32>, vector<16xi32>], vector<16xf32>,
        %swap3A_476 = arith.constant 8 : i32
        %swap3A_477 = arith.index_cast %swap3A_476 : i32 to index
        %swap3A_478 = arith.index_cast %multiple_of3A : i32 to index
        %swap3A_479 = tpu.vector_load %arg9[%swap3A_477, %swap3A_478] {strides = array<i32>} : memref<32x768xf32, #tpu.memory_space<vmem>>, vector<16xf32>,
        tpu.vector_store %arg9[%swap3A_477, %swap3A_478], %gather3A_378 {strides = array<i32>} : memref<32x768xf32, #tpu.memory_space<vmem>>, vector<16xf32>,
        %swap3A_480 = arith.constant 9 : i32
        %swap3A_481 = arith.index_cast %swap3A_480 : i32 to index
        %swap3A_482 = arith.index_cast %multiple_of3A : i32 to index
        %swap3A_483 = tpu.vector_load %arg9[%swap3A_481, %swap3A_482] {strides = array<i32>} : memref<32x768xf32, #tpu.memory_space<vmem>>, vector<16xf32>,
        tpu.vector_store %arg9[%swap3A_481, %swap3A_482], %gather3A_384 {strides = array<i32>} : memref<32x768xf32, #tpu.memory_space<vmem>>, vector<16xf32>,
        %swap3A_484 = arith.constant 10 : i32
        %swap3A_485 = arith.index_cast %swap3A_484 : i32 to index
        %swap3A_486 = arith.index_cast %multiple_of3A : i32 to index
        %swap3A_487 = tpu.vector_load %arg9[%swap3A_485, %swap3A_486] {strides = array<i32>} : memref<32x768xf32, #tpu.memory_space<vmem>>, vector<16xf32>,
        tpu.vector_store %arg9[%swap3A_485, %swap3A_486], %gather3A_390 {strides = array<i32>} : memref<32x768xf32, #tpu.memory_space<vmem>>, vector<16xf32>,
        %swap3A_488 = arith.constant 11 : i32
        %swap3A_489 = arith.index_cast %swap3A_488 : i32 to index
        %swap3A_490 = arith.index_cast %multiple_of3A : i32 to index
        %swap3A_491 = tpu.vector_load %arg9[%swap3A_489, %swap3A_490] {strides = array<i32>} : memref<32x768xf32, #tpu.memory_space<vmem>>, vector<16xf32>,
        tpu.vector_store %arg9[%swap3A_489, %swap3A_490], %gather3A_396 {strides = array<i32>} : memref<32x768xf32, #tpu.memory_space<vmem>>, vector<16xf32>,
        %broadcast_in_dim3A_492 = arith.constant 0 : i32
        %broadcast_in_dim3A_493 = vector.broadcast %broadcast_in_dim3A_492 : i32 to vector<16xi32>
        %add3A_494 = arith.constant 20 : i32
        %add3A_495 = vector.broadcast %add3A_494 : i32 to vector<16xi32>
        %add3A_496 = arith.addi %broadcast_in_dim3A_493, %add3A_495 : vector<16xi32>
        %gather3A_497 = tpu.vector_load_idx %arg7[%add3A_496, %get3A_326] : memref<32x768xf32, #tpu.memory_space<vmem>>[vector<16xi32>, vector<16xi32>], vector<16xf32>,
        %broadcast_in_dim3A_498 = arith.constant 0 : i32
        %broadcast_in_dim3A_499 = vector.broadcast %broadcast_in_dim3A_498 : i32 to vector<16xi32>
        %add3A_500 = arith.constant 21 : i32
        %add3A_501 = vector.broadcast %add3A_500 : i32 to vector<16xi32>
        %add3A_502 = arith.addi %broadcast_in_dim3A_499, %add3A_501 : vector<16xi32>
        %gather3A_503 = tpu.vector_load_idx %arg7[%add3A_502, %get3A_326] : memref<32x768xf32, #tpu.memory_space<vmem>>[vector<16xi32>, vector<16xi32>], vector<16xf32>,
        %broadcast_in_dim3A_504 = arith.constant 0 : i32
        %broadcast_in_dim3A_505 = vector.broadcast %broadcast_in_dim3A_504 : i32 to vector<16xi32>
        %add3A_506 = arith.constant 22 : i32
        %add3A_507 = vector.broadcast %add3A_506 : i32 to vector<16xi32>
        %add3A_508 = arith.addi %broadcast_in_dim3A_505, %add3A_507 : vector<16xi32>
        %gather3A_509 = tpu.vector_load_idx %arg7[%add3A_508, %get3A_326] : memref<32x768xf32, #tpu.memory_space<vmem>>[vector<16xi32>, vector<16xi32>], vector<16xf32>,
        %broadcast_in_dim3A_510 = arith.constant 0 : i32
        %broadcast_in_dim3A_511 = vector.broadcast %broadcast_in_dim3A_510 : i32 to vector<16xi32>
        %add3A_512 = arith.constant 23 : i32
        %add3A_513 = vector.broadcast %add3A_512 : i32 to vector<16xi32>
        %add3A_514 = arith.addi %broadcast_in_dim3A_511, %add3A_513 : vector<16xi32>
        %gather3A_515 = tpu.vector_load_idx %arg7[%add3A_514, %get3A_326] : memref<32x768xf32, #tpu.memory_space<vmem>>[vector<16xi32>, vector<16xi32>], vector<16xf32>,
        %swap3A_516 = arith.constant 12 : i32
        %swap3A_517 = arith.index_cast %swap3A_516 : i32 to index
        %swap3A_518 = arith.index_cast %multiple_of3A : i32 to index
        %swap3A_519 = tpu.vector_load %arg9[%swap3A_517, %swap3A_518] {strides = array<i32>} : memref<32x768xf32, #tpu.memory_space<vmem>>, vector<16xf32>,
        tpu.vector_store %arg9[%swap3A_517, %swap3A_518], %gather3A_417 {strides = array<i32>} : memref<32x768xf32, #tpu.memory_space<vmem>>, vector<16xf32>,
        %swap3A_520 = arith.constant 13 : i32
        %swap3A_521 = arith.index_cast %swap3A_520 : i32 to index
        %swap3A_522 = arith.index_cast %multiple_of3A : i32 to index
        %swap3A_523 = tpu.vector_load %arg9[%swap3A_521, %swap3A_522] {strides = array<i32>} : memref<32x768xf32, #tpu.memory_space<vmem>>, vector<16xf32>,
        tpu.vector_store %arg9[%swap3A_521, %swap3A_522], %gather3A_423 {strides = array<i32>} : memref<32x768xf32, #tpu.memory_space<vmem>>, vector<16xf32>,
        %swap3A_524 = arith.constant 14 : i32
        %swap3A_525 = arith.index_cast %swap3A_524 : i32 to index
        %swap3A_526 = arith.index_cast %multiple_of3A : i32 to index
        %swap3A_527 = tpu.vector_load %arg9[%swap3A_525, %swap3A_526] {strides = array<i32>} : memref<32x768xf32, #tpu.memory_space<vmem>>, vector<16xf32>,
        tpu.vector_store %arg9[%swap3A_525, %swap3A_526], %gather3A_429 {strides = array<i32>} : memref<32x768xf32, #tpu.memory_space<vmem>>, vector<16xf32>,
        %swap3A_528 = arith.constant 15 : i32
        %swap3A_529 = arith.index_cast %swap3A_528 : i32 to index
        %swap3A_530 = arith.index_cast %multiple_of3A : i32 to index
        %swap3A_531 = tpu.vector_load %arg9[%swap3A_529, %swap3A_530] {strides = array<i32>} : memref<32x768xf32, #tpu.memory_space<vmem>>, vector<16xf32>,
        tpu.vector_store %arg9[%swap3A_529, %swap3A_530], %gather3A_435 {strides = array<i32>} : memref<32x768xf32, #tpu.memory_space<vmem>>, vector<16xf32>,
        %broadcast_in_dim3A_532 = arith.constant 0 : i32
        %broadcast_in_dim3A_533 = vector.broadcast %broadcast_in_dim3A_532 : i32 to vector<16xi32>
        %add3A_534 = arith.constant 24 : i32
        %add3A_535 = vector.broadcast %add3A_534 : i32 to vector<16xi32>
        %add3A_536 = arith.addi %broadcast_in_dim3A_533, %add3A_535 : vector<16xi32>
        %gather3A_537 = tpu.vector_load_idx %arg7[%add3A_536, %get3A_326] : memref<32x768xf32, #tpu.memory_space<vmem>>[vector<16xi32>, vector<16xi32>], vector<16xf32>,
        %broadcast_in_dim3A_538 = arith.constant 0 : i32
        %broadcast_in_dim3A_539 = vector.broadcast %broadcast_in_dim3A_538 : i32 to vector<16xi32>
        %add3A_540 = arith.constant 25 : i32
        %add3A_541 = vector.broadcast %add3A_540 : i32 to vector<16xi32>
        %add3A_542 = arith.addi %broadcast_in_dim3A_539, %add3A_541 : vector<16xi32>
        %gather3A_543 = tpu.vector_load_idx %arg7[%add3A_542, %get3A_326] : memref<32x768xf32, #tpu.memory_space<vmem>>[vector<16xi32>, vector<16xi32>], vector<16xf32>,
        %broadcast_in_dim3A_544 = arith.constant 0 : i32
        %broadcast_in_dim3A_545 = vector.broadcast %broadcast_in_dim3A_544 : i32 to vector<16xi32>
        %add3A_546 = arith.constant 26 : i32
        %add3A_547 = vector.broadcast %add3A_546 : i32 to vector<16xi32>
        %add3A_548 = arith.addi %broadcast_in_dim3A_545, %add3A_547 : vector<16xi32>
        %gather3A_549 = tpu.vector_load_idx %arg7[%add3A_548, %get3A_326] : memref<32x768xf32, #tpu.memory_space<vmem>>[vector<16xi32>, vector<16xi32>], vector<16xf32>,
        %broadcast_in_dim3A_550 = arith.constant 0 : i32
        %broadcast_in_dim3A_551 = vector.broadcast %broadcast_in_dim3A_550 : i32 to vector<16xi32>
        %add3A_552 = arith.constant 27 : i32
        %add3A_553 = vector.broadcast %add3A_552 : i32 to vector<16xi32>
        %add3A_554 = arith.addi %broadcast_in_dim3A_551, %add3A_553 : vector<16xi32>
        %gather3A_555 = tpu.vector_load_idx %arg7[%add3A_554, %get3A_326] : memref<32x768xf32, #tpu.memory_space<vmem>>[vector<16xi32>, vector<16xi32>], vector<16xf32>,
        %swap3A_556 = arith.constant 16 : i32
        %swap3A_557 = arith.index_cast %swap3A_556 : i32 to index
        %swap3A_558 = arith.index_cast %multiple_of3A : i32 to index
        %swap3A_559 = tpu.vector_load %arg9[%swap3A_557, %swap3A_558] {strides = array<i32>} : memref<32x768xf32, #tpu.memory_space<vmem>>, vector<16xf32>,
        tpu.vector_store %arg9[%swap3A_557, %swap3A_558], %gather3A_457 {strides = array<i32>} : memref<32x768xf32, #tpu.memory_space<vmem>>, vector<16xf32>,
        %swap3A_560 = arith.constant 17 : i32
        %swap3A_561 = arith.index_cast %swap3A_560 : i32 to index
        %swap3A_562 = arith.index_cast %multiple_of3A : i32 to index
        %swap3A_563 = tpu.vector_load %arg9[%swap3A_561, %swap3A_562] {strides = array<i32>} : memref<32x768xf32, #tpu.memory_space<vmem>>, vector<16xf32>,
        tpu.vector_store %arg9[%swap3A_561, %swap3A_562], %gather3A_463 {strides = array<i32>} : memref<32x768xf32, #tpu.memory_space<vmem>>, vector<16xf32>,
        %swap3A_564 = arith.constant 18 : i32
        %swap3A_565 = arith.index_cast %swap3A_564 : i32 to index
        %swap3A_566 = arith.index_cast %multiple_of3A : i32 to index
        %swap3A_567 = tpu.vector_load %arg9[%swap3A_565, %swap3A_566] {strides = array<i32>} : memref<32x768xf32, #tpu.memory_space<vmem>>, vector<16xf32>,
        tpu.vector_store %arg9[%swap3A_565, %swap3A_566], %gather3A_469 {strides = array<i32>} : memref<32x768xf32, #tpu.memory_space<vmem>>, vector<16xf32>,
        %swap3A_568 = arith.constant 19 : i32
        %swap3A_569 = arith.index_cast %swap3A_568 : i32 to index
        %swap3A_570 = arith.index_cast %multiple_of3A : i32 to index
        %swap3A_571 = tpu.vector_load %arg9[%swap3A_569, %swap3A_570] {strides = array<i32>} : memref<32x768xf32, #tpu.memory_space<vmem>>, vector<16xf32>,
        tpu.vector_store %arg9[%swap3A_569, %swap3A_570], %gather3A_475 {strides = array<i32>} : memref<32x768xf32, #tpu.memory_space<vmem>>, vector<16xf32>,
        %broadcast_in_dim3A_572 = arith.constant 0 : i32
        %broadcast_in_dim3A_573 = vector.broadcast %broadcast_in_dim3A_572 : i32 to vector<16xi32>
        %add3A_574 = arith.constant 28 : i32
        %add3A_575 = vector.broadcast %add3A_574 : i32 to vector<16xi32>
        %add3A_576 = arith.addi %broadcast_in_dim3A_573, %add3A_575 : vector<16xi32>
        %gather3A_577 = tpu.vector_load_idx %arg7[%add3A_576, %get3A_326] : memref<32x768xf32, #tpu.memory_space<vmem>>[vector<16xi32>, vector<16xi32>], vector<16xf32>,
        %broadcast_in_dim3A_578 = arith.constant 0 : i32
        %broadcast_in_dim3A_579 = vector.broadcast %broadcast_in_dim3A_578 : i32 to vector<16xi32>
        %add3A_580 = arith.constant 29 : i32
        %add3A_581 = vector.broadcast %add3A_580 : i32 to vector<16xi32>
        %add3A_582 = arith.addi %broadcast_in_dim3A_579, %add3A_581 : vector<16xi32>
        %gather3A_583 = tpu.vector_load_idx %arg7[%add3A_582, %get3A_326] : memref<32x768xf32, #tpu.memory_space<vmem>>[vector<16xi32>, vector<16xi32>], vector<16xf32>,
        %broadcast_in_dim3A_584 = arith.constant 0 : i32
        %broadcast_in_dim3A_585 = vector.broadcast %broadcast_in_dim3A_584 : i32 to vector<16xi32>
        %add3A_586 = arith.constant 30 : i32
        %add3A_587 = vector.broadcast %add3A_586 : i32 to vector<16xi32>
        %add3A_588 = arith.addi %broadcast_in_dim3A_585, %add3A_587 : vector<16xi32>
        %gather3A_589 = tpu.vector_load_idx %arg7[%add3A_588, %get3A_326] : memref<32x768xf32, #tpu.memory_space<vmem>>[vector<16xi32>, vector<16xi32>], vector<16xf32>,
        %broadcast_in_dim3A_590 = arith.constant 0 : i32
        %broadcast_in_dim3A_591 = vector.broadcast %broadcast_in_dim3A_590 : i32 to vector<16xi32>
        %add3A_592 = arith.constant 31 : i32
        %add3A_593 = vector.broadcast %add3A_592 : i32 to vector<16xi32>
        %add3A_594 = arith.addi %broadcast_in_dim3A_591, %add3A_593 : vector<16xi32>
        %gather3A_595 = tpu.vector_load_idx %arg7[%add3A_594, %get3A_326] : memref<32x768xf32, #tpu.memory_space<vmem>>[vector<16xi32>, vector<16xi32>], vector<16xf32>,
        %swap3A_596 = arith.constant 20 : i32
        %swap3A_597 = arith.index_cast %swap3A_596 : i32 to index
        %swap3A_598 = arith.index_cast %multiple_of3A : i32 to index
        %swap3A_599 = tpu.vector_load %arg9[%swap3A_597, %swap3A_598] {strides = array<i32>} : memref<32x768xf32, #tpu.memory_space<vmem>>, vector<16xf32>,
        tpu.vector_store %arg9[%swap3A_597, %swap3A_598], %gather3A_497 {strides = array<i32>} : memref<32x768xf32, #tpu.memory_space<vmem>>, vector<16xf32>,
        %swap3A_600 = arith.constant 21 : i32
        %swap3A_601 = arith.index_cast %swap3A_600 : i32 to index
        %swap3A_602 = arith.index_cast %multiple_of3A : i32 to index
        %swap3A_603 = tpu.vector_load %arg9[%swap3A_601, %swap3A_602] {strides = array<i32>} : memref<32x768xf32, #tpu.memory_space<vmem>>, vector<16xf32>,
        tpu.vector_store %arg9[%swap3A_601, %swap3A_602], %gather3A_503 {strides = array<i32>} : memref<32x768xf32, #tpu.memory_space<vmem>>, vector<16xf32>,
        %swap3A_604 = arith.constant 22 : i32
        %swap3A_605 = arith.index_cast %swap3A_604 : i32 to index
        %swap3A_606 = arith.index_cast %multiple_of3A : i32 to index
        %swap3A_607 = tpu.vector_load %arg9[%swap3A_605, %swap3A_606] {strides = array<i32>} : memref<32x768xf32, #tpu.memory_space<vmem>>, vector<16xf32>,
        tpu.vector_store %arg9[%swap3A_605, %swap3A_606], %gather3A_509 {strides = array<i32>} : memref<32x768xf32, #tpu.memory_space<vmem>>, vector<16xf32>,
        %swap3A_608 = arith.constant 23 : i32
        %swap3A_609 = arith.index_cast %swap3A_608 : i32 to index
        %swap3A_610 = arith.index_cast %multiple_of3A : i32 to index
        %swap3A_611 = tpu.vector_load %arg9[%swap3A_609, %swap3A_610] {strides = array<i32>} : memref<32x768xf32, #tpu.memory_space<vmem>>, vector<16xf32>,
        tpu.vector_store %arg9[%swap3A_609, %swap3A_610], %gather3A_515 {strides = array<i32>} : memref<32x768xf32, #tpu.memory_space<vmem>>, vector<16xf32>,
        %swap3A_612 = arith.constant 24 : i32
        %swap3A_613 = arith.index_cast %swap3A_612 : i32 to index
        %swap3A_614 = arith.index_cast %multiple_of3A : i32 to index
        %swap3A_615 = tpu.vector_load %arg9[%swap3A_613, %swap3A_614] {strides = array<i32>} : memref<32x768xf32, #tpu.memory_space<vmem>>, vector<16xf32>,
        tpu.vector_store %arg9[%swap3A_613, %swap3A_614], %gather3A_537 {strides = array<i32>} : memref<32x768xf32, #tpu.memory_space<vmem>>, vector<16xf32>,
        %swap3A_616 = arith.constant 25 : i32
        %swap3A_617 = arith.index_cast %swap3A_616 : i32 to index
        %swap3A_618 = arith.index_cast %multiple_of3A : i32 to index
        %swap3A_619 = tpu.vector_load %arg9[%swap3A_617, %swap3A_618] {strides = array<i32>} : memref<32x768xf32, #tpu.memory_space<vmem>>, vector<16xf32>,
        tpu.vector_store %arg9[%swap3A_617, %swap3A_618], %gather3A_543 {strides = array<i32>} : memref<32x768xf32, #tpu.memory_space<vmem>>, vector<16xf32>,
        %swap3A_620 = arith.constant 26 : i32
        %swap3A_621 = arith.index_cast %swap3A_620 : i32 to index
        %swap3A_622 = arith.index_cast %multiple_of3A : i32 to index
        %swap3A_623 = tpu.vector_load %arg9[%swap3A_621, %swap3A_622] {strides = array<i32>} : memref<32x768xf32, #tpu.memory_space<vmem>>, vector<16xf32>,
        tpu.vector_store %arg9[%swap3A_621, %swap3A_622], %gather3A_549 {strides = array<i32>} : memref<32x768xf32, #tpu.memory_space<vmem>>, vector<16xf32>,
        %swap3A_624 = arith.constant 27 : i32
        %swap3A_625 = arith.index_cast %swap3A_624 : i32 to index
        %swap3A_626 = arith.index_cast %multiple_of3A : i32 to index
        %swap3A_627 = tpu.vector_load %arg9[%swap3A_625, %swap3A_626] {strides = array<i32>} : memref<32x768xf32, #tpu.memory_space<vmem>>, vector<16xf32>,
        tpu.vector_store %arg9[%swap3A_625, %swap3A_626], %gather3A_555 {strides = array<i32>} : memref<32x768xf32, #tpu.memory_space<vmem>>, vector<16xf32>,
        %swap3A_628 = arith.constant 28 : i32
        %swap3A_629 = arith.index_cast %swap3A_628 : i32 to index
        %swap3A_630 = arith.index_cast %multiple_of3A : i32 to index
        %swap3A_631 = tpu.vector_load %arg9[%swap3A_629, %swap3A_630] {strides = array<i32>} : memref<32x768xf32, #tpu.memory_space<vmem>>, vector<16xf32>,
        tpu.vector_store %arg9[%swap3A_629, %swap3A_630], %gather3A_577 {strides = array<i32>} : memref<32x768xf32, #tpu.memory_space<vmem>>, vector<16xf32>,
        %swap3A_632 = arith.constant 29 : i32
        %swap3A_633 = arith.index_cast %swap3A_632 : i32 to index
        %swap3A_634 = arith.index_cast %multiple_of3A : i32 to index
        %swap3A_635 = tpu.vector_load %arg9[%swap3A_633, %swap3A_634] {strides = array<i32>} : memref<32x768xf32, #tpu.memory_space<vmem>>, vector<16xf32>,
        tpu.vector_store %arg9[%swap3A_633, %swap3A_634], %gather3A_583 {strides = array<i32>} : memref<32x768xf32, #tpu.memory_space<vmem>>, vector<16xf32>,
        %swap3A_636 = arith.constant 30 : i32
        %swap3A_637 = arith.index_cast %swap3A_636 : i32 to index
        %swap3A_638 = arith.index_cast %multiple_of3A : i32 to index
        %swap3A_639 = tpu.vector_load %arg9[%swap3A_637, %swap3A_638] {strides = array<i32>} : memref<32x768xf32, #tpu.memory_space<vmem>>, vector<16xf32>,
        tpu.vector_store %arg9[%swap3A_637, %swap3A_638], %gather3A_589 {strides = array<i32>} : memref<32x768xf32, #tpu.memory_space<vmem>>, vector<16xf32>,
        %swap3A_640 = arith.constant 31 : i32
        %swap3A_641 = arith.index_cast %swap3A_640 : i32 to index
        %swap3A_642 = arith.index_cast %multiple_of3A : i32 to index
        %swap3A_643 = tpu.vector_load %arg9[%swap3A_641, %swap3A_642] {strides = array<i32>} : memref<32x768xf32, #tpu.memory_space<vmem>>, vector<16xf32>,
        tpu.vector_store %arg9[%swap3A_641, %swap3A_642], %gather3A_595 {strides = array<i32>} : memref<32x768xf32, #tpu.memory_space<vmem>>, vector<16xf32>,
      }
      %scan3A_302 = arith.constant 48 : i32
      %add3A_303 = arith.addi %mul3A_2, %add3A_278 : i32
      %dma_start3A_304 = arith.constant 0 : i32
      %dma_start3A_305 = arith.constant 0 : i32
      %dma_start3A_306 = tpu.memref_slice %arg4[%add3A_303, %dma_start3A_304, %dma_start3A_305] : memref<1568x32x768xf32, #tpu.memory_space<hbm>> -> memref<1x32x768xf32, #tpu.memory_space<hbm>>
      %dma_start3A_307 = tpu.memref_squeeze %dma_start3A_306 : memref<1x32x768xf32, #tpu.memory_space<hbm>> -> memref<32x768xf32, #tpu.memory_space<hbm>>
      %dma_start3A_308 = arith.constant 0 : i32
      %dma_start3A_309 = arith.constant 0 : i32
      %dma_start3A_310 = tpu.memref_slice %arg4[%add3A_303, %dma_start3A_308, %dma_start3A_309] : memref<1568x32x768xf32, #tpu.memory_space<hbm>> -> memref<1x32x768xf32, #tpu.memory_space<hbm>>
      %dma_start3A_311 = tpu.memref_squeeze %dma_start3A_310 : memref<1x32x768xf32, #tpu.memory_space<hbm>> -> memref<32x768xf32, #tpu.memory_space<hbm>>
      tpu.enqueue_dma source(%arg9 : memref<32x768xf32, #tpu.memory_space<vmem>>) target(%dma_start3A_311 : memref<32x768xf32, #tpu.memory_space<hbm>>) target_semaphore(%arg13 : memref<!tpu.dma_semaphore, #tpu.memory_space<semaphore_mem>>)
      %add3A_312 = arith.constant 2 : i32
      %add3A_313 = arith.addi %add3A_278, %add3A_312 : i32
      %add3A_314 = arith.addi %mul3A_2, %add3A_313 : i32
      %dma_start3A_315 = arith.constant 0 : i32
      %dma_start3A_316 = arith.constant 0 : i32
      %dma_start3A_317 = tpu.memref_slice %arg2[%add3A_314, %dma_start3A_315, %dma_start3A_316] : memref<1568x32x768xf32, #tpu.memory_space<hbm>> -> memref<1x32x768xf32, #tpu.memory_space<hbm>>
      %dma_start3A_318 = tpu.memref_squeeze %dma_start3A_317 : memref<1x32x768xf32, #tpu.memory_space<hbm>> -> memref<32x768xf32, #tpu.memory_space<hbm>>
      %dma_start3A_319 = arith.constant 0 : i32
      %dma_start3A_320 = arith.constant 0 : i32
      %dma_start3A_321 = tpu.memref_slice %arg2[%add3A_314, %dma_start3A_319, %dma_start3A_320] : memref<1568x32x768xf32, #tpu.memory_space<hbm>> -> memref<1x32x768xf32, #tpu.memory_space<hbm>>
      %dma_start3A_322 = tpu.memref_squeeze %dma_start3A_321 : memref<1x32x768xf32, #tpu.memory_space<hbm>> -> memref<32x768xf32, #tpu.memory_space<hbm>>
      tpu.enqueue_dma source(%dma_start3A_322 : memref<32x768xf32, #tpu.memory_space<hbm>>) target(%arg7 : memref<32x768xf32, #tpu.memory_space<vmem>>) target_semaphore(%arg11 : memref<!tpu.dma_semaphore, #tpu.memory_space<semaphore_mem>>)
    }
    %scan3A_95 = arith.constant 22 : i32
    %dma_wait3A_96 = arith.constant 0 : i32
    %dma_wait3A_97 = arith.constant 0 : i32
    %dma_wait3A_98 = arith.constant 0 : i32
    %dma_wait3A_99 = tpu.memref_slice %arg2[%dma_wait3A_96, %dma_wait3A_97, %dma_wait3A_98] : memref<1568x32x768xf32, #tpu.memory_space<hbm>> -> memref<1x32x768xf32, #tpu.memory_space<hbm>>
    %dma_wait3A_100 = tpu.memref_squeeze %dma_wait3A_99 : memref<1x32x768xf32, #tpu.memory_space<hbm>> -> memref<32x768xf32, #tpu.memory_space<hbm>>
    %dma_wait3A_101 = arith.constant 0 : i32
    %dma_wait3A_102 = arith.constant 0 : i32
    %dma_wait3A_103 = tpu.memref_slice %arg2[%dma_wait3A_96, %dma_wait3A_101, %dma_wait3A_102] : memref<1568x32x768xf32, #tpu.memory_space<hbm>> -> memref<1x32x768xf32, #tpu.memory_space<hbm>>
    %dma_wait3A_104 = tpu.memref_squeeze %dma_wait3A_103 : memref<1x32x768xf32, #tpu.memory_space<hbm>> -> memref<32x768xf32, #tpu.memory_space<hbm>>
    tpu.wait_dma2 semaphore(%arg10 : memref<!tpu.dma_semaphore, #tpu.memory_space<semaphore_mem>>) src(%dma_wait3A_104 : memref<32x768xf32, #tpu.memory_space<hbm>>) dst(%arg6 : memref<32x768xf32, #tpu.memory_space<vmem>>)
    %dma_wait3A_105 = arith.constant 0 : i32
    %dma_wait3A_106 = arith.constant 0 : i32
    %dma_wait3A_107 = arith.constant 0 : i32
    %dma_wait3A_108 = tpu.memref_slice %arg4[%dma_wait3A_105, %dma_wait3A_106, %dma_wait3A_107] : memref<1568x32x768xf32, #tpu.memory_space<hbm>> -> memref<1x32x768xf32, #tpu.memory_space<hbm>>
    %dma_wait3A_109 = tpu.memref_squeeze %dma_wait3A_108 : memref<1x32x768xf32, #tpu.memory_space<hbm>> -> memref<32x768xf32, #tpu.memory_space<hbm>>
    %dma_wait3A_110 = arith.constant 0 : i32
    %dma_wait3A_111 = arith.constant 0 : i32
    %dma_wait3A_112 = tpu.memref_slice %arg4[%dma_wait3A_105, %dma_wait3A_110, %dma_wait3A_111] : memref<1568x32x768xf32, #tpu.memory_space<hbm>> -> memref<1x32x768xf32, #tpu.memory_space<hbm>>
    %dma_wait3A_113 = tpu.memref_squeeze %dma_wait3A_112 : memref<1x32x768xf32, #tpu.memory_space<hbm>> -> memref<32x768xf32, #tpu.memory_space<hbm>>
    tpu.wait_dma2 semaphore(%arg12 : memref<!tpu.dma_semaphore, #tpu.memory_space<semaphore_mem>>) src(%arg8 : memref<32x768xf32, #tpu.memory_space<vmem>>) dst(%dma_wait3A_113 : memref<32x768xf32, #tpu.memory_space<hbm>>)
    %scan3A_114 = arith.constant 0 : i32
    %scan3A_115 = arith.constant 0 : i32
    %scan3A_116 = arith.constant 48 : i32
    %scan3A_117 = arith.addi %scan3A_115, %scan3A_116 : i32
    %scan3A_118 = arith.constant 1 : i32
    scf.for %scan3A_226 = %scan3A_115 to %scan3A_117 step %scan3A_118  : i32 {
      %mul3A_227 = arith.constant 16 : i32
      %mul3A_228 = arith.muli %scan3A_226, %mul3A_227 : i32
      %multiple_of3A = tpu.assume_multiple %mul3A_228, 16 : i32
      %get3A = arith.index_cast %multiple_of3A : i32 to index
      %get3A_229 = tpu.vector_load %arg5[%get3A] {strides = array<i32>} : memref<768xi32, #tpu.memory_space<vmem>>, vector<16xi32>,
      %broadcast_in_dim3A = arith.constant 0 : i32
      %broadcast_in_dim3A_230 = vector.broadcast %broadcast_in_dim3A : i32 to vector<16xi32>
      %add3A_231 = arith.constant 0 : i32
      %add3A_232 = vector.broadcast %add3A_231 : i32 to vector<16xi32>
      %add3A_233 = arith.addi %broadcast_in_dim3A_230, %add3A_232 : vector<16xi32>
      %gather3A = tpu.vector_load_idx %arg6[%add3A_233, %get3A_229] : memref<32x768xf32, #tpu.memory_space<vmem>>[vector<16xi32>, vector<16xi32>], vector<16xf32>,
      %broadcast_in_dim3A_234 = arith.constant 0 : i32
      %broadcast_in_dim3A_235 = vector.broadcast %broadcast_in_dim3A_234 : i32 to vector<16xi32>
      %add3A_236 = arith.constant 1 : i32
      %add3A_237 = vector.broadcast %add3A_236 : i32 to vector<16xi32>
      %add3A_238 = arith.addi %broadcast_in_dim3A_235, %add3A_237 : vector<16xi32>
      %gather3A_239 = tpu.vector_load_idx %arg6[%add3A_238, %get3A_229] : memref<32x768xf32, #tpu.memory_space<vmem>>[vector<16xi32>, vector<16xi32>], vector<16xf32>,
      %broadcast_in_dim3A_240 = arith.constant 0 : i32
      %broadcast_in_dim3A_241 = vector.broadcast %broadcast_in_dim3A_240 : i32 to vector<16xi32>
      %add3A_242 = arith.constant 2 : i32
      %add3A_243 = vector.broadcast %add3A_242 : i32 to vector<16xi32>
      %add3A_244 = arith.addi %broadcast_in_dim3A_241, %add3A_243 : vector<16xi32>
      %gather3A_245 = tpu.vector_load_idx %arg6[%add3A_244, %get3A_229] : memref<32x768xf32, #tpu.memory_space<vmem>>[vector<16xi32>, vector<16xi32>], vector<16xf32>,
      %broadcast_in_dim3A_246 = arith.constant 0 : i32
      %broadcast_in_dim3A_247 = vector.broadcast %broadcast_in_dim3A_246 : i32 to vector<16xi32>
      %add3A_248 = arith.constant 3 : i32
      %add3A_249 = vector.broadcast %add3A_248 : i32 to vector<16xi32>
      %add3A_250 = arith.addi %broadcast_in_dim3A_247, %add3A_249 : vector<16xi32>
      %gather3A_251 = tpu.vector_load_idx %arg6[%add3A_250, %get3A_229] : memref<32x768xf32, #tpu.memory_space<vmem>>[vector<16xi32>, vector<16xi32>], vector<16xf32>,
      %broadcast_in_dim3A_252 = arith.constant 0 : i32
      %broadcast_in_dim3A_253 = vector.broadcast %broadcast_in_dim3A_252 : i32 to vector<16xi32>
      %add3A_254 = arith.constant 4 : i32
      %add3A_255 = vector.broadcast %add3A_254 : i32 to vector<16xi32>
      %add3A_256 = arith.addi %broadcast_in_dim3A_253, %add3A_255 : vector<16xi32>
      %gather3A_257 = tpu.vector_load_idx %arg6[%add3A_256, %get3A_229] : memref<32x768xf32, #tpu.memory_space<vmem>>[vector<16xi32>, vector<16xi32>], vector<16xf32>,
      %broadcast_in_dim3A_258 = arith.constant 0 : i32
      %broadcast_in_dim3A_259 = vector.broadcast %broadcast_in_dim3A_258 : i32 to vector<16xi32>
      %add3A_260 = arith.constant 5 : i32
      %add3A_261 = vector.broadcast %add3A_260 : i32 to vector<16xi32>
      %add3A_262 = arith.addi %broadcast_in_dim3A_259, %add3A_261 : vector<16xi32>
      %gather3A_263 = tpu.vector_load_idx %arg6[%add3A_262, %get3A_229] : memref<32x768xf32, #tpu.memory_space<vmem>>[vector<16xi32>, vector<16xi32>], vector<16xf32>,
      %broadcast_in_dim3A_264 = arith.constant 0 : i32
      %broadcast_in_dim3A_265 = vector.broadcast %broadcast_in_dim3A_264 : i32 to vector<16xi32>
      %add3A_266 = arith.constant 6 : i32
      %add3A_267 = vector.broadcast %add3A_266 : i32 to vector<16xi32>
      %add3A_268 = arith.addi %broadcast_in_dim3A_265, %add3A_267 : vector<16xi32>
      %gather3A_269 = tpu.vector_load_idx %arg6[%add3A_268, %get3A_229] : memref<32x768xf32, #tpu.memory_space<vmem>>[vector<16xi32>, vector<16xi32>], vector<16xf32>,
      %broadcast_in_dim3A_270 = arith.constant 0 : i32
      %broadcast_in_dim3A_271 = vector.broadcast %broadcast_in_dim3A_270 : i32 to vector<16xi32>
      %add3A_272 = arith.constant 7 : i32
      %add3A_273 = vector.broadcast %add3A_272 : i32 to vector<16xi32>
      %add3A_274 = arith.addi %broadcast_in_dim3A_271, %add3A_273 : vector<16xi32>
      %gather3A_275 = tpu.vector_load_idx %arg6[%add3A_274, %get3A_229] : memref<32x768xf32, #tpu.memory_space<vmem>>[vector<16xi32>, vector<16xi32>], vector<16xf32>,
      %broadcast_in_dim3A_276 = arith.constant 0 : i32
      %broadcast_in_dim3A_277 = vector.broadcast %broadcast_in_dim3A_276 : i32 to vector<16xi32>
      %add3A_278 = arith.constant 8 : i32
      %add3A_279 = vector.broadcast %add3A_278 : i32 to vector<16xi32>
      %add3A_280 = arith.addi %broadcast_in_dim3A_277, %add3A_279 : vector<16xi32>
      %gather3A_281 = tpu.vector_load_idx %arg6[%add3A_280, %get3A_229] : memref<32x768xf32, #tpu.memory_space<vmem>>[vector<16xi32>, vector<16xi32>], vector<16xf32>,
      %broadcast_in_dim3A_282 = arith.constant 0 : i32
      %broadcast_in_dim3A_283 = vector.broadcast %broadcast_in_dim3A_282 : i32 to vector<16xi32>
      %add3A_284 = arith.constant 9 : i32
      %add3A_285 = vector.broadcast %add3A_284 : i32 to vector<16xi32>
      %add3A_286 = arith.addi %broadcast_in_dim3A_283, %add3A_285 : vector<16xi32>
      %gather3A_287 = tpu.vector_load_idx %arg6[%add3A_286, %get3A_229] : memref<32x768xf32, #tpu.memory_space<vmem>>[vector<16xi32>, vector<16xi32>], vector<16xf32>,
      %broadcast_in_dim3A_288 = arith.constant 0 : i32
      %broadcast_in_dim3A_289 = vector.broadcast %broadcast_in_dim3A_288 : i32 to vector<16xi32>
      %add3A_290 = arith.constant 10 : i32
      %add3A_291 = vector.broadcast %add3A_290 : i32 to vector<16xi32>
      %add3A_292 = arith.addi %broadcast_in_dim3A_289, %add3A_291 : vector<16xi32>
      %gather3A_293 = tpu.vector_load_idx %arg6[%add3A_292, %get3A_229] : memref<32x768xf32, #tpu.memory_space<vmem>>[vector<16xi32>, vector<16xi32>], vector<16xf32>,
      %broadcast_in_dim3A_294 = arith.constant 0 : i32
      %broadcast_in_dim3A_295 = vector.broadcast %broadcast_in_dim3A_294 : i32 to vector<16xi32>
      %add3A_296 = arith.constant 11 : i32
      %add3A_297 = vector.broadcast %add3A_296 : i32 to vector<16xi32>
      %add3A_298 = arith.addi %broadcast_in_dim3A_295, %add3A_297 : vector<16xi32>
      %gather3A_299 = tpu.vector_load_idx %arg6[%add3A_298, %get3A_229] : memref<32x768xf32, #tpu.memory_space<vmem>>[vector<16xi32>, vector<16xi32>], vector<16xf32>,
      %swap3A = arith.constant 0 : i32
      %swap3A_300 = arith.index_cast %swap3A : i32 to index
      %swap3A_301 = arith.index_cast %multiple_of3A : i32 to index
      %swap3A_302 = tpu.vector_load %arg8[%swap3A_300, %swap3A_301] {strides = array<i32>} : memref<32x768xf32, #tpu.memory_space<vmem>>, vector<16xf32>,
      tpu.vector_store %arg8[%swap3A_300, %swap3A_301], %gather3A {strides = array<i32>} : memref<32x768xf32, #tpu.memory_space<vmem>>, vector<16xf32>,
      %swap3A_303 = arith.constant 1 : i32
      %swap3A_304 = arith.index_cast %swap3A_303 : i32 to index
      %swap3A_305 = arith.index_cast %multiple_of3A : i32 to index
      %swap3A_306 = tpu.vector_load %arg8[%swap3A_304, %swap3A_305] {strides = array<i32>} : memref<32x768xf32, #tpu.memory_space<vmem>>, vector<16xf32>,
      tpu.vector_store %arg8[%swap3A_304, %swap3A_305], %gather3A_239 {strides = array<i32>} : memref<32x768xf32, #tpu.memory_space<vmem>>, vector<16xf32>,
      %swap3A_307 = arith.constant 2 : i32
      %swap3A_308 = arith.index_cast %swap3A_307 : i32 to index
      %swap3A_309 = arith.index_cast %multiple_of3A : i32 to index
      %swap3A_310 = tpu.vector_load %arg8[%swap3A_308, %swap3A_309] {strides = array<i32>} : memref<32x768xf32, #tpu.memory_space<vmem>>, vector<16xf32>,
      tpu.vector_store %arg8[%swap3A_308, %swap3A_309], %gather3A_245 {strides = array<i32>} : memref<32x768xf32, #tpu.memory_space<vmem>>, vector<16xf32>,
      %swap3A_311 = arith.constant 3 : i32
      %swap3A_312 = arith.index_cast %swap3A_311 : i32 to index
      %swap3A_313 = arith.index_cast %multiple_of3A : i32 to index
      %swap3A_314 = tpu.vector_load %arg8[%swap3A_312, %swap3A_313] {strides = array<i32>} : memref<32x768xf32, #tpu.memory_space<vmem>>, vector<16xf32>,
      tpu.vector_store %arg8[%swap3A_312, %swap3A_313], %gather3A_251 {strides = array<i32>} : memref<32x768xf32, #tpu.memory_space<vmem>>, vector<16xf32>,
      %broadcast_in_dim3A_315 = arith.constant 0 : i32
      %broadcast_in_dim3A_316 = vector.broadcast %broadcast_in_dim3A_315 : i32 to vector<16xi32>
      %add3A_317 = arith.constant 12 : i32
      %add3A_318 = vector.broadcast %add3A_317 : i32 to vector<16xi32>
      %add3A_319 = arith.addi %broadcast_in_dim3A_316, %add3A_318 : vector<16xi32>
      %gather3A_320 = tpu.vector_load_idx %arg6[%add3A_319, %get3A_229] : memref<32x768xf32, #tpu.memory_space<vmem>>[vector<16xi32>, vector<16xi32>], vector<16xf32>,
      %broadcast_in_dim3A_321 = arith.constant 0 : i32
      %broadcast_in_dim3A_322 = vector.broadcast %broadcast_in_dim3A_321 : i32 to vector<16xi32>
      %add3A_323 = arith.constant 13 : i32
      %add3A_324 = vector.broadcast %add3A_323 : i32 to vector<16xi32>
      %add3A_325 = arith.addi %broadcast_in_dim3A_322, %add3A_324 : vector<16xi32>
      %gather3A_326 = tpu.vector_load_idx %arg6[%add3A_325, %get3A_229] : memref<32x768xf32, #tpu.memory_space<vmem>>[vector<16xi32>, vector<16xi32>], vector<16xf32>,
      %broadcast_in_dim3A_327 = arith.constant 0 : i32
      %broadcast_in_dim3A_328 = vector.broadcast %broadcast_in_dim3A_327 : i32 to vector<16xi32>
      %add3A_329 = arith.constant 14 : i32
      %add3A_330 = vector.broadcast %add3A_329 : i32 to vector<16xi32>
      %add3A_331 = arith.addi %broadcast_in_dim3A_328, %add3A_330 : vector<16xi32>
      %gather3A_332 = tpu.vector_load_idx %arg6[%add3A_331, %get3A_229] : memref<32x768xf32, #tpu.memory_space<vmem>>[vector<16xi32>, vector<16xi32>], vector<16xf32>,
      %broadcast_in_dim3A_333 = arith.constant 0 : i32
      %broadcast_in_dim3A_334 = vector.broadcast %broadcast_in_dim3A_333 : i32 to vector<16xi32>
      %add3A_335 = arith.constant 15 : i32
      %add3A_336 = vector.broadcast %add3A_335 : i32 to vector<16xi32>
      %add3A_337 = arith.addi %broadcast_in_dim3A_334, %add3A_336 : vector<16xi32>
      %gather3A_338 = tpu.vector_load_idx %arg6[%add3A_337, %get3A_229] : memref<32x768xf32, #tpu.memory_space<vmem>>[vector<16xi32>, vector<16xi32>], vector<16xf32>,
      %swap3A_339 = arith.constant 4 : i32
      %swap3A_340 = arith.index_cast %swap3A_339 : i32 to index
      %swap3A_341 = arith.index_cast %multiple_of3A : i32 to index
      %swap3A_342 = tpu.vector_load %arg8[%swap3A_340, %swap3A_341] {strides = array<i32>} : memref<32x768xf32, #tpu.memory_space<vmem>>, vector<16xf32>,
      tpu.vector_store %arg8[%swap3A_340, %swap3A_341], %gather3A_257 {strides = array<i32>} : memref<32x768xf32, #tpu.memory_space<vmem>>, vector<16xf32>,
      %swap3A_343 = arith.constant 5 : i32
      %swap3A_344 = arith.index_cast %swap3A_343 : i32 to index
      %swap3A_345 = arith.index_cast %multiple_of3A : i32 to index
      %swap3A_346 = tpu.vector_load %arg8[%swap3A_344, %swap3A_345] {strides = array<i32>} : memref<32x768xf32, #tpu.memory_space<vmem>>, vector<16xf32>,
      tpu.vector_store %arg8[%swap3A_344, %swap3A_345], %gather3A_263 {strides = array<i32>} : memref<32x768xf32, #tpu.memory_space<vmem>>, vector<16xf32>,
      %swap3A_347 = arith.constant 6 : i32
      %swap3A_348 = arith.index_cast %swap3A_347 : i32 to index
      %swap3A_349 = arith.index_cast %multiple_of3A : i32 to index
      %swap3A_350 = tpu.vector_load %arg8[%swap3A_348, %swap3A_349] {strides = array<i32>} : memref<32x768xf32, #tpu.memory_space<vmem>>, vector<16xf32>,
      tpu.vector_store %arg8[%swap3A_348, %swap3A_349], %gather3A_269 {strides = array<i32>} : memref<32x768xf32, #tpu.memory_space<vmem>>, vector<16xf32>,
      %swap3A_351 = arith.constant 7 : i32
      %swap3A_352 = arith.index_cast %swap3A_351 : i32 to index
      %swap3A_353 = arith.index_cast %multiple_of3A : i32 to index
      %swap3A_354 = tpu.vector_load %arg8[%swap3A_352, %swap3A_353] {strides = array<i32>} : memref<32x768xf32, #tpu.memory_space<vmem>>, vector<16xf32>,
      tpu.vector_store %arg8[%swap3A_352, %swap3A_353], %gather3A_275 {strides = array<i32>} : memref<32x768xf32, #tpu.memory_space<vmem>>, vector<16xf32>,
      %broadcast_in_dim3A_355 = arith.constant 0 : i32
      %broadcast_in_dim3A_356 = vector.broadcast %broadcast_in_dim3A_355 : i32 to vector<16xi32>
      %add3A_357 = arith.constant 16 : i32
      %add3A_358 = vector.broadcast %add3A_357 : i32 to vector<16xi32>
      %add3A_359 = arith.addi %broadcast_in_dim3A_356, %add3A_358 : vector<16xi32>
      %gather3A_360 = tpu.vector_load_idx %arg6[%add3A_359, %get3A_229] : memref<32x768xf32, #tpu.memory_space<vmem>>[vector<16xi32>, vector<16xi32>], vector<16xf32>,
      %broadcast_in_dim3A_361 = arith.constant 0 : i32
      %broadcast_in_dim3A_362 = vector.broadcast %broadcast_in_dim3A_361 : i32 to vector<16xi32>
      %add3A_363 = arith.constant 17 : i32
      %add3A_364 = vector.broadcast %add3A_363 : i32 to vector<16xi32>
      %add3A_365 = arith.addi %broadcast_in_dim3A_362, %add3A_364 : vector<16xi32>
      %gather3A_366 = tpu.vector_load_idx %arg6[%add3A_365, %get3A_229] : memref<32x768xf32, #tpu.memory_space<vmem>>[vector<16xi32>, vector<16xi32>], vector<16xf32>,
      %broadcast_in_dim3A_367 = arith.constant 0 : i32
      %broadcast_in_dim3A_368 = vector.broadcast %broadcast_in_dim3A_367 : i32 to vector<16xi32>
      %add3A_369 = arith.constant 18 : i32
      %add3A_370 = vector.broadcast %add3A_369 : i32 to vector<16xi32>
      %add3A_371 = arith.addi %broadcast_in_dim3A_368, %add3A_370 : vector<16xi32>
      %gather3A_372 = tpu.vector_load_idx %arg6[%add3A_371, %get3A_229] : memref<32x768xf32, #tpu.memory_space<vmem>>[vector<16xi32>, vector<16xi32>], vector<16xf32>,
      %broadcast_in_dim3A_373 = arith.constant 0 : i32
      %broadcast_in_dim3A_374 = vector.broadcast %broadcast_in_dim3A_373 : i32 to vector<16xi32>
      %add3A_375 = arith.constant 19 : i32
      %add3A_376 = vector.broadcast %add3A_375 : i32 to vector<16xi32>
      %add3A_377 = arith.addi %broadcast_in_dim3A_374, %add3A_376 : vector<16xi32>
      %gather3A_378 = tpu.vector_load_idx %arg6[%add3A_377, %get3A_229] : memref<32x768xf32, #tpu.memory_space<vmem>>[vector<16xi32>, vector<16xi32>], vector<16xf32>,
      %swap3A_379 = arith.constant 8 : i32
      %swap3A_380 = arith.index_cast %swap3A_379 : i32 to index
      %swap3A_381 = arith.index_cast %multiple_of3A : i32 to index
      %swap3A_382 = tpu.vector_load %arg8[%swap3A_380, %swap3A_381] {strides = array<i32>} : memref<32x768xf32, #tpu.memory_space<vmem>>, vector<16xf32>,
      tpu.vector_store %arg8[%swap3A_380, %swap3A_381], %gather3A_281 {strides = array<i32>} : memref<32x768xf32, #tpu.memory_space<vmem>>, vector<16xf32>,
      %swap3A_383 = arith.constant 9 : i32
      %swap3A_384 = arith.index_cast %swap3A_383 : i32 to index
      %swap3A_385 = arith.index_cast %multiple_of3A : i32 to index
      %swap3A_386 = tpu.vector_load %arg8[%swap3A_384, %swap3A_385] {strides = array<i32>} : memref<32x768xf32, #tpu.memory_space<vmem>>, vector<16xf32>,
      tpu.vector_store %arg8[%swap3A_384, %swap3A_385], %gather3A_287 {strides = array<i32>} : memref<32x768xf32, #tpu.memory_space<vmem>>, vector<16xf32>,
      %swap3A_387 = arith.constant 10 : i32
      %swap3A_388 = arith.index_cast %swap3A_387 : i32 to index
      %swap3A_389 = arith.index_cast %multiple_of3A : i32 to index
      %swap3A_390 = tpu.vector_load %arg8[%swap3A_388, %swap3A_389] {strides = array<i32>} : memref<32x768xf32, #tpu.memory_space<vmem>>, vector<16xf32>,
      tpu.vector_store %arg8[%swap3A_388, %swap3A_389], %gather3A_293 {strides = array<i32>} : memref<32x768xf32, #tpu.memory_space<vmem>>, vector<16xf32>,
      %swap3A_391 = arith.constant 11 : i32
      %swap3A_392 = arith.index_cast %swap3A_391 : i32 to index
      %swap3A_393 = arith.index_cast %multiple_of3A : i32 to index
      %swap3A_394 = tpu.vector_load %arg8[%swap3A_392, %swap3A_393] {strides = array<i32>} : memref<32x768xf32, #tpu.memory_space<vmem>>, vector<16xf32>,
      tpu.vector_store %arg8[%swap3A_392, %swap3A_393], %gather3A_299 {strides = array<i32>} : memref<32x768xf32, #tpu.memory_space<vmem>>, vector<16xf32>,
      %broadcast_in_dim3A_395 = arith.constant 0 : i32
      %broadcast_in_dim3A_396 = vector.broadcast %broadcast_in_dim3A_395 : i32 to vector<16xi32>
      %add3A_397 = arith.constant 20 : i32
      %add3A_398 = vector.broadcast %add3A_397 : i32 to vector<16xi32>
      %add3A_399 = arith.addi %broadcast_in_dim3A_396, %add3A_398 : vector<16xi32>
      %gather3A_400 = tpu.vector_load_idx %arg6[%add3A_399, %get3A_229] : memref<32x768xf32, #tpu.memory_space<vmem>>[vector<16xi32>, vector<16xi32>], vector<16xf32>,
      %broadcast_in_dim3A_401 = arith.constant 0 : i32
      %broadcast_in_dim3A_402 = vector.broadcast %broadcast_in_dim3A_401 : i32 to vector<16xi32>
      %add3A_403 = arith.constant 21 : i32
      %add3A_404 = vector.broadcast %add3A_403 : i32 to vector<16xi32>
      %add3A_405 = arith.addi %broadcast_in_dim3A_402, %add3A_404 : vector<16xi32>
      %gather3A_406 = tpu.vector_load_idx %arg6[%add3A_405, %get3A_229] : memref<32x768xf32, #tpu.memory_space<vmem>>[vector<16xi32>, vector<16xi32>], vector<16xf32>,
      %broadcast_in_dim3A_407 = arith.constant 0 : i32
      %broadcast_in_dim3A_408 = vector.broadcast %broadcast_in_dim3A_407 : i32 to vector<16xi32>
      %add3A_409 = arith.constant 22 : i32
      %add3A_410 = vector.broadcast %add3A_409 : i32 to vector<16xi32>
      %add3A_411 = arith.addi %broadcast_in_dim3A_408, %add3A_410 : vector<16xi32>
      %gather3A_412 = tpu.vector_load_idx %arg6[%add3A_411, %get3A_229] : memref<32x768xf32, #tpu.memory_space<vmem>>[vector<16xi32>, vector<16xi32>], vector<16xf32>,
      %broadcast_in_dim3A_413 = arith.constant 0 : i32
      %broadcast_in_dim3A_414 = vector.broadcast %broadcast_in_dim3A_413 : i32 to vector<16xi32>
      %add3A_415 = arith.constant 23 : i32
      %add3A_416 = vector.broadcast %add3A_415 : i32 to vector<16xi32>
      %add3A_417 = arith.addi %broadcast_in_dim3A_414, %add3A_416 : vector<16xi32>
      %gather3A_418 = tpu.vector_load_idx %arg6[%add3A_417, %get3A_229] : memref<32x768xf32, #tpu.memory_space<vmem>>[vector<16xi32>, vector<16xi32>], vector<16xf32>,
      %swap3A_419 = arith.constant 12 : i32
      %swap3A_420 = arith.index_cast %swap3A_419 : i32 to index
      %swap3A_421 = arith.index_cast %multiple_of3A : i32 to index
      %swap3A_422 = tpu.vector_load %arg8[%swap3A_420, %swap3A_421] {strides = array<i32>} : memref<32x768xf32, #tpu.memory_space<vmem>>, vector<16xf32>,
      tpu.vector_store %arg8[%swap3A_420, %swap3A_421], %gather3A_320 {strides = array<i32>} : memref<32x768xf32, #tpu.memory_space<vmem>>, vector<16xf32>,
      %swap3A_423 = arith.constant 13 : i32
      %swap3A_424 = arith.index_cast %swap3A_423 : i32 to index
      %swap3A_425 = arith.index_cast %multiple_of3A : i32 to index
      %swap3A_426 = tpu.vector_load %arg8[%swap3A_424, %swap3A_425] {strides = array<i32>} : memref<32x768xf32, #tpu.memory_space<vmem>>, vector<16xf32>,
      tpu.vector_store %arg8[%swap3A_424, %swap3A_425], %gather3A_326 {strides = array<i32>} : memref<32x768xf32, #tpu.memory_space<vmem>>, vector<16xf32>,
      %swap3A_427 = arith.constant 14 : i32
      %swap3A_428 = arith.index_cast %swap3A_427 : i32 to index
      %swap3A_429 = arith.index_cast %multiple_of3A : i32 to index
      %swap3A_430 = tpu.vector_load %arg8[%swap3A_428, %swap3A_429] {strides = array<i32>} : memref<32x768xf32, #tpu.memory_space<vmem>>, vector<16xf32>,
      tpu.vector_store %arg8[%swap3A_428, %swap3A_429], %gather3A_332 {strides = array<i32>} : memref<32x768xf32, #tpu.memory_space<vmem>>, vector<16xf32>,
      %swap3A_431 = arith.constant 15 : i32
      %swap3A_432 = arith.index_cast %swap3A_431 : i32 to index
      %swap3A_433 = arith.index_cast %multiple_of3A : i32 to index
      %swap3A_434 = tpu.vector_load %arg8[%swap3A_432, %swap3A_433] {strides = array<i32>} : memref<32x768xf32, #tpu.memory_space<vmem>>, vector<16xf32>,
      tpu.vector_store %arg8[%swap3A_432, %swap3A_433], %gather3A_338 {strides = array<i32>} : memref<32x768xf32, #tpu.memory_space<vmem>>, vector<16xf32>,
      %broadcast_in_dim3A_435 = arith.constant 0 : i32
      %broadcast_in_dim3A_436 = vector.broadcast %broadcast_in_dim3A_435 : i32 to vector<16xi32>
      %add3A_437 = arith.constant 24 : i32
      %add3A_438 = vector.broadcast %add3A_437 : i32 to vector<16xi32>
      %add3A_439 = arith.addi %broadcast_in_dim3A_436, %add3A_438 : vector<16xi32>
      %gather3A_440 = tpu.vector_load_idx %arg6[%add3A_439, %get3A_229] : memref<32x768xf32, #tpu.memory_space<vmem>>[vector<16xi32>, vector<16xi32>], vector<16xf32>,
      %broadcast_in_dim3A_441 = arith.constant 0 : i32
      %broadcast_in_dim3A_442 = vector.broadcast %broadcast_in_dim3A_441 : i32 to vector<16xi32>
      %add3A_443 = arith.constant 25 : i32
      %add3A_444 = vector.broadcast %add3A_443 : i32 to vector<16xi32>
      %add3A_445 = arith.addi %broadcast_in_dim3A_442, %add3A_444 : vector<16xi32>
      %gather3A_446 = tpu.vector_load_idx %arg6[%add3A_445, %get3A_229] : memref<32x768xf32, #tpu.memory_space<vmem>>[vector<16xi32>, vector<16xi32>], vector<16xf32>,
      %broadcast_in_dim3A_447 = arith.constant 0 : i32
      %broadcast_in_dim3A_448 = vector.broadcast %broadcast_in_dim3A_447 : i32 to vector<16xi32>
      %add3A_449 = arith.constant 26 : i32
      %add3A_450 = vector.broadcast %add3A_449 : i32 to vector<16xi32>
      %add3A_451 = arith.addi %broadcast_in_dim3A_448, %add3A_450 : vector<16xi32>
      %gather3A_452 = tpu.vector_load_idx %arg6[%add3A_451, %get3A_229] : memref<32x768xf32, #tpu.memory_space<vmem>>[vector<16xi32>, vector<16xi32>], vector<16xf32>,
      %broadcast_in_dim3A_453 = arith.constant 0 : i32
      %broadcast_in_dim3A_454 = vector.broadcast %broadcast_in_dim3A_453 : i32 to vector<16xi32>
      %add3A_455 = arith.constant 27 : i32
      %add3A_456 = vector.broadcast %add3A_455 : i32 to vector<16xi32>
      %add3A_457 = arith.addi %broadcast_in_dim3A_454, %add3A_456 : vector<16xi32>
      %gather3A_458 = tpu.vector_load_idx %arg6[%add3A_457, %get3A_229] : memref<32x768xf32, #tpu.memory_space<vmem>>[vector<16xi32>, vector<16xi32>], vector<16xf32>,
      %swap3A_459 = arith.constant 16 : i32
      %swap3A_460 = arith.index_cast %swap3A_459 : i32 to index
      %swap3A_461 = arith.index_cast %multiple_of3A : i32 to index
      %swap3A_462 = tpu.vector_load %arg8[%swap3A_460, %swap3A_461] {strides = array<i32>} : memref<32x768xf32, #tpu.memory_space<vmem>>, vector<16xf32>,
      tpu.vector_store %arg8[%swap3A_460, %swap3A_461], %gather3A_360 {strides = array<i32>} : memref<32x768xf32, #tpu.memory_space<vmem>>, vector<16xf32>,
      %swap3A_463 = arith.constant 17 : i32
      %swap3A_464 = arith.index_cast %swap3A_463 : i32 to index
      %swap3A_465 = arith.index_cast %multiple_of3A : i32 to index
      %swap3A_466 = tpu.vector_load %arg8[%swap3A_464, %swap3A_465] {strides = array<i32>} : memref<32x768xf32, #tpu.memory_space<vmem>>, vector<16xf32>,
      tpu.vector_store %arg8[%swap3A_464, %swap3A_465], %gather3A_366 {strides = array<i32>} : memref<32x768xf32, #tpu.memory_space<vmem>>, vector<16xf32>,
      %swap3A_467 = arith.constant 18 : i32
      %swap3A_468 = arith.index_cast %swap3A_467 : i32 to index
      %swap3A_469 = arith.index_cast %multiple_of3A : i32 to index
      %swap3A_470 = tpu.vector_load %arg8[%swap3A_468, %swap3A_469] {strides = array<i32>} : memref<32x768xf32, #tpu.memory_space<vmem>>, vector<16xf32>,
      tpu.vector_store %arg8[%swap3A_468, %swap3A_469], %gather3A_372 {strides = array<i32>} : memref<32x768xf32, #tpu.memory_space<vmem>>, vector<16xf32>,
      %swap3A_471 = arith.constant 19 : i32
      %swap3A_472 = arith.index_cast %swap3A_471 : i32 to index
      %swap3A_473 = arith.index_cast %multiple_of3A : i32 to index
      %swap3A_474 = tpu.vector_load %arg8[%swap3A_472, %swap3A_473] {strides = array<i32>} : memref<32x768xf32, #tpu.memory_space<vmem>>, vector<16xf32>,
      tpu.vector_store %arg8[%swap3A_472, %swap3A_473], %gather3A_378 {strides = array<i32>} : memref<32x768xf32, #tpu.memory_space<vmem>>, vector<16xf32>,
      %broadcast_in_dim3A_475 = arith.constant 0 : i32
      %broadcast_in_dim3A_476 = vector.broadcast %broadcast_in_dim3A_475 : i32 to vector<16xi32>
      %add3A_477 = arith.constant 28 : i32
      %add3A_478 = vector.broadcast %add3A_477 : i32 to vector<16xi32>
      %add3A_479 = arith.addi %broadcast_in_dim3A_476, %add3A_478 : vector<16xi32>
      %gather3A_480 = tpu.vector_load_idx %arg6[%add3A_479, %get3A_229] : memref<32x768xf32, #tpu.memory_space<vmem>>[vector<16xi32>, vector<16xi32>], vector<16xf32>,
      %broadcast_in_dim3A_481 = arith.constant 0 : i32
      %broadcast_in_dim3A_482 = vector.broadcast %broadcast_in_dim3A_481 : i32 to vector<16xi32>
      %add3A_483 = arith.constant 29 : i32
      %add3A_484 = vector.broadcast %add3A_483 : i32 to vector<16xi32>
      %add3A_485 = arith.addi %broadcast_in_dim3A_482, %add3A_484 : vector<16xi32>
      %gather3A_486 = tpu.vector_load_idx %arg6[%add3A_485, %get3A_229] : memref<32x768xf32, #tpu.memory_space<vmem>>[vector<16xi32>, vector<16xi32>], vector<16xf32>,
      %broadcast_in_dim3A_487 = arith.constant 0 : i32
      %broadcast_in_dim3A_488 = vector.broadcast %broadcast_in_dim3A_487 : i32 to vector<16xi32>
      %add3A_489 = arith.constant 30 : i32
      %add3A_490 = vector.broadcast %add3A_489 : i32 to vector<16xi32>
      %add3A_491 = arith.addi %broadcast_in_dim3A_488, %add3A_490 : vector<16xi32>
      %gather3A_492 = tpu.vector_load_idx %arg6[%add3A_491, %get3A_229] : memref<32x768xf32, #tpu.memory_space<vmem>>[vector<16xi32>, vector<16xi32>], vector<16xf32>,
      %broadcast_in_dim3A_493 = arith.constant 0 : i32
      %broadcast_in_dim3A_494 = vector.broadcast %broadcast_in_dim3A_493 : i32 to vector<16xi32>
      %add3A_495 = arith.constant 31 : i32
      %add3A_496 = vector.broadcast %add3A_495 : i32 to vector<16xi32>
      %add3A_497 = arith.addi %broadcast_in_dim3A_494, %add3A_496 : vector<16xi32>
      %gather3A_498 = tpu.vector_load_idx %arg6[%add3A_497, %get3A_229] : memref<32x768xf32, #tpu.memory_space<vmem>>[vector<16xi32>, vector<16xi32>], vector<16xf32>,
      %swap3A_499 = arith.constant 20 : i32
      %swap3A_500 = arith.index_cast %swap3A_499 : i32 to index
      %swap3A_501 = arith.index_cast %multiple_of3A : i32 to index
      %swap3A_502 = tpu.vector_load %arg8[%swap3A_500, %swap3A_501] {strides = array<i32>} : memref<32x768xf32, #tpu.memory_space<vmem>>, vector<16xf32>,
      tpu.vector_store %arg8[%swap3A_500, %swap3A_501], %gather3A_400 {strides = array<i32>} : memref<32x768xf32, #tpu.memory_space<vmem>>, vector<16xf32>,
      %swap3A_503 = arith.constant 21 : i32
      %swap3A_504 = arith.index_cast %swap3A_503 : i32 to index
      %swap3A_505 = arith.index_cast %multiple_of3A : i32 to index
      %swap3A_506 = tpu.vector_load %arg8[%swap3A_504, %swap3A_505] {strides = array<i32>} : memref<32x768xf32, #tpu.memory_space<vmem>>, vector<16xf32>,
      tpu.vector_store %arg8[%swap3A_504, %swap3A_505], %gather3A_406 {strides = array<i32>} : memref<32x768xf32, #tpu.memory_space<vmem>>, vector<16xf32>,
      %swap3A_507 = arith.constant 22 : i32
      %swap3A_508 = arith.index_cast %swap3A_507 : i32 to index
      %swap3A_509 = arith.index_cast %multiple_of3A : i32 to index
      %swap3A_510 = tpu.vector_load %arg8[%swap3A_508, %swap3A_509] {strides = array<i32>} : memref<32x768xf32, #tpu.memory_space<vmem>>, vector<16xf32>,
      tpu.vector_store %arg8[%swap3A_508, %swap3A_509], %gather3A_412 {strides = array<i32>} : memref<32x768xf32, #tpu.memory_space<vmem>>, vector<16xf32>,
      %swap3A_511 = arith.constant 23 : i32
      %swap3A_512 = arith.index_cast %swap3A_511 : i32 to index
      %swap3A_513 = arith.index_cast %multiple_of3A : i32 to index
      %swap3A_514 = tpu.vector_load %arg8[%swap3A_512, %swap3A_513] {strides = array<i32>} : memref<32x768xf32, #tpu.memory_space<vmem>>, vector<16xf32>,
      tpu.vector_store %arg8[%swap3A_512, %swap3A_513], %gather3A_418 {strides = array<i32>} : memref<32x768xf32, #tpu.memory_space<vmem>>, vector<16xf32>,
      %swap3A_515 = arith.constant 24 : i32
      %swap3A_516 = arith.index_cast %swap3A_515 : i32 to index
      %swap3A_517 = arith.index_cast %multiple_of3A : i32 to index
      %swap3A_518 = tpu.vector_load %arg8[%swap3A_516, %swap3A_517] {strides = array<i32>} : memref<32x768xf32, #tpu.memory_space<vmem>>, vector<16xf32>,
      tpu.vector_store %arg8[%swap3A_516, %swap3A_517], %gather3A_440 {strides = array<i32>} : memref<32x768xf32, #tpu.memory_space<vmem>>, vector<16xf32>,
      %swap3A_519 = arith.constant 25 : i32
      %swap3A_520 = arith.index_cast %swap3A_519 : i32 to index
      %swap3A_521 = arith.index_cast %multiple_of3A : i32 to index
      %swap3A_522 = tpu.vector_load %arg8[%swap3A_520, %swap3A_521] {strides = array<i32>} : memref<32x768xf32, #tpu.memory_space<vmem>>, vector<16xf32>,
      tpu.vector_store %arg8[%swap3A_520, %swap3A_521], %gather3A_446 {strides = array<i32>} : memref<32x768xf32, #tpu.memory_space<vmem>>, vector<16xf32>,
      %swap3A_523 = arith.constant 26 : i32
      %swap3A_524 = arith.index_cast %swap3A_523 : i32 to index
      %swap3A_525 = arith.index_cast %multiple_of3A : i32 to index
      %swap3A_526 = tpu.vector_load %arg8[%swap3A_524, %swap3A_525] {strides = array<i32>} : memref<32x768xf32, #tpu.memory_space<vmem>>, vector<16xf32>,
      tpu.vector_store %arg8[%swap3A_524, %swap3A_525], %gather3A_452 {strides = array<i32>} : memref<32x768xf32, #tpu.memory_space<vmem>>, vector<16xf32>,
      %swap3A_527 = arith.constant 27 : i32
      %swap3A_528 = arith.index_cast %swap3A_527 : i32 to index
      %swap3A_529 = arith.index_cast %multiple_of3A : i32 to index
      %swap3A_530 = tpu.vector_load %arg8[%swap3A_528, %swap3A_529] {strides = array<i32>} : memref<32x768xf32, #tpu.memory_space<vmem>>, vector<16xf32>,
      tpu.vector_store %arg8[%swap3A_528, %swap3A_529], %gather3A_458 {strides = array<i32>} : memref<32x768xf32, #tpu.memory_space<vmem>>, vector<16xf32>,
      %swap3A_531 = arith.constant 28 : i32
      %swap3A_532 = arith.index_cast %swap3A_531 : i32 to index
      %swap3A_533 = arith.index_cast %multiple_of3A : i32 to index
      %swap3A_534 = tpu.vector_load %arg8[%swap3A_532, %swap3A_533] {strides = array<i32>} : memref<32x768xf32, #tpu.memory_space<vmem>>, vector<16xf32>,
      tpu.vector_store %arg8[%swap3A_532, %swap3A_533], %gather3A_480 {strides = array<i32>} : memref<32x768xf32, #tpu.memory_space<vmem>>, vector<16xf32>,
      %swap3A_535 = arith.constant 29 : i32
      %swap3A_536 = arith.index_cast %swap3A_535 : i32 to index
      %swap3A_537 = arith.index_cast %multiple_of3A : i32 to index
      %swap3A_538 = tpu.vector_load %arg8[%swap3A_536, %swap3A_537] {strides = array<i32>} : memref<32x768xf32, #tpu.memory_space<vmem>>, vector<16xf32>,
      tpu.vector_store %arg8[%swap3A_536, %swap3A_537], %gather3A_486 {strides = array<i32>} : memref<32x768xf32, #tpu.memory_space<vmem>>, vector<16xf32>,
      %swap3A_539 = arith.constant 30 : i32
      %swap3A_540 = arith.index_cast %swap3A_539 : i32 to index
      %swap3A_541 = arith.index_cast %multiple_of3A : i32 to index
      %swap3A_542 = tpu.vector_load %arg8[%swap3A_540, %swap3A_541] {strides = array<i32>} : memref<32x768xf32, #tpu.memory_space<vmem>>, vector<16xf32>,
      tpu.vector_store %arg8[%swap3A_540, %swap3A_541], %gather3A_492 {strides = array<i32>} : memref<32x768xf32, #tpu.memory_space<vmem>>, vector<16xf32>,
      %swap3A_543 = arith.constant 31 : i32
      %swap3A_544 = arith.index_cast %swap3A_543 : i32 to index
      %swap3A_545 = arith.index_cast %multiple_of3A : i32 to index
      %swap3A_546 = tpu.vector_load %arg8[%swap3A_544, %swap3A_545] {strides = array<i32>} : memref<32x768xf32, #tpu.memory_space<vmem>>, vector<16xf32>,
      tpu.vector_store %arg8[%swap3A_544, %swap3A_545], %gather3A_498 {strides = array<i32>} : memref<32x768xf32, #tpu.memory_space<vmem>>, vector<16xf32>,
    }
    %scan3A_119 = arith.constant 48 : i32
    %add3A_120 = arith.constant 46 : i32
    %add3A_121 = arith.addi %mul3A_2, %add3A_120 : i32
    %dma_start3A_122 = arith.constant 0 : i32
    %dma_start3A_123 = arith.constant 0 : i32
    %dma_start3A_124 = tpu.memref_slice %arg4[%add3A_121, %dma_start3A_122, %dma_start3A_123] : memref<1568x32x768xf32, #tpu.memory_space<hbm>> -> memref<1x32x768xf32, #tpu.memory_space<hbm>>
    %dma_start3A_125 = tpu.memref_squeeze %dma_start3A_124 : memref<1x32x768xf32, #tpu.memory_space<hbm>> -> memref<32x768xf32, #tpu.memory_space<hbm>>
    %dma_start3A_126 = arith.constant 0 : i32
    %dma_start3A_127 = arith.constant 0 : i32
    %dma_start3A_128 = tpu.memref_slice %arg4[%add3A_121, %dma_start3A_126, %dma_start3A_127] : memref<1568x32x768xf32, #tpu.memory_space<hbm>> -> memref<1x32x768xf32, #tpu.memory_space<hbm>>
    %dma_start3A_129 = tpu.memref_squeeze %dma_start3A_128 : memref<1x32x768xf32, #tpu.memory_space<hbm>> -> memref<32x768xf32, #tpu.memory_space<hbm>>
    tpu.enqueue_dma source(%arg8 : memref<32x768xf32, #tpu.memory_space<vmem>>) target(%dma_start3A_129 : memref<32x768xf32, #tpu.memory_space<hbm>>) target_semaphore(%arg12 : memref<!tpu.dma_semaphore, #tpu.memory_space<semaphore_mem>>)
    %add3A_130 = arith.constant 48 : i32
    %add3A_131 = arith.addi %mul3A_2, %add3A_130 : i32
    %dma_start3A_132 = arith.constant 0 : i32
    %dma_start3A_133 = arith.constant 0 : i32
    %dma_start3A_134 = tpu.memref_slice %arg2[%add3A_131, %dma_start3A_132, %dma_start3A_133] : memref<1568x32x768xf32, #tpu.memory_space<hbm>> -> memref<1x32x768xf32, #tpu.memory_space<hbm>>
    %dma_start3A_135 = tpu.memref_squeeze %dma_start3A_134 : memref<1x32x768xf32, #tpu.memory_space<hbm>> -> memref<32x768xf32, #tpu.memory_space<hbm>>
    %dma_start3A_136 = arith.constant 0 : i32
    %dma_start3A_137 = arith.constant 0 : i32
    %dma_start3A_138 = tpu.memref_slice %arg2[%add3A_131, %dma_start3A_136, %dma_start3A_137] : memref<1568x32x768xf32, #tpu.memory_space<hbm>> -> memref<1x32x768xf32, #tpu.memory_space<hbm>>
    %dma_start3A_139 = tpu.memref_squeeze %dma_start3A_138 : memref<1x32x768xf32, #tpu.memory_space<hbm>> -> memref<32x768xf32, #tpu.memory_space<hbm>>
    tpu.enqueue_dma source(%dma_start3A_139 : memref<32x768xf32, #tpu.memory_space<hbm>>) target(%arg6 : memref<32x768xf32, #tpu.memory_space<vmem>>) target_semaphore(%arg10 : memref<!tpu.dma_semaphore, #tpu.memory_space<semaphore_mem>>)
    %dma_wait3A_140 = arith.constant 0 : i32
    %dma_wait3A_141 = arith.constant 0 : i32
    %dma_wait3A_142 = arith.constant 0 : i32
    %dma_wait3A_143 = tpu.memref_slice %arg2[%dma_wait3A_140, %dma_wait3A_141, %dma_wait3A_142] : memref<1568x32x768xf32, #tpu.memory_space<hbm>> -> memref<1x32x768xf32, #tpu.memory_space<hbm>>
    %dma_wait3A_144 = tpu.memref_squeeze %dma_wait3A_143 : memref<1x32x768xf32, #tpu.memory_space<hbm>> -> memref<32x768xf32, #tpu.memory_space<hbm>>
    %dma_wait3A_145 = arith.constant 0 : i32
    %dma_wait3A_146 = arith.constant 0 : i32
    %dma_wait3A_147 = tpu.memref_slice %arg2[%dma_wait3A_140, %dma_wait3A_145, %dma_wait3A_146] : memref<1568x32x768xf32, #tpu.memory_space<hbm>> -> memref<1x32x768xf32, #tpu.memory_space<hbm>>
    %dma_wait3A_148 = tpu.memref_squeeze %dma_wait3A_147 : memref<1x32x768xf32, #tpu.memory_space<hbm>> -> memref<32x768xf32, #tpu.memory_space<hbm>>
    tpu.wait_dma2 semaphore(%arg11 : memref<!tpu.dma_semaphore, #tpu.memory_space<semaphore_mem>>) src(%dma_wait3A_148 : memref<32x768xf32, #tpu.memory_space<hbm>>) dst(%arg7 : memref<32x768xf32, #tpu.memory_space<vmem>>)
    %dma_wait3A_149 = arith.constant 0 : i32
    %dma_wait3A_150 = arith.constant 0 : i32
    %dma_wait3A_151 = arith.constant 0 : i32
    %dma_wait3A_152 = tpu.memref_slice %arg4[%dma_wait3A_149, %dma_wait3A_150, %dma_wait3A_151] : memref<1568x32x768xf32, #tpu.memory_space<hbm>> -> memref<1x32x768xf32, #tpu.memory_space<hbm>>
    %dma_wait3A_153 = tpu.memref_squeeze %dma_wait3A_152 : memref<1x32x768xf32, #tpu.memory_space<hbm>> -> memref<32x768xf32, #tpu.memory_space<hbm>>
    %dma_wait3A_154 = arith.constant 0 : i32
    %dma_wait3A_155 = arith.constant 0 : i32
    %dma_wait3A_156 = tpu.memref_slice %arg4[%dma_wait3A_149, %dma_wait3A_154, %dma_wait3A_155] : memref<1568x32x768xf32, #tpu.memory_space<hbm>> -> memref<1x32x768xf32, #tpu.memory_space<hbm>>
    %dma_wait3A_157 = tpu.memref_squeeze %dma_wait3A_156 : memref<1x32x768xf32, #tpu.memory_space<hbm>> -> memref<32x768xf32, #tpu.memory_space<hbm>>
    tpu.wait_dma2 semaphore(%arg13 : memref<!tpu.dma_semaphore, #tpu.memory_space<semaphore_mem>>) src(%arg9 : memref<32x768xf32, #tpu.memory_space<vmem>>) dst(%dma_wait3A_157 : memref<32x768xf32, #tpu.memory_space<hbm>>)
    %scan3A_158 = arith.constant 0 : i32
    %scan3A_159 = arith.constant 0 : i32
    %scan3A_160 = arith.constant 48 : i32
    %scan3A_161 = arith.addi %scan3A_159, %scan3A_160 : i32
    %scan3A_162 = arith.constant 1 : i32
    scf.for %scan3A_226 = %scan3A_159 to %scan3A_161 step %scan3A_162  : i32 {
      %mul3A_227 = arith.constant 16 : i32
      %mul3A_228 = arith.muli %scan3A_226, %mul3A_227 : i32
      %multiple_of3A = tpu.assume_multiple %mul3A_228, 16 : i32
      %get3A = arith.index_cast %multiple_of3A : i32 to index
      %get3A_229 = tpu.vector_load %arg5[%get3A] {strides = array<i32>} : memref<768xi32, #tpu.memory_space<vmem>>, vector<16xi32>,
      %broadcast_in_dim3A = arith.constant 0 : i32
      %broadcast_in_dim3A_230 = vector.broadcast %broadcast_in_dim3A : i32 to vector<16xi32>
      %add3A_231 = arith.constant 0 : i32
      %add3A_232 = vector.broadcast %add3A_231 : i32 to vector<16xi32>
      %add3A_233 = arith.addi %broadcast_in_dim3A_230, %add3A_232 : vector<16xi32>
      %gather3A = tpu.vector_load_idx %arg7[%add3A_233, %get3A_229] : memref<32x768xf32, #tpu.memory_space<vmem>>[vector<16xi32>, vector<16xi32>], vector<16xf32>,
      %broadcast_in_dim3A_234 = arith.constant 0 : i32
      %broadcast_in_dim3A_235 = vector.broadcast %broadcast_in_dim3A_234 : i32 to vector<16xi32>
      %add3A_236 = arith.constant 1 : i32
      %add3A_237 = vector.broadcast %add3A_236 : i32 to vector<16xi32>
      %add3A_238 = arith.addi %broadcast_in_dim3A_235, %add3A_237 : vector<16xi32>
      %gather3A_239 = tpu.vector_load_idx %arg7[%add3A_238, %get3A_229] : memref<32x768xf32, #tpu.memory_space<vmem>>[vector<16xi32>, vector<16xi32>], vector<16xf32>,
      %broadcast_in_dim3A_240 = arith.constant 0 : i32
      %broadcast_in_dim3A_241 = vector.broadcast %broadcast_in_dim3A_240 : i32 to vector<16xi32>
      %add3A_242 = arith.constant 2 : i32
      %add3A_243 = vector.broadcast %add3A_242 : i32 to vector<16xi32>
      %add3A_244 = arith.addi %broadcast_in_dim3A_241, %add3A_243 : vector<16xi32>
      %gather3A_245 = tpu.vector_load_idx %arg7[%add3A_244, %get3A_229] : memref<32x768xf32, #tpu.memory_space<vmem>>[vector<16xi32>, vector<16xi32>], vector<16xf32>,
      %broadcast_in_dim3A_246 = arith.constant 0 : i32
      %broadcast_in_dim3A_247 = vector.broadcast %broadcast_in_dim3A_246 : i32 to vector<16xi32>
      %add3A_248 = arith.constant 3 : i32
      %add3A_249 = vector.broadcast %add3A_248 : i32 to vector<16xi32>
      %add3A_250 = arith.addi %broadcast_in_dim3A_247, %add3A_249 : vector<16xi32>
      %gather3A_251 = tpu.vector_load_idx %arg7[%add3A_250, %get3A_229] : memref<32x768xf32, #tpu.memory_space<vmem>>[vector<16xi32>, vector<16xi32>], vector<16xf32>,
      %broadcast_in_dim3A_252 = arith.constant 0 : i32
      %broadcast_in_dim3A_253 = vector.broadcast %broadcast_in_dim3A_252 : i32 to vector<16xi32>
      %add3A_254 = arith.constant 4 : i32
      %add3A_255 = vector.broadcast %add3A_254 : i32 to vector<16xi32>
      %add3A_256 = arith.addi %broadcast_in_dim3A_253, %add3A_255 : vector<16xi32>
      %gather3A_257 = tpu.vector_load_idx %arg7[%add3A_256, %get3A_229] : memref<32x768xf32, #tpu.memory_space<vmem>>[vector<16xi32>, vector<16xi32>], vector<16xf32>,
      %broadcast_in_dim3A_258 = arith.constant 0 : i32
      %broadcast_in_dim3A_259 = vector.broadcast %broadcast_in_dim3A_258 : i32 to vector<16xi32>
      %add3A_260 = arith.constant 5 : i32
      %add3A_261 = vector.broadcast %add3A_260 : i32 to vector<16xi32>
      %add3A_262 = arith.addi %broadcast_in_dim3A_259, %add3A_261 : vector<16xi32>
      %gather3A_263 = tpu.vector_load_idx %arg7[%add3A_262, %get3A_229] : memref<32x768xf32, #tpu.memory_space<vmem>>[vector<16xi32>, vector<16xi32>], vector<16xf32>,
      %broadcast_in_dim3A_264 = arith.constant 0 : i32
      %broadcast_in_dim3A_265 = vector.broadcast %broadcast_in_dim3A_264 : i32 to vector<16xi32>
      %add3A_266 = arith.constant 6 : i32
      %add3A_267 = vector.broadcast %add3A_266 : i32 to vector<16xi32>
      %add3A_268 = arith.addi %broadcast_in_dim3A_265, %add3A_267 : vector<16xi32>
      %gather3A_269 = tpu.vector_load_idx %arg7[%add3A_268, %get3A_229] : memref<32x768xf32, #tpu.memory_space<vmem>>[vector<16xi32>, vector<16xi32>], vector<16xf32>,
      %broadcast_in_dim3A_270 = arith.constant 0 : i32
      %broadcast_in_dim3A_271 = vector.broadcast %broadcast_in_dim3A_270 : i32 to vector<16xi32>
      %add3A_272 = arith.constant 7 : i32
      %add3A_273 = vector.broadcast %add3A_272 : i32 to vector<16xi32>
      %add3A_274 = arith.addi %broadcast_in_dim3A_271, %add3A_273 : vector<16xi32>
      %gather3A_275 = tpu.vector_load_idx %arg7[%add3A_274, %get3A_229] : memref<32x768xf32, #tpu.memory_space<vmem>>[vector<16xi32>, vector<16xi32>], vector<16xf32>,
      %broadcast_in_dim3A_276 = arith.constant 0 : i32
      %broadcast_in_dim3A_277 = vector.broadcast %broadcast_in_dim3A_276 : i32 to vector<16xi32>
      %add3A_278 = arith.constant 8 : i32
      %add3A_279 = vector.broadcast %add3A_278 : i32 to vector<16xi32>
      %add3A_280 = arith.addi %broadcast_in_dim3A_277, %add3A_279 : vector<16xi32>
      %gather3A_281 = tpu.vector_load_idx %arg7[%add3A_280, %get3A_229] : memref<32x768xf32, #tpu.memory_space<vmem>>[vector<16xi32>, vector<16xi32>], vector<16xf32>,
      %broadcast_in_dim3A_282 = arith.constant 0 : i32
      %broadcast_in_dim3A_283 = vector.broadcast %broadcast_in_dim3A_282 : i32 to vector<16xi32>
      %add3A_284 = arith.constant 9 : i32
      %add3A_285 = vector.broadcast %add3A_284 : i32 to vector<16xi32>
      %add3A_286 = arith.addi %broadcast_in_dim3A_283, %add3A_285 : vector<16xi32>
      %gather3A_287 = tpu.vector_load_idx %arg7[%add3A_286, %get3A_229] : memref<32x768xf32, #tpu.memory_space<vmem>>[vector<16xi32>, vector<16xi32>], vector<16xf32>,
      %broadcast_in_dim3A_288 = arith.constant 0 : i32
      %broadcast_in_dim3A_289 = vector.broadcast %broadcast_in_dim3A_288 : i32 to vector<16xi32>
      %add3A_290 = arith.constant 10 : i32
      %add3A_291 = vector.broadcast %add3A_290 : i32 to vector<16xi32>
      %add3A_292 = arith.addi %broadcast_in_dim3A_289, %add3A_291 : vector<16xi32>
      %gather3A_293 = tpu.vector_load_idx %arg7[%add3A_292, %get3A_229] : memref<32x768xf32, #tpu.memory_space<vmem>>[vector<16xi32>, vector<16xi32>], vector<16xf32>,
      %broadcast_in_dim3A_294 = arith.constant 0 : i32
      %broadcast_in_dim3A_295 = vector.broadcast %broadcast_in_dim3A_294 : i32 to vector<16xi32>
      %add3A_296 = arith.constant 11 : i32
      %add3A_297 = vector.broadcast %add3A_296 : i32 to vector<16xi32>
      %add3A_298 = arith.addi %broadcast_in_dim3A_295, %add3A_297 : vector<16xi32>
      %gather3A_299 = tpu.vector_load_idx %arg7[%add3A_298, %get3A_229] : memref<32x768xf32, #tpu.memory_space<vmem>>[vector<16xi32>, vector<16xi32>], vector<16xf32>,
      %swap3A = arith.constant 0 : i32
      %swap3A_300 = arith.index_cast %swap3A : i32 to index
      %swap3A_301 = arith.index_cast %multiple_of3A : i32 to index
      %swap3A_302 = tpu.vector_load %arg9[%swap3A_300, %swap3A_301] {strides = array<i32>} : memref<32x768xf32, #tpu.memory_space<vmem>>, vector<16xf32>,
      tpu.vector_store %arg9[%swap3A_300, %swap3A_301], %gather3A {strides = array<i32>} : memref<32x768xf32, #tpu.memory_space<vmem>>, vector<16xf32>,
      %swap3A_303 = arith.constant 1 : i32
      %swap3A_304 = arith.index_cast %swap3A_303 : i32 to index
      %swap3A_305 = arith.index_cast %multiple_of3A : i32 to index
      %swap3A_306 = tpu.vector_load %arg9[%swap3A_304, %swap3A_305] {strides = array<i32>} : memref<32x768xf32, #tpu.memory_space<vmem>>, vector<16xf32>,
      tpu.vector_store %arg9[%swap3A_304, %swap3A_305], %gather3A_239 {strides = array<i32>} : memref<32x768xf32, #tpu.memory_space<vmem>>, vector<16xf32>,
      %swap3A_307 = arith.constant 2 : i32
      %swap3A_308 = arith.index_cast %swap3A_307 : i32 to index
      %swap3A_309 = arith.index_cast %multiple_of3A : i32 to index
      %swap3A_310 = tpu.vector_load %arg9[%swap3A_308, %swap3A_309] {strides = array<i32>} : memref<32x768xf32, #tpu.memory_space<vmem>>, vector<16xf32>,
      tpu.vector_store %arg9[%swap3A_308, %swap3A_309], %gather3A_245 {strides = array<i32>} : memref<32x768xf32, #tpu.memory_space<vmem>>, vector<16xf32>,
      %swap3A_311 = arith.constant 3 : i32
      %swap3A_312 = arith.index_cast %swap3A_311 : i32 to index
      %swap3A_313 = arith.index_cast %multiple_of3A : i32 to index
      %swap3A_314 = tpu.vector_load %arg9[%swap3A_312, %swap3A_313] {strides = array<i32>} : memref<32x768xf32, #tpu.memory_space<vmem>>, vector<16xf32>,
      tpu.vector_store %arg9[%swap3A_312, %swap3A_313], %gather3A_251 {strides = array<i32>} : memref<32x768xf32, #tpu.memory_space<vmem>>, vector<16xf32>,
      %broadcast_in_dim3A_315 = arith.constant 0 : i32
      %broadcast_in_dim3A_316 = vector.broadcast %broadcast_in_dim3A_315 : i32 to vector<16xi32>
      %add3A_317 = arith.constant 12 : i32
      %add3A_318 = vector.broadcast %add3A_317 : i32 to vector<16xi32>
      %add3A_319 = arith.addi %broadcast_in_dim3A_316, %add3A_318 : vector<16xi32>
      %gather3A_320 = tpu.vector_load_idx %arg7[%add3A_319, %get3A_229] : memref<32x768xf32, #tpu.memory_space<vmem>>[vector<16xi32>, vector<16xi32>], vector<16xf32>,
      %broadcast_in_dim3A_321 = arith.constant 0 : i32
      %broadcast_in_dim3A_322 = vector.broadcast %broadcast_in_dim3A_321 : i32 to vector<16xi32>
      %add3A_323 = arith.constant 13 : i32
      %add3A_324 = vector.broadcast %add3A_323 : i32 to vector<16xi32>
      %add3A_325 = arith.addi %broadcast_in_dim3A_322, %add3A_324 : vector<16xi32>
      %gather3A_326 = tpu.vector_load_idx %arg7[%add3A_325, %get3A_229] : memref<32x768xf32, #tpu.memory_space<vmem>>[vector<16xi32>, vector<16xi32>], vector<16xf32>,
      %broadcast_in_dim3A_327 = arith.constant 0 : i32
      %broadcast_in_dim3A_328 = vector.broadcast %broadcast_in_dim3A_327 : i32 to vector<16xi32>
      %add3A_329 = arith.constant 14 : i32
      %add3A_330 = vector.broadcast %add3A_329 : i32 to vector<16xi32>
      %add3A_331 = arith.addi %broadcast_in_dim3A_328, %add3A_330 : vector<16xi32>
      %gather3A_332 = tpu.vector_load_idx %arg7[%add3A_331, %get3A_229] : memref<32x768xf32, #tpu.memory_space<vmem>>[vector<16xi32>, vector<16xi32>], vector<16xf32>,
      %broadcast_in_dim3A_333 = arith.constant 0 : i32
      %broadcast_in_dim3A_334 = vector.broadcast %broadcast_in_dim3A_333 : i32 to vector<16xi32>
      %add3A_335 = arith.constant 15 : i32
      %add3A_336 = vector.broadcast %add3A_335 : i32 to vector<16xi32>
      %add3A_337 = arith.addi %broadcast_in_dim3A_334, %add3A_336 : vector<16xi32>
      %gather3A_338 = tpu.vector_load_idx %arg7[%add3A_337, %get3A_229] : memref<32x768xf32, #tpu.memory_space<vmem>>[vector<16xi32>, vector<16xi32>], vector<16xf32>,
      %swap3A_339 = arith.constant 4 : i32
      %swap3A_340 = arith.index_cast %swap3A_339 : i32 to index
      %swap3A_341 = arith.index_cast %multiple_of3A : i32 to index
      %swap3A_342 = tpu.vector_load %arg9[%swap3A_340, %swap3A_341] {strides = array<i32>} : memref<32x768xf32, #tpu.memory_space<vmem>>, vector<16xf32>,
      tpu.vector_store %arg9[%swap3A_340, %swap3A_341], %gather3A_257 {strides = array<i32>} : memref<32x768xf32, #tpu.memory_space<vmem>>, vector<16xf32>,
      %swap3A_343 = arith.constant 5 : i32
      %swap3A_344 = arith.index_cast %swap3A_343 : i32 to index
      %swap3A_345 = arith.index_cast %multiple_of3A : i32 to index
      %swap3A_346 = tpu.vector_load %arg9[%swap3A_344, %swap3A_345] {strides = array<i32>} : memref<32x768xf32, #tpu.memory_space<vmem>>, vector<16xf32>,
      tpu.vector_store %arg9[%swap3A_344, %swap3A_345], %gather3A_263 {strides = array<i32>} : memref<32x768xf32, #tpu.memory_space<vmem>>, vector<16xf32>,
      %swap3A_347 = arith.constant 6 : i32
      %swap3A_348 = arith.index_cast %swap3A_347 : i32 to index
      %swap3A_349 = arith.index_cast %multiple_of3A : i32 to index
      %swap3A_350 = tpu.vector_load %arg9[%swap3A_348, %swap3A_349] {strides = array<i32>} : memref<32x768xf32, #tpu.memory_space<vmem>>, vector<16xf32>,
      tpu.vector_store %arg9[%swap3A_348, %swap3A_349], %gather3A_269 {strides = array<i32>} : memref<32x768xf32, #tpu.memory_space<vmem>>, vector<16xf32>,
      %swap3A_351 = arith.constant 7 : i32
      %swap3A_352 = arith.index_cast %swap3A_351 : i32 to index
      %swap3A_353 = arith.index_cast %multiple_of3A : i32 to index
      %swap3A_354 = tpu.vector_load %arg9[%swap3A_352, %swap3A_353] {strides = array<i32>} : memref<32x768xf32, #tpu.memory_space<vmem>>, vector<16xf32>,
      tpu.vector_store %arg9[%swap3A_352, %swap3A_353], %gather3A_275 {strides = array<i32>} : memref<32x768xf32, #tpu.memory_space<vmem>>, vector<16xf32>,
      %broadcast_in_dim3A_355 = arith.constant 0 : i32
      %broadcast_in_dim3A_356 = vector.broadcast %broadcast_in_dim3A_355 : i32 to vector<16xi32>
      %add3A_357 = arith.constant 16 : i32
      %add3A_358 = vector.broadcast %add3A_357 : i32 to vector<16xi32>
      %add3A_359 = arith.addi %broadcast_in_dim3A_356, %add3A_358 : vector<16xi32>
      %gather3A_360 = tpu.vector_load_idx %arg7[%add3A_359, %get3A_229] : memref<32x768xf32, #tpu.memory_space<vmem>>[vector<16xi32>, vector<16xi32>], vector<16xf32>,
      %broadcast_in_dim3A_361 = arith.constant 0 : i32
      %broadcast_in_dim3A_362 = vector.broadcast %broadcast_in_dim3A_361 : i32 to vector<16xi32>
      %add3A_363 = arith.constant 17 : i32
      %add3A_364 = vector.broadcast %add3A_363 : i32 to vector<16xi32>
      %add3A_365 = arith.addi %broadcast_in_dim3A_362, %add3A_364 : vector<16xi32>
      %gather3A_366 = tpu.vector_load_idx %arg7[%add3A_365, %get3A_229] : memref<32x768xf32, #tpu.memory_space<vmem>>[vector<16xi32>, vector<16xi32>], vector<16xf32>,
      %broadcast_in_dim3A_367 = arith.constant 0 : i32
      %broadcast_in_dim3A_368 = vector.broadcast %broadcast_in_dim3A_367 : i32 to vector<16xi32>
      %add3A_369 = arith.constant 18 : i32
      %add3A_370 = vector.broadcast %add3A_369 : i32 to vector<16xi32>
      %add3A_371 = arith.addi %broadcast_in_dim3A_368, %add3A_370 : vector<16xi32>
      %gather3A_372 = tpu.vector_load_idx %arg7[%add3A_371, %get3A_229] : memref<32x768xf32, #tpu.memory_space<vmem>>[vector<16xi32>, vector<16xi32>], vector<16xf32>,
      %broadcast_in_dim3A_373 = arith.constant 0 : i32
      %broadcast_in_dim3A_374 = vector.broadcast %broadcast_in_dim3A_373 : i32 to vector<16xi32>
      %add3A_375 = arith.constant 19 : i32
      %add3A_376 = vector.broadcast %add3A_375 : i32 to vector<16xi32>
      %add3A_377 = arith.addi %broadcast_in_dim3A_374, %add3A_376 : vector<16xi32>
      %gather3A_378 = tpu.vector_load_idx %arg7[%add3A_377, %get3A_229] : memref<32x768xf32, #tpu.memory_space<vmem>>[vector<16xi32>, vector<16xi32>], vector<16xf32>,
      %swap3A_379 = arith.constant 8 : i32
      %swap3A_380 = arith.index_cast %swap3A_379 : i32 to index
      %swap3A_381 = arith.index_cast %multiple_of3A : i32 to index
      %swap3A_382 = tpu.vector_load %arg9[%swap3A_380, %swap3A_381] {strides = array<i32>} : memref<32x768xf32, #tpu.memory_space<vmem>>, vector<16xf32>,
      tpu.vector_store %arg9[%swap3A_380, %swap3A_381], %gather3A_281 {strides = array<i32>} : memref<32x768xf32, #tpu.memory_space<vmem>>, vector<16xf32>,
      %swap3A_383 = arith.constant 9 : i32
      %swap3A_384 = arith.index_cast %swap3A_383 : i32 to index
      %swap3A_385 = arith.index_cast %multiple_of3A : i32 to index
      %swap3A_386 = tpu.vector_load %arg9[%swap3A_384, %swap3A_385] {strides = array<i32>} : memref<32x768xf32, #tpu.memory_space<vmem>>, vector<16xf32>,
      tpu.vector_store %arg9[%swap3A_384, %swap3A_385], %gather3A_287 {strides = array<i32>} : memref<32x768xf32, #tpu.memory_space<vmem>>, vector<16xf32>,
      %swap3A_387 = arith.constant 10 : i32
      %swap3A_388 = arith.index_cast %swap3A_387 : i32 to index
      %swap3A_389 = arith.index_cast %multiple_of3A : i32 to index
      %swap3A_390 = tpu.vector_load %arg9[%swap3A_388, %swap3A_389] {strides = array<i32>} : memref<32x768xf32, #tpu.memory_space<vmem>>, vector<16xf32>,
      tpu.vector_store %arg9[%swap3A_388, %swap3A_389], %gather3A_293 {strides = array<i32>} : memref<32x768xf32, #tpu.memory_space<vmem>>, vector<16xf32>,
      %swap3A_391 = arith.constant 11 : i32
      %swap3A_392 = arith.index_cast %swap3A_391 : i32 to index
      %swap3A_393 = arith.index_cast %multiple_of3A : i32 to index
      %swap3A_394 = tpu.vector_load %arg9[%swap3A_392, %swap3A_393] {strides = array<i32>} : memref<32x768xf32, #tpu.memory_space<vmem>>, vector<16xf32>,
      tpu.vector_store %arg9[%swap3A_392, %swap3A_393], %gather3A_299 {strides = array<i32>} : memref<32x768xf32, #tpu.memory_space<vmem>>, vector<16xf32>,
      %broadcast_in_dim3A_395 = arith.constant 0 : i32
      %broadcast_in_dim3A_396 = vector.broadcast %broadcast_in_dim3A_395 : i32 to vector<16xi32>
      %add3A_397 = arith.constant 20 : i32
      %add3A_398 = vector.broadcast %add3A_397 : i32 to vector<16xi32>
      %add3A_399 = arith.addi %broadcast_in_dim3A_396, %add3A_398 : vector<16xi32>
      %gather3A_400 = tpu.vector_load_idx %arg7[%add3A_399, %get3A_229] : memref<32x768xf32, #tpu.memory_space<vmem>>[vector<16xi32>, vector<16xi32>], vector<16xf32>,
      %broadcast_in_dim3A_401 = arith.constant 0 : i32
      %broadcast_in_dim3A_402 = vector.broadcast %broadcast_in_dim3A_401 : i32 to vector<16xi32>
      %add3A_403 = arith.constant 21 : i32
      %add3A_404 = vector.broadcast %add3A_403 : i32 to vector<16xi32>
      %add3A_405 = arith.addi %broadcast_in_dim3A_402, %add3A_404 : vector<16xi32>
      %gather3A_406 = tpu.vector_load_idx %arg7[%add3A_405, %get3A_229] : memref<32x768xf32, #tpu.memory_space<vmem>>[vector<16xi32>, vector<16xi32>], vector<16xf32>,
      %broadcast_in_dim3A_407 = arith.constant 0 : i32
      %broadcast_in_dim3A_408 = vector.broadcast %broadcast_in_dim3A_407 : i32 to vector<16xi32>
      %add3A_409 = arith.constant 22 : i32
      %add3A_410 = vector.broadcast %add3A_409 : i32 to vector<16xi32>
      %add3A_411 = arith.addi %broadcast_in_dim3A_408, %add3A_410 : vector<16xi32>
      %gather3A_412 = tpu.vector_load_idx %arg7[%add3A_411, %get3A_229] : memref<32x768xf32, #tpu.memory_space<vmem>>[vector<16xi32>, vector<16xi32>], vector<16xf32>,
      %broadcast_in_dim3A_413 = arith.constant 0 : i32
      %broadcast_in_dim3A_414 = vector.broadcast %broadcast_in_dim3A_413 : i32 to vector<16xi32>
      %add3A_415 = arith.constant 23 : i32
      %add3A_416 = vector.broadcast %add3A_415 : i32 to vector<16xi32>
      %add3A_417 = arith.addi %broadcast_in_dim3A_414, %add3A_416 : vector<16xi32>
      %gather3A_418 = tpu.vector_load_idx %arg7[%add3A_417, %get3A_229] : memref<32x768xf32, #tpu.memory_space<vmem>>[vector<16xi32>, vector<16xi32>], vector<16xf32>,
      %swap3A_419 = arith.constant 12 : i32
      %swap3A_420 = arith.index_cast %swap3A_419 : i32 to index
      %swap3A_421 = arith.index_cast %multiple_of3A : i32 to index
      %swap3A_422 = tpu.vector_load %arg9[%swap3A_420, %swap3A_421] {strides = array<i32>} : memref<32x768xf32, #tpu.memory_space<vmem>>, vector<16xf32>,
      tpu.vector_store %arg9[%swap3A_420, %swap3A_421], %gather3A_320 {strides = array<i32>} : memref<32x768xf32, #tpu.memory_space<vmem>>, vector<16xf32>,
      %swap3A_423 = arith.constant 13 : i32
      %swap3A_424 = arith.index_cast %swap3A_423 : i32 to index
      %swap3A_425 = arith.index_cast %multiple_of3A : i32 to index
      %swap3A_426 = tpu.vector_load %arg9[%swap3A_424, %swap3A_425] {strides = array<i32>} : memref<32x768xf32, #tpu.memory_space<vmem>>, vector<16xf32>,
      tpu.vector_store %arg9[%swap3A_424, %swap3A_425], %gather3A_326 {strides = array<i32>} : memref<32x768xf32, #tpu.memory_space<vmem>>, vector<16xf32>,
      %swap3A_427 = arith.constant 14 : i32
      %swap3A_428 = arith.index_cast %swap3A_427 : i32 to index
      %swap3A_429 = arith.index_cast %multiple_of3A : i32 to index
      %swap3A_430 = tpu.vector_load %arg9[%swap3A_428, %swap3A_429] {strides = array<i32>} : memref<32x768xf32, #tpu.memory_space<vmem>>, vector<16xf32>,
      tpu.vector_store %arg9[%swap3A_428, %swap3A_429], %gather3A_332 {strides = array<i32>} : memref<32x768xf32, #tpu.memory_space<vmem>>, vector<16xf32>,
      %swap3A_431 = arith.constant 15 : i32
      %swap3A_432 = arith.index_cast %swap3A_431 : i32 to index
      %swap3A_433 = arith.index_cast %multiple_of3A : i32 to index
      %swap3A_434 = tpu.vector_load %arg9[%swap3A_432, %swap3A_433] {strides = array<i32>} : memref<32x768xf32, #tpu.memory_space<vmem>>, vector<16xf32>,
      tpu.vector_store %arg9[%swap3A_432, %swap3A_433], %gather3A_338 {strides = array<i32>} : memref<32x768xf32, #tpu.memory_space<vmem>>, vector<16xf32>,
      %broadcast_in_dim3A_435 = arith.constant 0 : i32
      %broadcast_in_dim3A_436 = vector.broadcast %broadcast_in_dim3A_435 : i32 to vector<16xi32>
      %add3A_437 = arith.constant 24 : i32
      %add3A_438 = vector.broadcast %add3A_437 : i32 to vector<16xi32>
      %add3A_439 = arith.addi %broadcast_in_dim3A_436, %add3A_438 : vector<16xi32>
      %gather3A_440 = tpu.vector_load_idx %arg7[%add3A_439, %get3A_229] : memref<32x768xf32, #tpu.memory_space<vmem>>[vector<16xi32>, vector<16xi32>], vector<16xf32>,
      %broadcast_in_dim3A_441 = arith.constant 0 : i32
      %broadcast_in_dim3A_442 = vector.broadcast %broadcast_in_dim3A_441 : i32 to vector<16xi32>
      %add3A_443 = arith.constant 25 : i32
      %add3A_444 = vector.broadcast %add3A_443 : i32 to vector<16xi32>
      %add3A_445 = arith.addi %broadcast_in_dim3A_442, %add3A_444 : vector<16xi32>
      %gather3A_446 = tpu.vector_load_idx %arg7[%add3A_445, %get3A_229] : memref<32x768xf32, #tpu.memory_space<vmem>>[vector<16xi32>, vector<16xi32>], vector<16xf32>,
      %broadcast_in_dim3A_447 = arith.constant 0 : i32
      %broadcast_in_dim3A_448 = vector.broadcast %broadcast_in_dim3A_447 : i32 to vector<16xi32>
      %add3A_449 = arith.constant 26 : i32
      %add3A_450 = vector.broadcast %add3A_449 : i32 to vector<16xi32>
      %add3A_451 = arith.addi %broadcast_in_dim3A_448, %add3A_450 : vector<16xi32>
      %gather3A_452 = tpu.vector_load_idx %arg7[%add3A_451, %get3A_229] : memref<32x768xf32, #tpu.memory_space<vmem>>[vector<16xi32>, vector<16xi32>], vector<16xf32>,
      %broadcast_in_dim3A_453 = arith.constant 0 : i32
      %broadcast_in_dim3A_454 = vector.broadcast %broadcast_in_dim3A_453 : i32 to vector<16xi32>
      %add3A_455 = arith.constant 27 : i32
      %add3A_456 = vector.broadcast %add3A_455 : i32 to vector<16xi32>
      %add3A_457 = arith.addi %broadcast_in_dim3A_454, %add3A_456 : vector<16xi32>
      %gather3A_458 = tpu.vector_load_idx %arg7[%add3A_457, %get3A_229] : memref<32x768xf32, #tpu.memory_space<vmem>>[vector<16xi32>, vector<16xi32>], vector<16xf32>,
      %swap3A_459 = arith.constant 16 : i32
      %swap3A_460 = arith.index_cast %swap3A_459 : i32 to index
      %swap3A_461 = arith.index_cast %multiple_of3A : i32 to index
      %swap3A_462 = tpu.vector_load %arg9[%swap3A_460, %swap3A_461] {strides = array<i32>} : memref<32x768xf32, #tpu.memory_space<vmem>>, vector<16xf32>,
      tpu.vector_store %arg9[%swap3A_460, %swap3A_461], %gather3A_360 {strides = array<i32>} : memref<32x768xf32, #tpu.memory_space<vmem>>, vector<16xf32>,
      %swap3A_463 = arith.constant 17 : i32
      %swap3A_464 = arith.index_cast %swap3A_463 : i32 to index
      %swap3A_465 = arith.index_cast %multiple_of3A : i32 to index
      %swap3A_466 = tpu.vector_load %arg9[%swap3A_464, %swap3A_465] {strides = array<i32>} : memref<32x768xf32, #tpu.memory_space<vmem>>, vector<16xf32>,
      tpu.vector_store %arg9[%swap3A_464, %swap3A_465], %gather3A_366 {strides = array<i32>} : memref<32x768xf32, #tpu.memory_space<vmem>>, vector<16xf32>,
      %swap3A_467 = arith.constant 18 : i32
      %swap3A_468 = arith.index_cast %swap3A_467 : i32 to index
      %swap3A_469 = arith.index_cast %multiple_of3A : i32 to index
      %swap3A_470 = tpu.vector_load %arg9[%swap3A_468, %swap3A_469] {strides = array<i32>} : memref<32x768xf32, #tpu.memory_space<vmem>>, vector<16xf32>,
      tpu.vector_store %arg9[%swap3A_468, %swap3A_469], %gather3A_372 {strides = array<i32>} : memref<32x768xf32, #tpu.memory_space<vmem>>, vector<16xf32>,
      %swap3A_471 = arith.constant 19 : i32
      %swap3A_472 = arith.index_cast %swap3A_471 : i32 to index
      %swap3A_473 = arith.index_cast %multiple_of3A : i32 to index
      %swap3A_474 = tpu.vector_load %arg9[%swap3A_472, %swap3A_473] {strides = array<i32>} : memref<32x768xf32, #tpu.memory_space<vmem>>, vector<16xf32>,
      tpu.vector_store %arg9[%swap3A_472, %swap3A_473], %gather3A_378 {strides = array<i32>} : memref<32x768xf32, #tpu.memory_space<vmem>>, vector<16xf32>,
      %broadcast_in_dim3A_475 = arith.constant 0 : i32
      %broadcast_in_dim3A_476 = vector.broadcast %broadcast_in_dim3A_475 : i32 to vector<16xi32>
      %add3A_477 = arith.constant 28 : i32
      %add3A_478 = vector.broadcast %add3A_477 : i32 to vector<16xi32>
      %add3A_479 = arith.addi %broadcast_in_dim3A_476, %add3A_478 : vector<16xi32>
      %gather3A_480 = tpu.vector_load_idx %arg7[%add3A_479, %get3A_229] : memref<32x768xf32, #tpu.memory_space<vmem>>[vector<16xi32>, vector<16xi32>], vector<16xf32>,
      %broadcast_in_dim3A_481 = arith.constant 0 : i32
      %broadcast_in_dim3A_482 = vector.broadcast %broadcast_in_dim3A_481 : i32 to vector<16xi32>
      %add3A_483 = arith.constant 29 : i32
      %add3A_484 = vector.broadcast %add3A_483 : i32 to vector<16xi32>
      %add3A_485 = arith.addi %broadcast_in_dim3A_482, %add3A_484 : vector<16xi32>
      %gather3A_486 = tpu.vector_load_idx %arg7[%add3A_485, %get3A_229] : memref<32x768xf32, #tpu.memory_space<vmem>>[vector<16xi32>, vector<16xi32>], vector<16xf32>,
      %broadcast_in_dim3A_487 = arith.constant 0 : i32
      %broadcast_in_dim3A_488 = vector.broadcast %broadcast_in_dim3A_487 : i32 to vector<16xi32>
      %add3A_489 = arith.constant 30 : i32
      %add3A_490 = vector.broadcast %add3A_489 : i32 to vector<16xi32>
      %add3A_491 = arith.addi %broadcast_in_dim3A_488, %add3A_490 : vector<16xi32>
      %gather3A_492 = tpu.vector_load_idx %arg7[%add3A_491, %get3A_229] : memref<32x768xf32, #tpu.memory_space<vmem>>[vector<16xi32>, vector<16xi32>], vector<16xf32>,
      %broadcast_in_dim3A_493 = arith.constant 0 : i32
      %broadcast_in_dim3A_494 = vector.broadcast %broadcast_in_dim3A_493 : i32 to vector<16xi32>
      %add3A_495 = arith.constant 31 : i32
      %add3A_496 = vector.broadcast %add3A_495 : i32 to vector<16xi32>
      %add3A_497 = arith.addi %broadcast_in_dim3A_494, %add3A_496 : vector<16xi32>
      %gather3A_498 = tpu.vector_load_idx %arg7[%add3A_497, %get3A_229] : memref<32x768xf32, #tpu.memory_space<vmem>>[vector<16xi32>, vector<16xi32>], vector<16xf32>,
      %swap3A_499 = arith.constant 20 : i32
      %swap3A_500 = arith.index_cast %swap3A_499 : i32 to index
      %swap3A_501 = arith.index_cast %multiple_of3A : i32 to index
      %swap3A_502 = tpu.vector_load %arg9[%swap3A_500, %swap3A_501] {strides = array<i32>} : memref<32x768xf32, #tpu.memory_space<vmem>>, vector<16xf32>,
      tpu.vector_store %arg9[%swap3A_500, %swap3A_501], %gather3A_400 {strides = array<i32>} : memref<32x768xf32, #tpu.memory_space<vmem>>, vector<16xf32>,
      %swap3A_503 = arith.constant 21 : i32
      %swap3A_504 = arith.index_cast %swap3A_503 : i32 to index
      %swap3A_505 = arith.index_cast %multiple_of3A : i32 to index
      %swap3A_506 = tpu.vector_load %arg9[%swap3A_504, %swap3A_505] {strides = array<i32>} : memref<32x768xf32, #tpu.memory_space<vmem>>, vector<16xf32>,
      tpu.vector_store %arg9[%swap3A_504, %swap3A_505], %gather3A_406 {strides = array<i32>} : memref<32x768xf32, #tpu.memory_space<vmem>>, vector<16xf32>,
      %swap3A_507 = arith.constant 22 : i32
      %swap3A_508 = arith.index_cast %swap3A_507 : i32 to index
      %swap3A_509 = arith.index_cast %multiple_of3A : i32 to index
      %swap3A_510 = tpu.vector_load %arg9[%swap3A_508, %swap3A_509] {strides = array<i32>} : memref<32x768xf32, #tpu.memory_space<vmem>>, vector<16xf32>,
      tpu.vector_store %arg9[%swap3A_508, %swap3A_509], %gather3A_412 {strides = array<i32>} : memref<32x768xf32, #tpu.memory_space<vmem>>, vector<16xf32>,
      %swap3A_511 = arith.constant 23 : i32
      %swap3A_512 = arith.index_cast %swap3A_511 : i32 to index
      %swap3A_513 = arith.index_cast %multiple_of3A : i32 to index
      %swap3A_514 = tpu.vector_load %arg9[%swap3A_512, %swap3A_513] {strides = array<i32>} : memref<32x768xf32, #tpu.memory_space<vmem>>, vector<16xf32>,
      tpu.vector_store %arg9[%swap3A_512, %swap3A_513], %gather3A_418 {strides = array<i32>} : memref<32x768xf32, #tpu.memory_space<vmem>>, vector<16xf32>,
      %swap3A_515 = arith.constant 24 : i32
      %swap3A_516 = arith.index_cast %swap3A_515 : i32 to index
      %swap3A_517 = arith.index_cast %multiple_of3A : i32 to index
      %swap3A_518 = tpu.vector_load %arg9[%swap3A_516, %swap3A_517] {strides = array<i32>} : memref<32x768xf32, #tpu.memory_space<vmem>>, vector<16xf32>,
      tpu.vector_store %arg9[%swap3A_516, %swap3A_517], %gather3A_440 {strides = array<i32>} : memref<32x768xf32, #tpu.memory_space<vmem>>, vector<16xf32>,
      %swap3A_519 = arith.constant 25 : i32
      %swap3A_520 = arith.index_cast %swap3A_519 : i32 to index
      %swap3A_521 = arith.index_cast %multiple_of3A : i32 to index
      %swap3A_522 = tpu.vector_load %arg9[%swap3A_520, %swap3A_521] {strides = array<i32>} : memref<32x768xf32, #tpu.memory_space<vmem>>, vector<16xf32>,
      tpu.vector_store %arg9[%swap3A_520, %swap3A_521], %gather3A_446 {strides = array<i32>} : memref<32x768xf32, #tpu.memory_space<vmem>>, vector<16xf32>,
      %swap3A_523 = arith.constant 26 : i32
      %swap3A_524 = arith.index_cast %swap3A_523 : i32 to index
      %swap3A_525 = arith.index_cast %multiple_of3A : i32 to index
      %swap3A_526 = tpu.vector_load %arg9[%swap3A_524, %swap3A_525] {strides = array<i32>} : memref<32x768xf32, #tpu.memory_space<vmem>>, vector<16xf32>,
      tpu.vector_store %arg9[%swap3A_524, %swap3A_525], %gather3A_452 {strides = array<i32>} : memref<32x768xf32, #tpu.memory_space<vmem>>, vector<16xf32>,
      %swap3A_527 = arith.constant 27 : i32
      %swap3A_528 = arith.index_cast %swap3A_527 : i32 to index
      %swap3A_529 = arith.index_cast %multiple_of3A : i32 to index
      %swap3A_530 = tpu.vector_load %arg9[%swap3A_528, %swap3A_529] {strides = array<i32>} : memref<32x768xf32, #tpu.memory_space<vmem>>, vector<16xf32>,
      tpu.vector_store %arg9[%swap3A_528, %swap3A_529], %gather3A_458 {strides = array<i32>} : memref<32x768xf32, #tpu.memory_space<vmem>>, vector<16xf32>,
      %swap3A_531 = arith.constant 28 : i32
      %swap3A_532 = arith.index_cast %swap3A_531 : i32 to index
      %swap3A_533 = arith.index_cast %multiple_of3A : i32 to index
      %swap3A_534 = tpu.vector_load %arg9[%swap3A_532, %swap3A_533] {strides = array<i32>} : memref<32x768xf32, #tpu.memory_space<vmem>>, vector<16xf32>,
      tpu.vector_store %arg9[%swap3A_532, %swap3A_533], %gather3A_480 {strides = array<i32>} : memref<32x768xf32, #tpu.memory_space<vmem>>, vector<16xf32>,
      %swap3A_535 = arith.constant 29 : i32
      %swap3A_536 = arith.index_cast %swap3A_535 : i32 to index
      %swap3A_537 = arith.index_cast %multiple_of3A : i32 to index
      %swap3A_538 = tpu.vector_load %arg9[%swap3A_536, %swap3A_537] {strides = array<i32>} : memref<32x768xf32, #tpu.memory_space<vmem>>, vector<16xf32>,
      tpu.vector_store %arg9[%swap3A_536, %swap3A_537], %gather3A_486 {strides = array<i32>} : memref<32x768xf32, #tpu.memory_space<vmem>>, vector<16xf32>,
      %swap3A_539 = arith.constant 30 : i32
      %swap3A_540 = arith.index_cast %swap3A_539 : i32 to index
      %swap3A_541 = arith.index_cast %multiple_of3A : i32 to index
      %swap3A_542 = tpu.vector_load %arg9[%swap3A_540, %swap3A_541] {strides = array<i32>} : memref<32x768xf32, #tpu.memory_space<vmem>>, vector<16xf32>,
      tpu.vector_store %arg9[%swap3A_540, %swap3A_541], %gather3A_492 {strides = array<i32>} : memref<32x768xf32, #tpu.memory_space<vmem>>, vector<16xf32>,
      %swap3A_543 = arith.constant 31 : i32
      %swap3A_544 = arith.index_cast %swap3A_543 : i32 to index
      %swap3A_545 = arith.index_cast %multiple_of3A : i32 to index
      %swap3A_546 = tpu.vector_load %arg9[%swap3A_544, %swap3A_545] {strides = array<i32>} : memref<32x768xf32, #tpu.memory_space<vmem>>, vector<16xf32>,
      tpu.vector_store %arg9[%swap3A_544, %swap3A_545], %gather3A_498 {strides = array<i32>} : memref<32x768xf32, #tpu.memory_space<vmem>>, vector<16xf32>,
    }
    %scan3A_163 = arith.constant 48 : i32
    %add3A_164 = arith.constant 47 : i32
    %add3A_165 = arith.addi %mul3A_2, %add3A_164 : i32
    %dma_start3A_166 = arith.constant 0 : i32
    %dma_start3A_167 = arith.constant 0 : i32
    %dma_start3A_168 = tpu.memref_slice %arg4[%add3A_165, %dma_start3A_166, %dma_start3A_167] : memref<1568x32x768xf32, #tpu.memory_space<hbm>> -> memref<1x32x768xf32, #tpu.memory_space<hbm>>
    %dma_start3A_169 = tpu.memref_squeeze %dma_start3A_168 : memref<1x32x768xf32, #tpu.memory_space<hbm>> -> memref<32x768xf32, #tpu.memory_space<hbm>>
    %dma_start3A_170 = arith.constant 0 : i32
    %dma_start3A_171 = arith.constant 0 : i32
    %dma_start3A_172 = tpu.memref_slice %arg4[%add3A_165, %dma_start3A_170, %dma_start3A_171] : memref<1568x32x768xf32, #tpu.memory_space<hbm>> -> memref<1x32x768xf32, #tpu.memory_space<hbm>>
    %dma_start3A_173 = tpu.memref_squeeze %dma_start3A_172 : memref<1x32x768xf32, #tpu.memory_space<hbm>> -> memref<32x768xf32, #tpu.memory_space<hbm>>
    tpu.enqueue_dma source(%arg9 : memref<32x768xf32, #tpu.memory_space<vmem>>) target(%dma_start3A_173 : memref<32x768xf32, #tpu.memory_space<hbm>>) target_semaphore(%arg13 : memref<!tpu.dma_semaphore, #tpu.memory_space<semaphore_mem>>)
    %dma_wait3A_174 = arith.constant 0 : i32
    %dma_wait3A_175 = arith.constant 0 : i32
    %dma_wait3A_176 = arith.constant 0 : i32
    %dma_wait3A_177 = tpu.memref_slice %arg2[%dma_wait3A_174, %dma_wait3A_175, %dma_wait3A_176] : memref<1568x32x768xf32, #tpu.memory_space<hbm>> -> memref<1x32x768xf32, #tpu.memory_space<hbm>>
    %dma_wait3A_178 = tpu.memref_squeeze %dma_wait3A_177 : memref<1x32x768xf32, #tpu.memory_space<hbm>> -> memref<32x768xf32, #tpu.memory_space<hbm>>
    %dma_wait3A_179 = arith.constant 0 : i32
    %dma_wait3A_180 = arith.constant 0 : i32
    %dma_wait3A_181 = tpu.memref_slice %arg2[%dma_wait3A_174, %dma_wait3A_179, %dma_wait3A_180] : memref<1568x32x768xf32, #tpu.memory_space<hbm>> -> memref<1x32x768xf32, #tpu.memory_space<hbm>>
    %dma_wait3A_182 = tpu.memref_squeeze %dma_wait3A_181 : memref<1x32x768xf32, #tpu.memory_space<hbm>> -> memref<32x768xf32, #tpu.memory_space<hbm>>
    tpu.wait_dma2 semaphore(%arg10 : memref<!tpu.dma_semaphore, #tpu.memory_space<semaphore_mem>>) src(%dma_wait3A_182 : memref<32x768xf32, #tpu.memory_space<hbm>>) dst(%arg6 : memref<32x768xf32, #tpu.memory_space<vmem>>)
    %dma_wait3A_183 = arith.constant 0 : i32
    %dma_wait3A_184 = arith.constant 0 : i32
    %dma_wait3A_185 = arith.constant 0 : i32
    %dma_wait3A_186 = tpu.memref_slice %arg4[%dma_wait3A_183, %dma_wait3A_184, %dma_wait3A_185] : memref<1568x32x768xf32, #tpu.memory_space<hbm>> -> memref<1x32x768xf32, #tpu.memory_space<hbm>>
    %dma_wait3A_187 = tpu.memref_squeeze %dma_wait3A_186 : memref<1x32x768xf32, #tpu.memory_space<hbm>> -> memref<32x768xf32, #tpu.memory_space<hbm>>
    %dma_wait3A_188 = arith.constant 0 : i32
    %dma_wait3A_189 = arith.constant 0 : i32
    %dma_wait3A_190 = tpu.memref_slice %arg4[%dma_wait3A_183, %dma_wait3A_188, %dma_wait3A_189] : memref<1568x32x768xf32, #tpu.memory_space<hbm>> -> memref<1x32x768xf32, #tpu.memory_space<hbm>>
    %dma_wait3A_191 = tpu.memref_squeeze %dma_wait3A_190 : memref<1x32x768xf32, #tpu.memory_space<hbm>> -> memref<32x768xf32, #tpu.memory_space<hbm>>
    tpu.wait_dma2 semaphore(%arg12 : memref<!tpu.dma_semaphore, #tpu.memory_space<semaphore_mem>>) src(%arg8 : memref<32x768xf32, #tpu.memory_space<vmem>>) dst(%dma_wait3A_191 : memref<32x768xf32, #tpu.memory_space<hbm>>)
    %scan3A_192 = arith.constant 0 : i32
    %scan3A_193 = arith.constant 0 : i32
    %scan3A_194 = arith.constant 48 : i32
    %scan3A_195 = arith.addi %scan3A_193, %scan3A_194 : i32
    %scan3A_196 = arith.constant 1 : i32
    scf.for %scan3A_226 = %scan3A_193 to %scan3A_195 step %scan3A_196  : i32 {
      %mul3A_227 = arith.constant 16 : i32
      %mul3A_228 = arith.muli %scan3A_226, %mul3A_227 : i32
      %multiple_of3A = tpu.assume_multiple %mul3A_228, 16 : i32
      %get3A = arith.index_cast %multiple_of3A : i32 to index
      %get3A_229 = tpu.vector_load %arg5[%get3A] {strides = array<i32>} : memref<768xi32, #tpu.memory_space<vmem>>, vector<16xi32>,
      %broadcast_in_dim3A = arith.constant 0 : i32
      %broadcast_in_dim3A_230 = vector.broadcast %broadcast_in_dim3A : i32 to vector<16xi32>
      %add3A_231 = arith.constant 0 : i32
      %add3A_232 = vector.broadcast %add3A_231 : i32 to vector<16xi32>
      %add3A_233 = arith.addi %broadcast_in_dim3A_230, %add3A_232 : vector<16xi32>
      %gather3A = tpu.vector_load_idx %arg6[%add3A_233, %get3A_229] : memref<32x768xf32, #tpu.memory_space<vmem>>[vector<16xi32>, vector<16xi32>], vector<16xf32>,
      %broadcast_in_dim3A_234 = arith.constant 0 : i32
      %broadcast_in_dim3A_235 = vector.broadcast %broadcast_in_dim3A_234 : i32 to vector<16xi32>
      %add3A_236 = arith.constant 1 : i32
      %add3A_237 = vector.broadcast %add3A_236 : i32 to vector<16xi32>
      %add3A_238 = arith.addi %broadcast_in_dim3A_235, %add3A_237 : vector<16xi32>
      %gather3A_239 = tpu.vector_load_idx %arg6[%add3A_238, %get3A_229] : memref<32x768xf32, #tpu.memory_space<vmem>>[vector<16xi32>, vector<16xi32>], vector<16xf32>,
      %broadcast_in_dim3A_240 = arith.constant 0 : i32
      %broadcast_in_dim3A_241 = vector.broadcast %broadcast_in_dim3A_240 : i32 to vector<16xi32>
      %add3A_242 = arith.constant 2 : i32
      %add3A_243 = vector.broadcast %add3A_242 : i32 to vector<16xi32>
      %add3A_244 = arith.addi %broadcast_in_dim3A_241, %add3A_243 : vector<16xi32>
      %gather3A_245 = tpu.vector_load_idx %arg6[%add3A_244, %get3A_229] : memref<32x768xf32, #tpu.memory_space<vmem>>[vector<16xi32>, vector<16xi32>], vector<16xf32>,
      %broadcast_in_dim3A_246 = arith.constant 0 : i32
      %broadcast_in_dim3A_247 = vector.broadcast %broadcast_in_dim3A_246 : i32 to vector<16xi32>
      %add3A_248 = arith.constant 3 : i32
      %add3A_249 = vector.broadcast %add3A_248 : i32 to vector<16xi32>
      %add3A_250 = arith.addi %broadcast_in_dim3A_247, %add3A_249 : vector<16xi32>
      %gather3A_251 = tpu.vector_load_idx %arg6[%add3A_250, %get3A_229] : memref<32x768xf32, #tpu.memory_space<vmem>>[vector<16xi32>, vector<16xi32>], vector<16xf32>,
      %broadcast_in_dim3A_252 = arith.constant 0 : i32
      %broadcast_in_dim3A_253 = vector.broadcast %broadcast_in_dim3A_252 : i32 to vector<16xi32>
      %add3A_254 = arith.constant 4 : i32
      %add3A_255 = vector.broadcast %add3A_254 : i32 to vector<16xi32>
      %add3A_256 = arith.addi %broadcast_in_dim3A_253, %add3A_255 : vector<16xi32>
      %gather3A_257 = tpu.vector_load_idx %arg6[%add3A_256, %get3A_229] : memref<32x768xf32, #tpu.memory_space<vmem>>[vector<16xi32>, vector<16xi32>], vector<16xf32>,
      %broadcast_in_dim3A_258 = arith.constant 0 : i32
      %broadcast_in_dim3A_259 = vector.broadcast %broadcast_in_dim3A_258 : i32 to vector<16xi32>
      %add3A_260 = arith.constant 5 : i32
      %add3A_261 = vector.broadcast %add3A_260 : i32 to vector<16xi32>
      %add3A_262 = arith.addi %broadcast_in_dim3A_259, %add3A_261 : vector<16xi32>
      %gather3A_263 = tpu.vector_load_idx %arg6[%add3A_262, %get3A_229] : memref<32x768xf32, #tpu.memory_space<vmem>>[vector<16xi32>, vector<16xi32>], vector<16xf32>,
      %broadcast_in_dim3A_264 = arith.constant 0 : i32
      %broadcast_in_dim3A_265 = vector.broadcast %broadcast_in_dim3A_264 : i32 to vector<16xi32>
      %add3A_266 = arith.constant 6 : i32
      %add3A_267 = vector.broadcast %add3A_266 : i32 to vector<16xi32>
      %add3A_268 = arith.addi %broadcast_in_dim3A_265, %add3A_267 : vector<16xi32>
      %gather3A_269 = tpu.vector_load_idx %arg6[%add3A_268, %get3A_229] : memref<32x768xf32, #tpu.memory_space<vmem>>[vector<16xi32>, vector<16xi32>], vector<16xf32>,
      %broadcast_in_dim3A_270 = arith.constant 0 : i32
      %broadcast_in_dim3A_271 = vector.broadcast %broadcast_in_dim3A_270 : i32 to vector<16xi32>
      %add3A_272 = arith.constant 7 : i32
      %add3A_273 = vector.broadcast %add3A_272 : i32 to vector<16xi32>
      %add3A_274 = arith.addi %broadcast_in_dim3A_271, %add3A_273 : vector<16xi32>
      %gather3A_275 = tpu.vector_load_idx %arg6[%add3A_274, %get3A_229] : memref<32x768xf32, #tpu.memory_space<vmem>>[vector<16xi32>, vector<16xi32>], vector<16xf32>,
      %broadcast_in_dim3A_276 = arith.constant 0 : i32
      %broadcast_in_dim3A_277 = vector.broadcast %broadcast_in_dim3A_276 : i32 to vector<16xi32>
      %add3A_278 = arith.constant 8 : i32
      %add3A_279 = vector.broadcast %add3A_278 : i32 to vector<16xi32>
      %add3A_280 = arith.addi %broadcast_in_dim3A_277, %add3A_279 : vector<16xi32>
      %gather3A_281 = tpu.vector_load_idx %arg6[%add3A_280, %get3A_229] : memref<32x768xf32, #tpu.memory_space<vmem>>[vector<16xi32>, vector<16xi32>], vector<16xf32>,
      %broadcast_in_dim3A_282 = arith.constant 0 : i32
      %broadcast_in_dim3A_283 = vector.broadcast %broadcast_in_dim3A_282 : i32 to vector<16xi32>
      %add3A_284 = arith.constant 9 : i32
      %add3A_285 = vector.broadcast %add3A_284 : i32 to vector<16xi32>
      %add3A_286 = arith.addi %broadcast_in_dim3A_283, %add3A_285 : vector<16xi32>
      %gather3A_287 = tpu.vector_load_idx %arg6[%add3A_286, %get3A_229] : memref<32x768xf32, #tpu.memory_space<vmem>>[vector<16xi32>, vector<16xi32>], vector<16xf32>,
      %broadcast_in_dim3A_288 = arith.constant 0 : i32
      %broadcast_in_dim3A_289 = vector.broadcast %broadcast_in_dim3A_288 : i32 to vector<16xi32>
      %add3A_290 = arith.constant 10 : i32
      %add3A_291 = vector.broadcast %add3A_290 : i32 to vector<16xi32>
      %add3A_292 = arith.addi %broadcast_in_dim3A_289, %add3A_291 : vector<16xi32>
      %gather3A_293 = tpu.vector_load_idx %arg6[%add3A_292, %get3A_229] : memref<32x768xf32, #tpu.memory_space<vmem>>[vector<16xi32>, vector<16xi32>], vector<16xf32>,
      %broadcast_in_dim3A_294 = arith.constant 0 : i32
      %broadcast_in_dim3A_295 = vector.broadcast %broadcast_in_dim3A_294 : i32 to vector<16xi32>
      %add3A_296 = arith.constant 11 : i32
      %add3A_297 = vector.broadcast %add3A_296 : i32 to vector<16xi32>
      %add3A_298 = arith.addi %broadcast_in_dim3A_295, %add3A_297 : vector<16xi32>
      %gather3A_299 = tpu.vector_load_idx %arg6[%add3A_298, %get3A_229] : memref<32x768xf32, #tpu.memory_space<vmem>>[vector<16xi32>, vector<16xi32>], vector<16xf32>,
      %swap3A = arith.constant 0 : i32
      %swap3A_300 = arith.index_cast %swap3A : i32 to index
      %swap3A_301 = arith.index_cast %multiple_of3A : i32 to index
      %swap3A_302 = tpu.vector_load %arg8[%swap3A_300, %swap3A_301] {strides = array<i32>} : memref<32x768xf32, #tpu.memory_space<vmem>>, vector<16xf32>,
      tpu.vector_store %arg8[%swap3A_300, %swap3A_301], %gather3A {strides = array<i32>} : memref<32x768xf32, #tpu.memory_space<vmem>>, vector<16xf32>,
      %swap3A_303 = arith.constant 1 : i32
      %swap3A_304 = arith.index_cast %swap3A_303 : i32 to index
      %swap3A_305 = arith.index_cast %multiple_of3A : i32 to index
      %swap3A_306 = tpu.vector_load %arg8[%swap3A_304, %swap3A_305] {strides = array<i32>} : memref<32x768xf32, #tpu.memory_space<vmem>>, vector<16xf32>,
      tpu.vector_store %arg8[%swap3A_304, %swap3A_305], %gather3A_239 {strides = array<i32>} : memref<32x768xf32, #tpu.memory_space<vmem>>, vector<16xf32>,
      %swap3A_307 = arith.constant 2 : i32
      %swap3A_308 = arith.index_cast %swap3A_307 : i32 to index
      %swap3A_309 = arith.index_cast %multiple_of3A : i32 to index
      %swap3A_310 = tpu.vector_load %arg8[%swap3A_308, %swap3A_309] {strides = array<i32>} : memref<32x768xf32, #tpu.memory_space<vmem>>, vector<16xf32>,
      tpu.vector_store %arg8[%swap3A_308, %swap3A_309], %gather3A_245 {strides = array<i32>} : memref<32x768xf32, #tpu.memory_space<vmem>>, vector<16xf32>,
      %swap3A_311 = arith.constant 3 : i32
      %swap3A_312 = arith.index_cast %swap3A_311 : i32 to index
      %swap3A_313 = arith.index_cast %multiple_of3A : i32 to index
      %swap3A_314 = tpu.vector_load %arg8[%swap3A_312, %swap3A_313] {strides = array<i32>} : memref<32x768xf32, #tpu.memory_space<vmem>>, vector<16xf32>,
      tpu.vector_store %arg8[%swap3A_312, %swap3A_313], %gather3A_251 {strides = array<i32>} : memref<32x768xf32, #tpu.memory_space<vmem>>, vector<16xf32>,
      %broadcast_in_dim3A_315 = arith.constant 0 : i32
      %broadcast_in_dim3A_316 = vector.broadcast %broadcast_in_dim3A_315 : i32 to vector<16xi32>
      %add3A_317 = arith.constant 12 : i32
      %add3A_318 = vector.broadcast %add3A_317 : i32 to vector<16xi32>
      %add3A_319 = arith.addi %broadcast_in_dim3A_316, %add3A_318 : vector<16xi32>
      %gather3A_320 = tpu.vector_load_idx %arg6[%add3A_319, %get3A_229] : memref<32x768xf32, #tpu.memory_space<vmem>>[vector<16xi32>, vector<16xi32>], vector<16xf32>,
      %broadcast_in_dim3A_321 = arith.constant 0 : i32
      %broadcast_in_dim3A_322 = vector.broadcast %broadcast_in_dim3A_321 : i32 to vector<16xi32>
      %add3A_323 = arith.constant 13 : i32
      %add3A_324 = vector.broadcast %add3A_323 : i32 to vector<16xi32>
      %add3A_325 = arith.addi %broadcast_in_dim3A_322, %add3A_324 : vector<16xi32>
      %gather3A_326 = tpu.vector_load_idx %arg6[%add3A_325, %get3A_229] : memref<32x768xf32, #tpu.memory_space<vmem>>[vector<16xi32>, vector<16xi32>], vector<16xf32>,
      %broadcast_in_dim3A_327 = arith.constant 0 : i32
      %broadcast_in_dim3A_328 = vector.broadcast %broadcast_in_dim3A_327 : i32 to vector<16xi32>
      %add3A_329 = arith.constant 14 : i32
      %add3A_330 = vector.broadcast %add3A_329 : i32 to vector<16xi32>
      %add3A_331 = arith.addi %broadcast_in_dim3A_328, %add3A_330 : vector<16xi32>
      %gather3A_332 = tpu.vector_load_idx %arg6[%add3A_331, %get3A_229] : memref<32x768xf32, #tpu.memory_space<vmem>>[vector<16xi32>, vector<16xi32>], vector<16xf32>,
      %broadcast_in_dim3A_333 = arith.constant 0 : i32
      %broadcast_in_dim3A_334 = vector.broadcast %broadcast_in_dim3A_333 : i32 to vector<16xi32>
      %add3A_335 = arith.constant 15 : i32
      %add3A_336 = vector.broadcast %add3A_335 : i32 to vector<16xi32>
      %add3A_337 = arith.addi %broadcast_in_dim3A_334, %add3A_336 : vector<16xi32>
      %gather3A_338 = tpu.vector_load_idx %arg6[%add3A_337, %get3A_229] : memref<32x768xf32, #tpu.memory_space<vmem>>[vector<16xi32>, vector<16xi32>], vector<16xf32>,
      %swap3A_339 = arith.constant 4 : i32
      %swap3A_340 = arith.index_cast %swap3A_339 : i32 to index
      %swap3A_341 = arith.index_cast %multiple_of3A : i32 to index
      %swap3A_342 = tpu.vector_load %arg8[%swap3A_340, %swap3A_341] {strides = array<i32>} : memref<32x768xf32, #tpu.memory_space<vmem>>, vector<16xf32>,
      tpu.vector_store %arg8[%swap3A_340, %swap3A_341], %gather3A_257 {strides = array<i32>} : memref<32x768xf32, #tpu.memory_space<vmem>>, vector<16xf32>,
      %swap3A_343 = arith.constant 5 : i32
      %swap3A_344 = arith.index_cast %swap3A_343 : i32 to index
      %swap3A_345 = arith.index_cast %multiple_of3A : i32 to index
      %swap3A_346 = tpu.vector_load %arg8[%swap3A_344, %swap3A_345] {strides = array<i32>} : memref<32x768xf32, #tpu.memory_space<vmem>>, vector<16xf32>,
      tpu.vector_store %arg8[%swap3A_344, %swap3A_345], %gather3A_263 {strides = array<i32>} : memref<32x768xf32, #tpu.memory_space<vmem>>, vector<16xf32>,
      %swap3A_347 = arith.constant 6 : i32
      %swap3A_348 = arith.index_cast %swap3A_347 : i32 to index
      %swap3A_349 = arith.index_cast %multiple_of3A : i32 to index
      %swap3A_350 = tpu.vector_load %arg8[%swap3A_348, %swap3A_349] {strides = array<i32>} : memref<32x768xf32, #tpu.memory_space<vmem>>, vector<16xf32>,
      tpu.vector_store %arg8[%swap3A_348, %swap3A_349], %gather3A_269 {strides = array<i32>} : memref<32x768xf32, #tpu.memory_space<vmem>>, vector<16xf32>,
      %swap3A_351 = arith.constant 7 : i32
      %swap3A_352 = arith.index_cast %swap3A_351 : i32 to index
      %swap3A_353 = arith.index_cast %multiple_of3A : i32 to index
      %swap3A_354 = tpu.vector_load %arg8[%swap3A_352, %swap3A_353] {strides = array<i32>} : memref<32x768xf32, #tpu.memory_space<vmem>>, vector<16xf32>,
      tpu.vector_store %arg8[%swap3A_352, %swap3A_353], %gather3A_275 {strides = array<i32>} : memref<32x768xf32, #tpu.memory_space<vmem>>, vector<16xf32>,
      %broadcast_in_dim3A_355 = arith.constant 0 : i32
      %broadcast_in_dim3A_356 = vector.broadcast %broadcast_in_dim3A_355 : i32 to vector<16xi32>
      %add3A_357 = arith.constant 16 : i32
      %add3A_358 = vector.broadcast %add3A_357 : i32 to vector<16xi32>
      %add3A_359 = arith.addi %broadcast_in_dim3A_356, %add3A_358 : vector<16xi32>
      %gather3A_360 = tpu.vector_load_idx %arg6[%add3A_359, %get3A_229] : memref<32x768xf32, #tpu.memory_space<vmem>>[vector<16xi32>, vector<16xi32>], vector<16xf32>,
      %broadcast_in_dim3A_361 = arith.constant 0 : i32
      %broadcast_in_dim3A_362 = vector.broadcast %broadcast_in_dim3A_361 : i32 to vector<16xi32>
      %add3A_363 = arith.constant 17 : i32
      %add3A_364 = vector.broadcast %add3A_363 : i32 to vector<16xi32>
      %add3A_365 = arith.addi %broadcast_in_dim3A_362, %add3A_364 : vector<16xi32>
      %gather3A_366 = tpu.vector_load_idx %arg6[%add3A_365, %get3A_229] : memref<32x768xf32, #tpu.memory_space<vmem>>[vector<16xi32>, vector<16xi32>], vector<16xf32>,
      %broadcast_in_dim3A_367 = arith.constant 0 : i32
      %broadcast_in_dim3A_368 = vector.broadcast %broadcast_in_dim3A_367 : i32 to vector<16xi32>
      %add3A_369 = arith.constant 18 : i32
      %add3A_370 = vector.broadcast %add3A_369 : i32 to vector<16xi32>
      %add3A_371 = arith.addi %broadcast_in_dim3A_368, %add3A_370 : vector<16xi32>
      %gather3A_372 = tpu.vector_load_idx %arg6[%add3A_371, %get3A_229] : memref<32x768xf32, #tpu.memory_space<vmem>>[vector<16xi32>, vector<16xi32>], vector<16xf32>,
      %broadcast_in_dim3A_373 = arith.constant 0 : i32
      %broadcast_in_dim3A_374 = vector.broadcast %broadcast_in_dim3A_373 : i32 to vector<16xi32>
      %add3A_375 = arith.constant 19 : i32
      %add3A_376 = vector.broadcast %add3A_375 : i32 to vector<16xi32>
      %add3A_377 = arith.addi %broadcast_in_dim3A_374, %add3A_376 : vector<16xi32>
      %gather3A_378 = tpu.vector_load_idx %arg6[%add3A_377, %get3A_229] : memref<32x768xf32, #tpu.memory_space<vmem>>[vector<16xi32>, vector<16xi32>], vector<16xf32>,
      %swap3A_379 = arith.constant 8 : i32
      %swap3A_380 = arith.index_cast %swap3A_379 : i32 to index
      %swap3A_381 = arith.index_cast %multiple_of3A : i32 to index
      %swap3A_382 = tpu.vector_load %arg8[%swap3A_380, %swap3A_381] {strides = array<i32>} : memref<32x768xf32, #tpu.memory_space<vmem>>, vector<16xf32>,
      tpu.vector_store %arg8[%swap3A_380, %swap3A_381], %gather3A_281 {strides = array<i32>} : memref<32x768xf32, #tpu.memory_space<vmem>>, vector<16xf32>,
      %swap3A_383 = arith.constant 9 : i32
      %swap3A_384 = arith.index_cast %swap3A_383 : i32 to index
      %swap3A_385 = arith.index_cast %multiple_of3A : i32 to index
      %swap3A_386 = tpu.vector_load %arg8[%swap3A_384, %swap3A_385] {strides = array<i32>} : memref<32x768xf32, #tpu.memory_space<vmem>>, vector<16xf32>,
      tpu.vector_store %arg8[%swap3A_384, %swap3A_385], %gather3A_287 {strides = array<i32>} : memref<32x768xf32, #tpu.memory_space<vmem>>, vector<16xf32>,
      %swap3A_387 = arith.constant 10 : i32
      %swap3A_388 = arith.index_cast %swap3A_387 : i32 to index
      %swap3A_389 = arith.index_cast %multiple_of3A : i32 to index
      %swap3A_390 = tpu.vector_load %arg8[%swap3A_388, %swap3A_389] {strides = array<i32>} : memref<32x768xf32, #tpu.memory_space<vmem>>, vector<16xf32>,
      tpu.vector_store %arg8[%swap3A_388, %swap3A_389], %gather3A_293 {strides = array<i32>} : memref<32x768xf32, #tpu.memory_space<vmem>>, vector<16xf32>,
      %swap3A_391 = arith.constant 11 : i32
      %swap3A_392 = arith.index_cast %swap3A_391 : i32 to index
      %swap3A_393 = arith.index_cast %multiple_of3A : i32 to index
      %swap3A_394 = tpu.vector_load %arg8[%swap3A_392, %swap3A_393] {strides = array<i32>} : memref<32x768xf32, #tpu.memory_space<vmem>>, vector<16xf32>,
      tpu.vector_store %arg8[%swap3A_392, %swap3A_393], %gather3A_299 {strides = array<i32>} : memref<32x768xf32, #tpu.memory_space<vmem>>, vector<16xf32>,
      %broadcast_in_dim3A_395 = arith.constant 0 : i32
      %broadcast_in_dim3A_396 = vector.broadcast %broadcast_in_dim3A_395 : i32 to vector<16xi32>
      %add3A_397 = arith.constant 20 : i32
      %add3A_398 = vector.broadcast %add3A_397 : i32 to vector<16xi32>
      %add3A_399 = arith.addi %broadcast_in_dim3A_396, %add3A_398 : vector<16xi32>
      %gather3A_400 = tpu.vector_load_idx %arg6[%add3A_399, %get3A_229] : memref<32x768xf32, #tpu.memory_space<vmem>>[vector<16xi32>, vector<16xi32>], vector<16xf32>,
      %broadcast_in_dim3A_401 = arith.constant 0 : i32
      %broadcast_in_dim3A_402 = vector.broadcast %broadcast_in_dim3A_401 : i32 to vector<16xi32>
      %add3A_403 = arith.constant 21 : i32
      %add3A_404 = vector.broadcast %add3A_403 : i32 to vector<16xi32>
      %add3A_405 = arith.addi %broadcast_in_dim3A_402, %add3A_404 : vector<16xi32>
      %gather3A_406 = tpu.vector_load_idx %arg6[%add3A_405, %get3A_229] : memref<32x768xf32, #tpu.memory_space<vmem>>[vector<16xi32>, vector<16xi32>], vector<16xf32>,
      %broadcast_in_dim3A_407 = arith.constant 0 : i32
      %broadcast_in_dim3A_408 = vector.broadcast %broadcast_in_dim3A_407 : i32 to vector<16xi32>
      %add3A_409 = arith.constant 22 : i32
      %add3A_410 = vector.broadcast %add3A_409 : i32 to vector<16xi32>
      %add3A_411 = arith.addi %broadcast_in_dim3A_408, %add3A_410 : vector<16xi32>
      %gather3A_412 = tpu.vector_load_idx %arg6[%add3A_411, %get3A_229] : memref<32x768xf32, #tpu.memory_space<vmem>>[vector<16xi32>, vector<16xi32>], vector<16xf32>,
      %broadcast_in_dim3A_413 = arith.constant 0 : i32
      %broadcast_in_dim3A_414 = vector.broadcast %broadcast_in_dim3A_413 : i32 to vector<16xi32>
      %add3A_415 = arith.constant 23 : i32
      %add3A_416 = vector.broadcast %add3A_415 : i32 to vector<16xi32>
      %add3A_417 = arith.addi %broadcast_in_dim3A_414, %add3A_416 : vector<16xi32>
      %gather3A_418 = tpu.vector_load_idx %arg6[%add3A_417, %get3A_229] : memref<32x768xf32, #tpu.memory_space<vmem>>[vector<16xi32>, vector<16xi32>], vector<16xf32>,
      %swap3A_419 = arith.constant 12 : i32
      %swap3A_420 = arith.index_cast %swap3A_419 : i32 to index
      %swap3A_421 = arith.index_cast %multiple_of3A : i32 to index
      %swap3A_422 = tpu.vector_load %arg8[%swap3A_420, %swap3A_421] {strides = array<i32>} : memref<32x768xf32, #tpu.memory_space<vmem>>, vector<16xf32>,
      tpu.vector_store %arg8[%swap3A_420, %swap3A_421], %gather3A_320 {strides = array<i32>} : memref<32x768xf32, #tpu.memory_space<vmem>>, vector<16xf32>,
      %swap3A_423 = arith.constant 13 : i32
      %swap3A_424 = arith.index_cast %swap3A_423 : i32 to index
      %swap3A_425 = arith.index_cast %multiple_of3A : i32 to index
      %swap3A_426 = tpu.vector_load %arg8[%swap3A_424, %swap3A_425] {strides = array<i32>} : memref<32x768xf32, #tpu.memory_space<vmem>>, vector<16xf32>,
      tpu.vector_store %arg8[%swap3A_424, %swap3A_425], %gather3A_326 {strides = array<i32>} : memref<32x768xf32, #tpu.memory_space<vmem>>, vector<16xf32>,
      %swap3A_427 = arith.constant 14 : i32
      %swap3A_428 = arith.index_cast %swap3A_427 : i32 to index
      %swap3A_429 = arith.index_cast %multiple_of3A : i32 to index
      %swap3A_430 = tpu.vector_load %arg8[%swap3A_428, %swap3A_429] {strides = array<i32>} : memref<32x768xf32, #tpu.memory_space<vmem>>, vector<16xf32>,
      tpu.vector_store %arg8[%swap3A_428, %swap3A_429], %gather3A_332 {strides = array<i32>} : memref<32x768xf32, #tpu.memory_space<vmem>>, vector<16xf32>,
      %swap3A_431 = arith.constant 15 : i32
      %swap3A_432 = arith.index_cast %swap3A_431 : i32 to index
      %swap3A_433 = arith.index_cast %multiple_of3A : i32 to index
      %swap3A_434 = tpu.vector_load %arg8[%swap3A_432, %swap3A_433] {strides = array<i32>} : memref<32x768xf32, #tpu.memory_space<vmem>>, vector<16xf32>,
      tpu.vector_store %arg8[%swap3A_432, %swap3A_433], %gather3A_338 {strides = array<i32>} : memref<32x768xf32, #tpu.memory_space<vmem>>, vector<16xf32>,
      %broadcast_in_dim3A_435 = arith.constant 0 : i32
      %broadcast_in_dim3A_436 = vector.broadcast %broadcast_in_dim3A_435 : i32 to vector<16xi32>
      %add3A_437 = arith.constant 24 : i32
      %add3A_438 = vector.broadcast %add3A_437 : i32 to vector<16xi32>
      %add3A_439 = arith.addi %broadcast_in_dim3A_436, %add3A_438 : vector<16xi32>
      %gather3A_440 = tpu.vector_load_idx %arg6[%add3A_439, %get3A_229] : memref<32x768xf32, #tpu.memory_space<vmem>>[vector<16xi32>, vector<16xi32>], vector<16xf32>,
      %broadcast_in_dim3A_441 = arith.constant 0 : i32
      %broadcast_in_dim3A_442 = vector.broadcast %broadcast_in_dim3A_441 : i32 to vector<16xi32>
      %add3A_443 = arith.constant 25 : i32
      %add3A_444 = vector.broadcast %add3A_443 : i32 to vector<16xi32>
      %add3A_445 = arith.addi %broadcast_in_dim3A_442, %add3A_444 : vector<16xi32>
      %gather3A_446 = tpu.vector_load_idx %arg6[%add3A_445, %get3A_229] : memref<32x768xf32, #tpu.memory_space<vmem>>[vector<16xi32>, vector<16xi32>], vector<16xf32>,
      %broadcast_in_dim3A_447 = arith.constant 0 : i32
      %broadcast_in_dim3A_448 = vector.broadcast %broadcast_in_dim3A_447 : i32 to vector<16xi32>
      %add3A_449 = arith.constant 26 : i32
      %add3A_450 = vector.broadcast %add3A_449 : i32 to vector<16xi32>
      %add3A_451 = arith.addi %broadcast_in_dim3A_448, %add3A_450 : vector<16xi32>
      %gather3A_452 = tpu.vector_load_idx %arg6[%add3A_451, %get3A_229] : memref<32x768xf32, #tpu.memory_space<vmem>>[vector<16xi32>, vector<16xi32>], vector<16xf32>,
      %broadcast_in_dim3A_453 = arith.constant 0 : i32
      %broadcast_in_dim3A_454 = vector.broadcast %broadcast_in_dim3A_453 : i32 to vector<16xi32>
      %add3A_455 = arith.constant 27 : i32
      %add3A_456 = vector.broadcast %add3A_455 : i32 to vector<16xi32>
      %add3A_457 = arith.addi %broadcast_in_dim3A_454, %add3A_456 : vector<16xi32>
      %gather3A_458 = tpu.vector_load_idx %arg6[%add3A_457, %get3A_229] : memref<32x768xf32, #tpu.memory_space<vmem>>[vector<16xi32>, vector<16xi32>], vector<16xf32>,
      %swap3A_459 = arith.constant 16 : i32
      %swap3A_460 = arith.index_cast %swap3A_459 : i32 to index
      %swap3A_461 = arith.index_cast %multiple_of3A : i32 to index
      %swap3A_462 = tpu.vector_load %arg8[%swap3A_460, %swap3A_461] {strides = array<i32>} : memref<32x768xf32, #tpu.memory_space<vmem>>, vector<16xf32>,
      tpu.vector_store %arg8[%swap3A_460, %swap3A_461], %gather3A_360 {strides = array<i32>} : memref<32x768xf32, #tpu.memory_space<vmem>>, vector<16xf32>,
      %swap3A_463 = arith.constant 17 : i32
      %swap3A_464 = arith.index_cast %swap3A_463 : i32 to index
      %swap3A_465 = arith.index_cast %multiple_of3A : i32 to index
      %swap3A_466 = tpu.vector_load %arg8[%swap3A_464, %swap3A_465] {strides = array<i32>} : memref<32x768xf32, #tpu.memory_space<vmem>>, vector<16xf32>,
      tpu.vector_store %arg8[%swap3A_464, %swap3A_465], %gather3A_366 {strides = array<i32>} : memref<32x768xf32, #tpu.memory_space<vmem>>, vector<16xf32>,
      %swap3A_467 = arith.constant 18 : i32
      %swap3A_468 = arith.index_cast %swap3A_467 : i32 to index
      %swap3A_469 = arith.index_cast %multiple_of3A : i32 to index
      %swap3A_470 = tpu.vector_load %arg8[%swap3A_468, %swap3A_469] {strides = array<i32>} : memref<32x768xf32, #tpu.memory_space<vmem>>, vector<16xf32>,
      tpu.vector_store %arg8[%swap3A_468, %swap3A_469], %gather3A_372 {strides = array<i32>} : memref<32x768xf32, #tpu.memory_space<vmem>>, vector<16xf32>,
      %swap3A_471 = arith.constant 19 : i32
      %swap3A_472 = arith.index_cast %swap3A_471 : i32 to index
      %swap3A_473 = arith.index_cast %multiple_of3A : i32 to index
      %swap3A_474 = tpu.vector_load %arg8[%swap3A_472, %swap3A_473] {strides = array<i32>} : memref<32x768xf32, #tpu.memory_space<vmem>>, vector<16xf32>,
      tpu.vector_store %arg8[%swap3A_472, %swap3A_473], %gather3A_378 {strides = array<i32>} : memref<32x768xf32, #tpu.memory_space<vmem>>, vector<16xf32>,
      %broadcast_in_dim3A_475 = arith.constant 0 : i32
      %broadcast_in_dim3A_476 = vector.broadcast %broadcast_in_dim3A_475 : i32 to vector<16xi32>
      %add3A_477 = arith.constant 28 : i32
      %add3A_478 = vector.broadcast %add3A_477 : i32 to vector<16xi32>
      %add3A_479 = arith.addi %broadcast_in_dim3A_476, %add3A_478 : vector<16xi32>
      %gather3A_480 = tpu.vector_load_idx %arg6[%add3A_479, %get3A_229] : memref<32x768xf32, #tpu.memory_space<vmem>>[vector<16xi32>, vector<16xi32>], vector<16xf32>,
      %broadcast_in_dim3A_481 = arith.constant 0 : i32
      %broadcast_in_dim3A_482 = vector.broadcast %broadcast_in_dim3A_481 : i32 to vector<16xi32>
      %add3A_483 = arith.constant 29 : i32
      %add3A_484 = vector.broadcast %add3A_483 : i32 to vector<16xi32>
      %add3A_485 = arith.addi %broadcast_in_dim3A_482, %add3A_484 : vector<16xi32>
      %gather3A_486 = tpu.vector_load_idx %arg6[%add3A_485, %get3A_229] : memref<32x768xf32, #tpu.memory_space<vmem>>[vector<16xi32>, vector<16xi32>], vector<16xf32>,
      %broadcast_in_dim3A_487 = arith.constant 0 : i32
      %broadcast_in_dim3A_488 = vector.broadcast %broadcast_in_dim3A_487 : i32 to vector<16xi32>
      %add3A_489 = arith.constant 30 : i32
      %add3A_490 = vector.broadcast %add3A_489 : i32 to vector<16xi32>
      %add3A_491 = arith.addi %broadcast_in_dim3A_488, %add3A_490 : vector<16xi32>
      %gather3A_492 = tpu.vector_load_idx %arg6[%add3A_491, %get3A_229] : memref<32x768xf32, #tpu.memory_space<vmem>>[vector<16xi32>, vector<16xi32>], vector<16xf32>,
      %broadcast_in_dim3A_493 = arith.constant 0 : i32
      %broadcast_in_dim3A_494 = vector.broadcast %broadcast_in_dim3A_493 : i32 to vector<16xi32>
      %add3A_495 = arith.constant 31 : i32
      %add3A_496 = vector.broadcast %add3A_495 : i32 to vector<16xi32>
      %add3A_497 = arith.addi %broadcast_in_dim3A_494, %add3A_496 : vector<16xi32>
      %gather3A_498 = tpu.vector_load_idx %arg6[%add3A_497, %get3A_229] : memref<32x768xf32, #tpu.memory_space<vmem>>[vector<16xi32>, vector<16xi32>], vector<16xf32>,
      %swap3A_499 = arith.constant 20 : i32
      %swap3A_500 = arith.index_cast %swap3A_499 : i32 to index
      %swap3A_501 = arith.index_cast %multiple_of3A : i32 to index
      %swap3A_502 = tpu.vector_load %arg8[%swap3A_500, %swap3A_501] {strides = array<i32>} : memref<32x768xf32, #tpu.memory_space<vmem>>, vector<16xf32>,
      tpu.vector_store %arg8[%swap3A_500, %swap3A_501], %gather3A_400 {strides = array<i32>} : memref<32x768xf32, #tpu.memory_space<vmem>>, vector<16xf32>,
      %swap3A_503 = arith.constant 21 : i32
      %swap3A_504 = arith.index_cast %swap3A_503 : i32 to index
      %swap3A_505 = arith.index_cast %multiple_of3A : i32 to index
      %swap3A_506 = tpu.vector_load %arg8[%swap3A_504, %swap3A_505] {strides = array<i32>} : memref<32x768xf32, #tpu.memory_space<vmem>>, vector<16xf32>,
      tpu.vector_store %arg8[%swap3A_504, %swap3A_505], %gather3A_406 {strides = array<i32>} : memref<32x768xf32, #tpu.memory_space<vmem>>, vector<16xf32>,
      %swap3A_507 = arith.constant 22 : i32
      %swap3A_508 = arith.index_cast %swap3A_507 : i32 to index
      %swap3A_509 = arith.index_cast %multiple_of3A : i32 to index
      %swap3A_510 = tpu.vector_load %arg8[%swap3A_508, %swap3A_509] {strides = array<i32>} : memref<32x768xf32, #tpu.memory_space<vmem>>, vector<16xf32>,
      tpu.vector_store %arg8[%swap3A_508, %swap3A_509], %gather3A_412 {strides = array<i32>} : memref<32x768xf32, #tpu.memory_space<vmem>>, vector<16xf32>,
      %swap3A_511 = arith.constant 23 : i32
      %swap3A_512 = arith.index_cast %swap3A_511 : i32 to index
      %swap3A_513 = arith.index_cast %multiple_of3A : i32 to index
      %swap3A_514 = tpu.vector_load %arg8[%swap3A_512, %swap3A_513] {strides = array<i32>} : memref<32x768xf32, #tpu.memory_space<vmem>>, vector<16xf32>,
      tpu.vector_store %arg8[%swap3A_512, %swap3A_513], %gather3A_418 {strides = array<i32>} : memref<32x768xf32, #tpu.memory_space<vmem>>, vector<16xf32>,
      %swap3A_515 = arith.constant 24 : i32
      %swap3A_516 = arith.index_cast %swap3A_515 : i32 to index
      %swap3A_517 = arith.index_cast %multiple_of3A : i32 to index
      %swap3A_518 = tpu.vector_load %arg8[%swap3A_516, %swap3A_517] {strides = array<i32>} : memref<32x768xf32, #tpu.memory_space<vmem>>, vector<16xf32>,
      tpu.vector_store %arg8[%swap3A_516, %swap3A_517], %gather3A_440 {strides = array<i32>} : memref<32x768xf32, #tpu.memory_space<vmem>>, vector<16xf32>,
      %swap3A_519 = arith.constant 25 : i32
      %swap3A_520 = arith.index_cast %swap3A_519 : i32 to index
      %swap3A_521 = arith.index_cast %multiple_of3A : i32 to index
      %swap3A_522 = tpu.vector_load %arg8[%swap3A_520, %swap3A_521] {strides = array<i32>} : memref<32x768xf32, #tpu.memory_space<vmem>>, vector<16xf32>,
      tpu.vector_store %arg8[%swap3A_520, %swap3A_521], %gather3A_446 {strides = array<i32>} : memref<32x768xf32, #tpu.memory_space<vmem>>, vector<16xf32>,
      %swap3A_523 = arith.constant 26 : i32
      %swap3A_524 = arith.index_cast %swap3A_523 : i32 to index
      %swap3A_525 = arith.index_cast %multiple_of3A : i32 to index
      %swap3A_526 = tpu.vector_load %arg8[%swap3A_524, %swap3A_525] {strides = array<i32>} : memref<32x768xf32, #tpu.memory_space<vmem>>, vector<16xf32>,
      tpu.vector_store %arg8[%swap3A_524, %swap3A_525], %gather3A_452 {strides = array<i32>} : memref<32x768xf32, #tpu.memory_space<vmem>>, vector<16xf32>,
      %swap3A_527 = arith.constant 27 : i32
      %swap3A_528 = arith.index_cast %swap3A_527 : i32 to index
      %swap3A_529 = arith.index_cast %multiple_of3A : i32 to index
      %swap3A_530 = tpu.vector_load %arg8[%swap3A_528, %swap3A_529] {strides = array<i32>} : memref<32x768xf32, #tpu.memory_space<vmem>>, vector<16xf32>,
      tpu.vector_store %arg8[%swap3A_528, %swap3A_529], %gather3A_458 {strides = array<i32>} : memref<32x768xf32, #tpu.memory_space<vmem>>, vector<16xf32>,
      %swap3A_531 = arith.constant 28 : i32
      %swap3A_532 = arith.index_cast %swap3A_531 : i32 to index
      %swap3A_533 = arith.index_cast %multiple_of3A : i32 to index
      %swap3A_534 = tpu.vector_load %arg8[%swap3A_532, %swap3A_533] {strides = array<i32>} : memref<32x768xf32, #tpu.memory_space<vmem>>, vector<16xf32>,
      tpu.vector_store %arg8[%swap3A_532, %swap3A_533], %gather3A_480 {strides = array<i32>} : memref<32x768xf32, #tpu.memory_space<vmem>>, vector<16xf32>,
      %swap3A_535 = arith.constant 29 : i32
      %swap3A_536 = arith.index_cast %swap3A_535 : i32 to index
      %swap3A_537 = arith.index_cast %multiple_of3A : i32 to index
      %swap3A_538 = tpu.vector_load %arg8[%swap3A_536, %swap3A_537] {strides = array<i32>} : memref<32x768xf32, #tpu.memory_space<vmem>>, vector<16xf32>,
      tpu.vector_store %arg8[%swap3A_536, %swap3A_537], %gather3A_486 {strides = array<i32>} : memref<32x768xf32, #tpu.memory_space<vmem>>, vector<16xf32>,
      %swap3A_539 = arith.constant 30 : i32
      %swap3A_540 = arith.index_cast %swap3A_539 : i32 to index
      %swap3A_541 = arith.index_cast %multiple_of3A : i32 to index
      %swap3A_542 = tpu.vector_load %arg8[%swap3A_540, %swap3A_541] {strides = array<i32>} : memref<32x768xf32, #tpu.memory_space<vmem>>, vector<16xf32>,
      tpu.vector_store %arg8[%swap3A_540, %swap3A_541], %gather3A_492 {strides = array<i32>} : memref<32x768xf32, #tpu.memory_space<vmem>>, vector<16xf32>,
      %swap3A_543 = arith.constant 31 : i32
      %swap3A_544 = arith.index_cast %swap3A_543 : i32 to index
      %swap3A_545 = arith.index_cast %multiple_of3A : i32 to index
      %swap3A_546 = tpu.vector_load %arg8[%swap3A_544, %swap3A_545] {strides = array<i32>} : memref<32x768xf32, #tpu.memory_space<vmem>>, vector<16xf32>,
      tpu.vector_store %arg8[%swap3A_544, %swap3A_545], %gather3A_498 {strides = array<i32>} : memref<32x768xf32, #tpu.memory_space<vmem>>, vector<16xf32>,
    }
    %scan3A_197 = arith.constant 48 : i32
    %add3A_198 = arith.constant 48 : i32
    %add3A_199 = arith.addi %mul3A_2, %add3A_198 : i32
    %dma_start3A_200 = arith.constant 0 : i32
    %dma_start3A_201 = arith.constant 0 : i32
    %dma_start3A_202 = tpu.memref_slice %arg4[%add3A_199, %dma_start3A_200, %dma_start3A_201] : memref<1568x32x768xf32, #tpu.memory_space<hbm>> -> memref<1x32x768xf32, #tpu.memory_space<hbm>>
    %dma_start3A_203 = tpu.memref_squeeze %dma_start3A_202 : memref<1x32x768xf32, #tpu.memory_space<hbm>> -> memref<32x768xf32, #tpu.memory_space<hbm>>
    %dma_start3A_204 = arith.constant 0 : i32
    %dma_start3A_205 = arith.constant 0 : i32
    %dma_start3A_206 = tpu.memref_slice %arg4[%add3A_199, %dma_start3A_204, %dma_start3A_205] : memref<1568x32x768xf32, #tpu.memory_space<hbm>> -> memref<1x32x768xf32, #tpu.memory_space<hbm>>
    %dma_start3A_207 = tpu.memref_squeeze %dma_start3A_206 : memref<1x32x768xf32, #tpu.memory_space<hbm>> -> memref<32x768xf32, #tpu.memory_space<hbm>>
    tpu.enqueue_dma source(%arg8 : memref<32x768xf32, #tpu.memory_space<vmem>>) target(%dma_start3A_207 : memref<32x768xf32, #tpu.memory_space<hbm>>) target_semaphore(%arg12 : memref<!tpu.dma_semaphore, #tpu.memory_space<semaphore_mem>>)
    %dma_wait3A_208 = arith.constant 0 : i32
    %dma_wait3A_209 = arith.constant 0 : i32
    %dma_wait3A_210 = arith.constant 0 : i32
    %dma_wait3A_211 = tpu.memref_slice %arg4[%dma_wait3A_208, %dma_wait3A_209, %dma_wait3A_210] : memref<1568x32x768xf32, #tpu.memory_space<hbm>> -> memref<1x32x768xf32, #tpu.memory_space<hbm>>
    %dma_wait3A_212 = tpu.memref_squeeze %dma_wait3A_211 : memref<1x32x768xf32, #tpu.memory_space<hbm>> -> memref<32x768xf32, #tpu.memory_space<hbm>>
    %dma_wait3A_213 = arith.constant 0 : i32
    %dma_wait3A_214 = arith.constant 0 : i32
    %dma_wait3A_215 = tpu.memref_slice %arg4[%dma_wait3A_208, %dma_wait3A_213, %dma_wait3A_214] : memref<1568x32x768xf32, #tpu.memory_space<hbm>> -> memref<1x32x768xf32, #tpu.memory_space<hbm>>
    %dma_wait3A_216 = tpu.memref_squeeze %dma_wait3A_215 : memref<1x32x768xf32, #tpu.memory_space<hbm>> -> memref<32x768xf32, #tpu.memory_space<hbm>>
    tpu.wait_dma2 semaphore(%arg12 : memref<!tpu.dma_semaphore, #tpu.memory_space<semaphore_mem>>) src(%arg8 : memref<32x768xf32, #tpu.memory_space<vmem>>) dst(%dma_wait3A_216 : memref<32x768xf32, #tpu.memory_space<hbm>>)
    %dma_wait3A_217 = arith.constant 0 : i32
    %dma_wait3A_218 = arith.constant 0 : i32
    %dma_wait3A_219 = arith.constant 0 : i32
    %dma_wait3A_220 = tpu.memref_slice %arg4[%dma_wait3A_217, %dma_wait3A_218, %dma_wait3A_219] : memref<1568x32x768xf32, #tpu.memory_space<hbm>> -> memref<1x32x768xf32, #tpu.memory_space<hbm>>
    %dma_wait3A_221 = tpu.memref_squeeze %dma_wait3A_220 : memref<1x32x768xf32, #tpu.memory_space<hbm>> -> memref<32x768xf32, #tpu.memory_space<hbm>>
    %dma_wait3A_222 = arith.constant 0 : i32
    %dma_wait3A_223 = arith.constant 0 : i32
    %dma_wait3A_224 = tpu.memref_slice %arg4[%dma_wait3A_217, %dma_wait3A_222, %dma_wait3A_223] : memref<1568x32x768xf32, #tpu.memory_space<hbm>> -> memref<1x32x768xf32, #tpu.memory_space<hbm>>
    %dma_wait3A_225 = tpu.memref_squeeze %dma_wait3A_224 : memref<1x32x768xf32, #tpu.memory_space<hbm>> -> memref<32x768xf32, #tpu.memory_space<hbm>>
    tpu.wait_dma2 semaphore(%arg13 : memref<!tpu.dma_semaphore, #tpu.memory_space<semaphore_mem>>) src(%arg9 : memref<32x768xf32, #tpu.memory_space<vmem>>) dst(%dma_wait3A_225 : memref<32x768xf32, #tpu.memory_space<hbm>>)
    return
  }
}

</mosaic_0001>

<sc_bundles>
// kernel: kernel.3.cloned.1.call-start
scs
__scs_entry_jumppad:
0x0: {  	(pc) =	sbr.rel $0x88, $3  }
0x1: {  	(tag) =	ssettag $0x0;
	lr =	simm.s32 $0x1  }
0x2: {  	[smem:$0x3F9E] =	sst lr;
	_ =	strace $0xD0000000  }
0x3: {  	_ = 	snop  }
0x4: {  	_ = 	snop  }
0x5: {  	_ = 	snop  }
0x6: {  	_ = 	snop  }
0x7: {  	_ = 	snop  }
__scs_overlays_trampoline_lowered:
0x8: {  	[smem:$0x3FAD] =	sst s0  }
0x9: {  	[smem:$0x3FAE] =	sst s1  }
0xa: {  	[smem:$0x3FAF] =	sst s2  }
0xb: {  	[smem:$0x3FB0] =	sst s3  }
0xc: {  	[smem:$0x3FB1] =	sst s4  }
0xd: {  	[smem:$0x3FB2] =	sst s5  }
0xe: {  	[smem:$0x3FB3] =	sst s6  }
0xf: {  	[smem:$0x3FB4] =	sst s7  }
0x10: {  	[smem:$0x3FB5] =	sst s8  }
0x11: {  	[smem:$0x3FB6] =	sst s9;
	s0 =	simm.s32 @!p0 $0x0  }
0x12: {  	s1 =	sld [smem:$0x3F9C];
	s0 =	simm.s32 @p0 $0x1  }
0x13: {  	[smem:$0x3FB7] =	sst s0;
	s0 =	simm.s32 @!p1 $0x0  }
0x14: {  	s2 =	sld [smem:$0x3F9B];
	s0 =	simm.s32 @p1 $0x1  }
0x15: {  	[smem:$0x3FB8] =	sst s0;
	s0 =	simm.s32 @!p2 $0x0  }
0x16: {  	s3 =	sld [smem:$0x3FDB];
	s0 =	simm.s32 @p2 $0x1  }
0x17: {  	s4 =	simm.s32 $0x1BF5;
	[smem:$0x3FBA] =	sst s0  }
0x18: {  	s0 =	sld [smem:$0x3F9D];
	_ =	swait.ge [sflag:s4], $0x0  }
0x19: {  	s7 =	sld [smem:$0x3F9E]  }
0x1a: {  	s8 =	sadd.s32 $0xFFFFE003, lr  }
0x1b: {  	s9 =	sadd.s32 $0xFFFFFEF7, lr;
	s5 =	simm.s32 $0xFFFFFFFF;
	p2 =	slt.u32 s8, $0xFFFFF086  }
0x1c: {  	p1 =	slt.u32 s9, $0xF7A;
	s5 =	simm.s32 @!p2 $0x0  }
0x1d: {  	s5 =	simm.s32 @p1 $0x1;
	p0 =	seq.s32 s7, s2  }
0x1e: {  	s7 =	smul.u32 @!p0 $0xF7A, s2;
	p2 =	seq.s32 @!p0 s5, $0x0  }
0x1f: {  	s9 =	smul.u32 $0xF7A, s1;
	s8 =	simm.s32 @!p0 $0x1BF5;
	p2 =	por !p2, p0  }
0x20: {  	[sflag:s8] =	ssyncset.s32 @!p0 $0xFFFFF086;
	s6 =	sadd.s32 @!p0 s3, s7;
	s7 =	simm.s32 @!p0 $0x108  }
0x21: {  	s3 =	sadd.s32 s3, s9;
	s6 =	sadd.s32 @!p0 $0x88, s6;
	s7 =	simm.s32 @p2 $0x1082  }
0x22: {  	[simem:s7], [sflag:s8] =	dma.local @!p0 [hbm:s6], $0xF7A  }
0x23: {  	s9 =	sor.u32 $0xD0000000, s2;
	s6 =	simm.s32 $0x108;
	_ =	swait.ge @!p0 [sflag:s8], $0x0  }
0x24: {  	s3 =	sadd.s32 $0x88, s3;
	s6 =	simm.s32 @!p1 $0x1082;
	[sflag:s4] =	ssyncset.s32 $0xFFFFF086  }
0x25: {  	[simem:s6], [sflag:s4] =	dma.local [hbm:s3], $0xF7A  }
0x26: {  	[smem:$0x3F9E] =	sst s1;
	(tag) =	ssettag s2;
	_ =	strace s9  }
0x27: {  	s1 =	sld [smem:$0x3FAE]  }
0x28: {  	s2 =	sld [smem:$0x3FAF]  }
0x29: {  	s4 =	sld [smem:$0x3FB1]  }
0x2a: {  	p0 =	seq.s32 s5, $0x0;
	s5 =	sld [smem:$0x3FB2]  }
0x2b: {  	s6 =	sld [smem:$0x3FB3]  }
0x2c: {  	s7 =	sld [smem:$0x3FB4]  }
0x2d: {  	s3 =	simm.s32 $0x108;
	s8 =	sld [smem:$0x3FB5]  }
0x2e: {  	s3 =	simm.s32 @!p0 $0x1082;
	s9 =	sld [smem:$0x3FB6]  }
0x2f: {  	lr =	sadd.s32 s0, s3;
	s0 =	sld [smem:$0x3FAD]  }
0x30: {  	s3 =	sld [smem:$0x3FB0]  }
0x31: {  	[smem:$0x3FB9] =	sst s10  }
0x32: {  	s10 =	sld [smem:$0x3FB7];
	_ =	sdelay $0x3  }
0x33: {  	p0 =	seq.s32 s10, $0x1;
	s10 =	sld [smem:$0x3FB9];
	_ =	sdelay $0x3  }
0x34: {  	[smem:$0x3FB9] =	sst s10  }
0x35: {  	s10 =	sld [smem:$0x3FB8];
	_ =	sdelay $0x3  }
0x36: {  	p1 =	seq.s32 s10, $0x1;
	s10 =	sld [smem:$0x3FB9];
	_ =	sdelay $0x3  }
0x37: {  	[smem:$0x3FB9] =	sst s10  }
0x38: {  	s10 =	sld [smem:$0x3FBA]  }
0x39: {  	_ = 	snop;
	(pc) =	sbr.ind lr, $3  }
0x3a: {  	_ = 	snop  }
0x3b: {  	_ = 	snop  }
0x3c: {  	p2 =	seq.s32 s10, $0x1;
	s10 =	sld [smem:$0x3FB9]  }
0x3d: {  	_ =	shalt  }
0x3e: {  	_ =	shalt  }
0x3f: {  	_ =	shalt  }
0x40: {  	_ =	shalt  }
0x41: {  	_ =	shalt  }
0x42: {  	_ =	shalt  }
0x43: {  	_ =	shalt  }
0x44: {  	_ =	shalt  }
0x45: {  	_ =	shalt  }
0x46: {  	_ =	shalt  }
0x47: {  	_ =	shalt  }
0x48: {  	_ =	shalt  }
0x49: {  	_ =	shalt  }
0x4a: {  	_ =	shalt  }
0x4b: {  	_ =	shalt  }
0x4c: {  	_ =	shalt  }
0x4d: {  	_ =	shalt  }
0x4e: {  	_ =	shalt  }
0x4f: {  	_ =	shalt  }
0x50: {  	_ =	shalt  }
0x51: {  	_ =	shalt  }
0x52: {  	_ =	shalt  }
0x53: {  	_ =	shalt  }
0x54: {  	_ =	shalt  }
0x55: {  	_ =	shalt  }
0x56: {  	_ =	shalt  }
0x57: {  	_ =	shalt  }
0x58: {  	_ =	shalt  }
0x59: {  	_ =	shalt  }
0x5a: {  	_ =	shalt  }
0x5b: {  	_ =	shalt  }
0x5c: {  	_ =	shalt  }
0x5d: {  	_ =	shalt  }
0x5e: {  	_ =	shalt  }
0x5f: {  	_ =	shalt  }
0x60: {  	_ =	shalt  }
0x61: {  	_ =	shalt  }
0x62: {  	_ =	shalt  }
0x63: {  	_ =	shalt  }
0x64: {  	_ =	shalt  }
0x65: {  	_ =	shalt  }
0x66: {  	_ =	shalt  }
0x67: {  	_ =	shalt  }
0x68: {  	_ =	shalt  }
0x69: {  	_ =	shalt  }
0x6a: {  	_ =	shalt  }
0x6b: {  	_ =	shalt  }
0x6c: {  	_ =	shalt  }
0x6d: {  	_ =	shalt  }
0x6e: {  	_ =	shalt  }
0x6f: {  	_ =	shalt  }
0x70: {  	_ =	shalt  }
0x71: {  	_ =	shalt  }
0x72: {  	_ =	shalt  }
0x73: {  	_ =	shalt  }
0x74: {  	_ =	shalt  }
0x75: {  	_ =	shalt  }
0x76: {  	_ =	shalt  }
0x77: {  	_ =	shalt  }
0x78: {  	_ =	shalt  }
0x79: {  	_ =	shalt  }
0x7a: {  	_ =	shalt  }
0x7b: {  	_ =	shalt  }
0x7c: {  	_ =	shalt  }
0x7d: {  	_ =	shalt  }
0x7e: {  	_ =	shalt  }
0x7f: {  	_ =	shalt  }
0x80: {  	_ =	shalt  }
0x81: {  	_ =	shalt  }
0x82: {  	_ =	shalt  }
0x83: {  	_ =	shalt  }
0x84: {  	_ =	shalt  }
0x85: {  	_ =	shalt  }
0x86: {  	_ =	shalt  }
0x87: {  	_ =	shalt  }
.Lfunc_end0:
.L_simem_size_0:
called_computation_lowered:
.L_overlay_start_0:
0x88: {  	s2 =	sld [smem:$0x3FD9]  }
0x89: {  	s3 =	sld [smem:$0x3FFE];
	_ =	sdelay $0x1  }
0x8a: {  	s1 =	srdreg.scid  }
0x8b: {  	s0 =	sand.u32 $0x1, s1  }
0x8c: {  	s15 =	sshll.u32 s0, $0xA;
	s2 =	sadd.s32 s3, s2  }
0x8d: {  	s2 =	sadd.s32 s2, s15  }
0x8e: {  	[smem:$0x3FC5] =	sst s2  }
0x8f: {  	_ = 	snop  }
0x90: {  	s2 =	sld [smem:$0x3FD0];
	_ =	sdelay $0x1  }
0x91: {  	s16 =	sld [smem:$0x3FC9]  }
0x92: {  	s5 =	simm.s32 $0xA;
	s6 =	simm.s32 $0x10;
	s4 =	sld [smem:$0x3FC7]  }
0x93: {  	[smem:s6], [sflag:s5] =	dma.local [hbm:s2], $0x1  }
0x94: {  	_ =	swait.eq [sflag:s5], $0x1  }
0x95: {  	[sflag:s5] =	ssyncset.done $0x0  }
0x96: {  	[sflag:s5] =	ssyncadd.s32 $0xFFFFFFFF  }
0x97: {  	s17 =	sld [smem:$0x10];
	(tm) =	ssettm $0x1  }
0x98: {  	s18 =	sld [smem:$0x3FFB];
	_ =	sdelay $0x3  }
0x99: {  	_ =	strace s18  }
0x9a: {  	s5 =	sld [smem:$0x3FFC];
	_ =	sdelay $0x3  }
0x9b: {  	_ =	strace s5  }
0x9c: {  	s5 =	sld [smem:$0x3FFD];
	_ =	sdelay $0x3  }
0x9d: {  	_ =	strace s5  }
0x9e: {  	_ =	strace $0x8FFFFFFF  }
0x9f: {  	s19 =	sld [smem:$0x3FDB];
	_ =	sdelay $0x1  }
0xa0: {  	s20 =	simm.s32 $_scs_section_size  }
0xa1: {  	s7 =	simm.s32 $_size__tile_overlayer_lowered;
	s8 =	simm.s32 $_tile_overlayer_lowered  }
0xa2: {  	s23 =	simm.s32 $0x1BFF;
	s22 =	sshll.u32 s8, $0x1;
	s5 =	sadd.s32 s20, s19  }
0xa3: {  	s9 =	simm.s32 $0x0;
	s21 =	sshll.u32 s7, $0x1;
	s7 =	sadd.s32 s22, s5  }
0xa4: {  	[timem:s9], [sflag:s23] =	dma.local [hbm:s7], s21  }
0xa5: {  	_ =	swait.ge [sflag:s23], s21  }
0xa6: {  	s6 =	ssub.s32 $0x0, s21;
	[sflag:s23] =	ssyncset.done $0x0  }
0xa7: {  	[sflag:s23] =	ssyncadd.s32 s6;
	_ =	sdelay $0x1  }
0xa8: {  	s24 =	simm.s32 $0x1B8B  }
0xa9: {  	_ =	swait.ge [sflag:s24], $0x1  }
0xaa: {  	[sflag:s24] =	ssyncset.done $0x0  }
0xab: {  	s25 =	simm.s32 $0x1B8E;
	[sflag:s24] =	ssyncadd.s32 $0xFFFFFFFF  }
0xac: {  	s26 =	simm.s32 $execute0_lowered;
	[smem:$0x3FD2] =	sst s25  }
0xad: {  	s6 =	sshll.u32 s26, $0x1;
	_ =	strace $0x80000046;
	[dreg:$0x1] =	wrdreg $0xFFFFFFFF  }
0xae: {  	s28 =	simm.s32 $_size_execute0_lowered;
	s5 =	sadd.s32 s5, s6;
	[dreg:$0x0] =	wrdreg $0x0  }
0xaf: {  	s6 =	sshll.u32 s28, $0x1;
	[dreg:$0x2] =	wrdreg s5  }
0xb0: {  	[dreg:$0x3] =	wrdreg s6  }
0xb1: {  	[dreg:$0x4] =	wrdreg $0xC0  }
0xb2: {  	_ =	task [dreg:s9], $0x5FFFF  }
0xb3: {  	[dreg:$0x1] =	wrdreg $0xFFFFFFFF  }
0xb4: {  	[dreg:$0x0] =	wrdreg $0x60  }
0xb5: {  	[dreg:$0x2] =	wrdreg s16  }
0xb6: {  	[dreg:$0x3] =	wrdreg s4  }
0xb7: {  	[dreg:$0x4] =	wrdreg s17  }
0xb8: {  	[dreg:$0x5] =	wrdreg $0x9  }
0xb9: {  	_ =	task.clear_ibuf [dreg:s9], $0x6FFFF;
	_ =	strace $0x90000046  }
0xba: {  	s29 =	simm.s32 $0x9;
	_ =	strace $0x80000048  }
0xbb: {  	_ =	swait.ge [sflag:s29], $0x1  }
0xbc: {  	[sflag:s29] =	ssyncadd.s32 $0xFFFFFFFF  }
0xbd: {  	_ =	strace $0x90000048  }
0xbe: {  	_ =	sfence  }
0xbf: {  	s30 =	sld [smem:$0x0];
	_ =	sdelay $0x2  }
0xc0: {  	s31 =	sshll.u32 s1, $0xD;
	s1 =	sshrl.u32 s1, $0x2  }
0xc1: {  	s3 =	sand.u32 $0x4000, s31;
	s1 =	sadd.s32 s1, s30  }
0xc2: {  	s0 =	sor.u32 s3, s0;
	s1 =	sshll.u32 s1, $0x11  }
0xc3: {  	s0 =	sor.u32 s1, s0  }
0xc4: {  	s0 =	sadd.s32 $0x8F2B, s0  }
0xc5: {  	[sflag:s0] =	ssyncadd.remote.s32 $0x1  }
0xc6: {  	_ =	sfence.sel $0xFFFF  }
0xc7: {  	[dreg:$0x0] =	wrdreg $0xFFFFFFFF;
	(pc) =	sbr.abs _section_cstart, $3  }
0xc8: {  	[dreg:$0x1] =	wrdreg $0xFFFFFFFF  }
0xc9: {  	_ =	task.clear_ibuf [dreg:s9], $0x2FFFF;
	_ =	strace $0x9FFFFFFF  }
0xca: {  	(tm) =	ssettm $0x7FFFFFFF  }
0xcb: {  	_ =	shalt  }
tec
execute0_lowered:
.L_overlay_start_1:
0x0: {  	(tag) =	ssettag $0x1  }
0x1: {  	s1 =	rddreg [dreg:$0x0];
	s0 =	srdreg.scid  }
0x2: {  	s2 =	stileid.u32;
	s4 =	rddreg [dreg:$0x2]  }
0x3: {  	s5 =	simm.s32 $0x0;
	s21 =	simm.s32 $0x5;
	s28 =	simm.s32 $0x12300  }
0x4: {  	s29 =	simm.s32 $0x3;
	s0 =	sand.u32 $0x1, s0;
	s2 =	sshll.u32 s2, $0x1  }
0x5: {  	s30 =	simm.s32 $0x4;
	s31 =	simm.s32 $0x0;
	s2 =	sor.u32 s0, s2  }
0x6: {  	[smem:$0x7FF] =	sst s5;
	s0 =	ssub.s32 $0x2, s0;
	s3 =	smul.u32 $0x126000, s2  }
0x7: {  	_ =	strace $0x80000047;
	s6 =	sshrl.u32 s0, $0x1;
	s7 =	smul.u32 $0x24C00, s2  }
0x8: {  	s0 =	ssub.s32 s0, s6;
	s6 =	smul.u32 $0x31, s2;
	s3 =	sshrl.u32 s3, $0x3  }
0x9: {  	s8 =	sadd.s32 s1, s7;
	s7 =	sadd.s32 s4, s7;
	s20 =	smax.u32 s0, $0x1  }
0xa: {  	s22 =	sadd.s32 $0xC00, s3;
	[dreg:$0x4] =	wrdreg s8;
	s24 =	sadd.s32 s1, s3  }
0xb: {  	[dreg:$0x6] =	wrdreg s7;
	s13 =	sadd.s32 $0x2, s6;
	s14 =	sadd.s32 $0x1, s6  }
0xc: {  	s15 =	sadd.s32 $0x3, s6;
	s26 =	sadd.s32 s4, s3;
	s3 =	sadd.s32 $0x24000, s3  }
0xd: {  	s23 =	sadd.s32 s1, s22;
	s25 =	sadd.s32 $0x1800, s24;
	s11 =	sadd.s32 s4, s22  }
0xe: {  	s12 =	sadd.s32 $0x2400, s24;
	s16 =	sadd.s32 $0x22800, s26;
	s17 =	sadd.s32 s1, s3  }
0xf: {  	s18 =	sadd.s32 $0x23400, s26;
	s19 =	sadd.s32 s4, s3;
	s22 =	simm.s32 $0x300  }
0x10: {  	s24 =	simm.s32 $0x1;
	s26 =	simm.s32 $0x2;
	[dreg:$0x5] =	wrdreg s23  }
0x11: {  	[dreg:$0x7] =	wrdreg s25;
	s23 =	simm.s32 $0x6300;
	s25 =	simm.s32 $0xC300  }
.LBB2_1:
0x12: {  	s0 =	rddreg [dreg:$0x1]  }
0x13: {  	[tilespmem:s5], [sflag:$0x5] =	stream.linear.gather [hbm4b:s0+s5], $0x300, $0x38;
	[tilespmem:$0x18300] =	vst v63  }
0x14: {  	_ =	swait.ge [sflag:s21], $0x300  }
0x15: {  	[sflag:s21] =	ssyncset.done $0x0  }
0x16: {  	s9 =	rddreg [dreg:$0x4];
	[sflag:s21] =	ssyncadd.s32 $0xFFFFFD00  }
0x17: {  	[tilespmem:s22], [sflag:$0x1] =	stream.linear.gather [hbm4b:s9+s5], $0x6000, $0x38;
	[tilespmem:$0x18300] =	vst v63  }
0x18: {  	s10 =	rddreg [dreg:$0x5]  }
0x19: {  	[tilespmem:s23], [sflag:$0x2] =	stream.linear.gather [hbm4b:s10+s5], $0x6000, $0x38;
	[tilespmem:$0x18300] =	vst v63  }
0x1a: {  	_ =	swait.ge [sflag:s24], $0x6000  }
0x1b: {  	s2 =	simm.s32 $0x0;
	[sflag:s24] =	ssyncset.done $0x0  }
0x1c: {  	s3 =	simm.s32 $0x0;
	s0 =	simm.s32 $0x0;
	[sflag:s24] =	ssyncadd.s32 $0xFFFFA000  }
.LBB2_2:
0x1d: {  	v0 =	vld [tilespmem:s0+$0x0];
	_ =	sdelay $0x4  }
0x1e: {  	v1 =	vshll.u32 v0, $0x3  }
0x1f: {  	v0 =	vand.u32 $0x7F, v0;
	v1 =	vand.u32 $0xFFFFFC00, v1  }
0x20: {  	v0 =	vor.u32 v0, v1  }
0x21: {  	v1 =	vor.u32 $0x80, v0  }
0x22: {  	v2 =	vor.u32 $0x100, v0  }
0x23: {  	v3 =	vor.u32 $0x180, v0  }
0x24: {  	v4 =	vor.u32 $0x200, v0  }
0x25: {  	v6 =	vor.u32 $0x280, v0;
	v5 =	vld.idx.msk [tilespmem:v0+s22+$0x0], $0xffff  }
0x26: {  	v7 =	vor.u32 $0x300, v0;
	v1 =	vld.idx.msk [tilespmem:v1+s22+$0x0], $0xffff  }
0x27: {  	v8 =	vor.u32 $0x380, v0;
	v2 =	vld.idx.msk [tilespmem:v2+s22+$0x0], $0xffff  }
0x28: {  	v9 =	vadd.s32 $0x1800, v0;
	v3 =	vld.idx.msk [tilespmem:v3+s22+$0x0], $0xffff  }
0x29: {  	v10 =	vadd.s32 $0x1880, v0;
	v4 =	vld.idx.msk [tilespmem:v4+s22+$0x0], $0xffff  }
0x2a: {  	v11 =	vadd.s32 $0x1900, v0;
	v6 =	vld.idx.msk [tilespmem:v6+s22+$0x0], $0xffff  }
0x2b: {  	v12 =	vadd.s32 $0x1980, v0;
	v7 =	vld.idx.msk [tilespmem:v7+s22+$0x0], $0xffff  }
0x2c: {  	v8 =	vld.idx.msk [tilespmem:v8+s22+$0x0], $0xffff  }
0x2d: {  	v9 =	vld.idx.msk [tilespmem:v9+s22+$0x0], $0xffff  }
0x2e: {  	s7 =	sand.u32 $0x70, s3;
	s8 =	sand.u32 $0x1C00, s2;
	v10 =	vld.idx.msk [tilespmem:v10+s22+$0x0], $0xffff  }
0x2f: {  	s7 =	sor.u32 s7, s8;
	v13 =	vadd.s32 $0x1A00, v0;
	v11 =	vld.idx.msk [tilespmem:v11+s22+$0x0], $0xffff  }
0x30: {  	v46 =	vadd.s32 $0x1A80, v0;
	v12 =	vld.idx.msk [tilespmem:v12+s22+$0x0], $0xffff;
	[tilespmem:s7+$0xC300] =	vst v5  }
0x31: {  	v47 =	vadd.s32 $0x1B00, v0;
	[tilespmem:s7+$0xC380] =	vst v1  }
0x32: {  	v48 =	vadd.s32 $0x1B80, v0;
	[tilespmem:s7+$0xC400] =	vst v2  }
0x33: {  	[tilespmem:s7+$0xC480] =	vst v3  }
0x34: {  	v3 =	vld.idx.msk [tilespmem:v13+s22+$0x0], $0xffff  }
0x35: {  	v5 =	vld.idx.msk [tilespmem:v46+s22+$0x0], $0xffff  }
0x36: {  	v49 =	vadd.s32 $0x3000, v0;
	v1 =	vld.idx.msk [tilespmem:v47+s22+$0x0], $0xffff  }
0x37: {  	v50 =	vadd.s32 $0x3080, v0;
	v2 =	vld.idx.msk [tilespmem:v48+s22+$0x0], $0xffff;
	[tilespmem:s7+$0xC500] =	vst v4  }
0x38: {  	s10 =	sor.u32 s2, s3;
	v51 =	vadd.s32 $0x3100, v0;
	[tilespmem:s7+$0xC580] =	vst v6  }
0x39: {  	s8 =	sor.u32 $0x380, s10;
	v52 =	vadd.s32 $0x3180, v0;
	[tilespmem:s7+$0xC600] =	vst v7  }
0x3a: {  	[tilespmem:s8+$0xC300] =	vst v8  }
0x3b: {  	v8 =	vld.idx.msk [tilespmem:v49+s22+$0x0], $0xffff  }
0x3c: {  	v4 =	vld.idx.msk [tilespmem:v50+s22+$0x0], $0xffff  }
0x3d: {  	v53 =	vadd.s32 $0x3200, v0;
	v6 =	vld.idx.msk [tilespmem:v51+s22+$0x0], $0xffff  }
0x3e: {  	v54 =	vadd.s32 $0x3280, v0;
	v7 =	vld.idx.msk [tilespmem:v52+s22+$0x0], $0xffff;
	[tilespmem:s7+$0xDB00] =	vst v9  }
0x3f: {  	v55 =	vadd.s32 $0x3300, v0;
	[tilespmem:s7+$0xDB80] =	vst v10  }
0x40: {  	v56 =	vadd.s32 $0x3380, v0;
	[tilespmem:s7+$0xDC00] =	vst v11  }
0x41: {  	[tilespmem:s7+$0xDC80] =	vst v12  }
0x42: {  	v12 =	vld.idx.msk [tilespmem:v53+s22+$0x0], $0xffff  }
0x43: {  	v9 =	vld.idx.msk [tilespmem:v54+s22+$0x0], $0xffff  }
0x44: {  	v57 =	vadd.s32 $0x4800, v0;
	v10 =	vld.idx.msk [tilespmem:v55+s22+$0x0], $0xffff  }
0x45: {  	v58 =	vadd.s32 $0x4880, v0;
	v11 =	vld.idx.msk [tilespmem:v56+s22+$0x0], $0xffff;
	[tilespmem:s7+$0xDD00] =	vst v3  }
0x46: {  	v59 =	vadd.s32 $0x4900, v0;
	[tilespmem:s7+$0xDD80] =	vst v5  }
0x47: {  	v60 =	vadd.s32 $0x4980, v0;
	[tilespmem:s7+$0xDE00] =	vst v1  }
0x48: {  	[tilespmem:s7+$0xDE80] =	vst v2  }
0x49: {  	v2 =	vld.idx.msk [tilespmem:v57+s22+$0x0], $0xffff  }
0x4a: {  	v3 =	vld.idx.msk [tilespmem:v58+s22+$0x0], $0xffff  }
0x4b: {  	v61 =	vadd.s32 $0x4A00, v0;
	v5 =	vld.idx.msk [tilespmem:v59+s22+$0x0], $0xffff  }
0x4c: {  	v62 =	vadd.s32 $0x4A80, v0;
	v1 =	vld.idx.msk [tilespmem:v60+s22+$0x0], $0xffff;
	[tilespmem:s7+$0xF300] =	vst v8  }
0x4d: {  	v63 =	vadd.s32 $0x4B00, v0;
	[tilespmem:s7+$0xF380] =	vst v4  }
0x4e: {  	v0 =	vadd.s32 $0x4B80, v0;
	[tilespmem:s7+$0xF400] =	vst v6  }
0x4f: {  	[tilespmem:s7+$0xF480] =	vst v7  }
0x50: {  	v6 =	vld.idx.msk [tilespmem:v61+s22+$0x0], $0xffff  }
0x51: {  	v7 =	vld.idx.msk [tilespmem:v62+s22+$0x0], $0xffff  }
0x52: {  	v4 =	vld.idx.msk [tilespmem:v63+s22+$0x0], $0xffff  }
0x53: {  	v0 =	vld.idx.msk [tilespmem:v0+s22+$0x0], $0xffff;
	[tilespmem:s7+$0xF500] =	vst v12  }
0x54: {  	[tilespmem:s7+$0xF580] =	vst v9  }
0x55: {  	[tilespmem:s7+$0xF600] =	vst v10  }
0x56: {  	[tilespmem:s7+$0xF680] =	vst v11  }
0x57: {  	[tilespmem:s7+$0x10B00] =	vst v2  }
0x58: {  	[tilespmem:s7+$0x10B80] =	vst v3  }
0x59: {  	p0 =	sne.s32 s3, $0x2F0;
	[tilespmem:s7+$0x10C00] =	vst v5  }
.Ltmp0:
0x5a: {  	[tilespmem:s7+$0x10C80] =	vst v1;
	(pc) =	sbr.rel @p0 .LBB2_2-.Ltmp0, $4  }
0x5b: {  	[tilespmem:s7+$0x10D00] =	vst v6  }
0x5c: {  	[tilespmem:s7+$0x10D80] =	vst v7  }
0x5d: {  	[tilespmem:s7+$0x10E00] =	vst v4  }
0x5e: {  	s2 =	sadd.s32 $0x80, s2;
	s0 =	sadd.s32 $0x10, s0;
	s3 =	sadd.s32 $0x10, s3;
	[tilespmem:s7+$0x10E80] =	vst v0  }
0x5f: {  	s0 =	simm.s32 $0x0;
	s2 =	rddreg [dreg:$0x6]  }
0x60: {  	[hbm4b:s2+s0] =	stream.linear.scatter [tilespmem:s25], [sflag:$0x3], $0x6000, $0x38;
	[tilespmem:$0x18300] =	vst v63  }
0x61: {  	s10 =	rddreg [dreg:$0x7]  }
0x62: {  	[tilespmem:s22], [sflag:$0x1] =	stream.linear.gather [hbm4b:s10+s0], $0x6000, $0x38;
	[tilespmem:$0x18300] =	vst v63  }
0x63: {  	_ =	swait.ge [sflag:s26], $0x6000  }
0x64: {  	[sflag:s26] =	ssyncset.done $0x0  }
0x65: {  	s3 =	simm.s32 $0x0;
	s2 =	simm.s32 $0x0;
	[sflag:s26] =	ssyncadd.s32 $0xFFFFA000  }
.LBB2_4:
0x66: {  	v0 =	vld [tilespmem:s0+$0x0];
	_ =	sdelay $0x4  }
0x67: {  	v1 =	vshll.u32 v0, $0x3  }
0x68: {  	v0 =	vand.u32 $0x7F, v0;
	v1 =	vand.u32 $0xFFFFFC00, v1  }
0x69: {  	v0 =	vor.u32 v0, v1  }
0x6a: {  	v1 =	vor.u32 $0x80, v0  }
0x6b: {  	v2 =	vor.u32 $0x100, v0  }
0x6c: {  	v3 =	vor.u32 $0x180, v0  }
0x6d: {  	v4 =	vor.u32 $0x200, v0  }
0x6e: {  	v6 =	vor.u32 $0x280, v0;
	v5 =	vld.idx.msk [tilespmem:v0+s23+$0x0], $0xffff  }
0x6f: {  	v7 =	vor.u32 $0x300, v0;
	v1 =	vld.idx.msk [tilespmem:v1+s23+$0x0], $0xffff  }
0x70: {  	v8 =	vor.u32 $0x380, v0;
	v2 =	vld.idx.msk [tilespmem:v2+s23+$0x0], $0xffff  }
0x71: {  	v9 =	vadd.s32 $0x1800, v0;
	v3 =	vld.idx.msk [tilespmem:v3+s23+$0x0], $0xffff  }
0x72: {  	v10 =	vadd.s32 $0x1880, v0;
	v4 =	vld.idx.msk [tilespmem:v4+s23+$0x0], $0xffff  }
0x73: {  	v11 =	vadd.s32 $0x1900, v0;
	v6 =	vld.idx.msk [tilespmem:v6+s23+$0x0], $0xffff  }
0x74: {  	v12 =	vadd.s32 $0x1980, v0;
	v7 =	vld.idx.msk [tilespmem:v7+s23+$0x0], $0xffff  }
0x75: {  	v8 =	vld.idx.msk [tilespmem:v8+s23+$0x0], $0xffff  }
0x76: {  	v9 =	vld.idx.msk [tilespmem:v9+s23+$0x0], $0xffff  }
0x77: {  	s7 =	sand.u32 $0x70, s3;
	s8 =	sand.u32 $0x1C00, s2;
	v10 =	vld.idx.msk [tilespmem:v10+s23+$0x0], $0xffff  }
0x78: {  	s7 =	sor.u32 s7, s8;
	v13 =	vadd.s32 $0x1A00, v0;
	v11 =	vld.idx.msk [tilespmem:v11+s23+$0x0], $0xffff  }
0x79: {  	v46 =	vadd.s32 $0x1A80, v0;
	v12 =	vld.idx.msk [tilespmem:v12+s23+$0x0], $0xffff;
	[tilespmem:s7+$0x12300] =	vst v5  }
0x7a: {  	v47 =	vadd.s32 $0x1B00, v0;
	[tilespmem:s7+$0x12380] =	vst v1  }
0x7b: {  	v48 =	vadd.s32 $0x1B80, v0;
	[tilespmem:s7+$0x12400] =	vst v2  }
0x7c: {  	[tilespmem:s7+$0x12480] =	vst v3  }
0x7d: {  	v3 =	vld.idx.msk [tilespmem:v13+s23+$0x0], $0xffff  }
0x7e: {  	v5 =	vld.idx.msk [tilespmem:v46+s23+$0x0], $0xffff  }
0x7f: {  	v49 =	vadd.s32 $0x3000, v0;
	v1 =	vld.idx.msk [tilespmem:v47+s23+$0x0], $0xffff  }
0x80: {  	v50 =	vadd.s32 $0x3080, v0;
	v2 =	vld.idx.msk [tilespmem:v48+s23+$0x0], $0xffff;
	[tilespmem:s7+$0x12500] =	vst v4  }
0x81: {  	s10 =	sor.u32 s2, s3;
	v51 =	vadd.s32 $0x3100, v0;
	[tilespmem:s7+$0x12580] =	vst v6  }
0x82: {  	s8 =	sor.u32 $0x380, s10;
	v52 =	vadd.s32 $0x3180, v0;
	[tilespmem:s7+$0x12600] =	vst v7  }
0x83: {  	[tilespmem:s8+$0x12300] =	vst v8  }
0x84: {  	v8 =	vld.idx.msk [tilespmem:v49+s23+$0x0], $0xffff  }
0x85: {  	v4 =	vld.idx.msk [tilespmem:v50+s23+$0x0], $0xffff  }
0x86: {  	v53 =	vadd.s32 $0x3200, v0;
	v6 =	vld.idx.msk [tilespmem:v51+s23+$0x0], $0xffff  }
0x87: {  	v54 =	vadd.s32 $0x3280, v0;
	v7 =	vld.idx.msk [tilespmem:v52+s23+$0x0], $0xffff;
	[tilespmem:s7+$0x13B00] =	vst v9  }
0x88: {  	v55 =	vadd.s32 $0x3300, v0;
	[tilespmem:s7+$0x13B80] =	vst v10  }
0x89: {  	v56 =	vadd.s32 $0x3380, v0;
	[tilespmem:s7+$0x13C00] =	vst v11  }
0x8a: {  	[tilespmem:s7+$0x13C80] =	vst v12  }
0x8b: {  	v12 =	vld.idx.msk [tilespmem:v53+s23+$0x0], $0xffff  }
0x8c: {  	v9 =	vld.idx.msk [tilespmem:v54+s23+$0x0], $0xffff  }
0x8d: {  	v57 =	vadd.s32 $0x4800, v0;
	v10 =	vld.idx.msk [tilespmem:v55+s23+$0x0], $0xffff  }
0x8e: {  	v58 =	vadd.s32 $0x4880, v0;
	v11 =	vld.idx.msk [tilespmem:v56+s23+$0x0], $0xffff;
	[tilespmem:s7+$0x13D00] =	vst v3  }
0x8f: {  	v59 =	vadd.s32 $0x4900, v0;
	[tilespmem:s7+$0x13D80] =	vst v5  }
0x90: {  	v60 =	vadd.s32 $0x4980, v0;
	[tilespmem:s7+$0x13E00] =	vst v1  }
0x91: {  	[tilespmem:s7+$0x13E80] =	vst v2  }
0x92: {  	v2 =	vld.idx.msk [tilespmem:v57+s23+$0x0], $0xffff  }
0x93: {  	v3 =	vld.idx.msk [tilespmem:v58+s23+$0x0], $0xffff  }
0x94: {  	v61 =	vadd.s32 $0x4A00, v0;
	v5 =	vld.idx.msk [tilespmem:v59+s23+$0x0], $0xffff  }
0x95: {  	v62 =	vadd.s32 $0x4A80, v0;
	v1 =	vld.idx.msk [tilespmem:v60+s23+$0x0], $0xffff;
	[tilespmem:s7+$0x15300] =	vst v8  }
0x96: {  	v63 =	vadd.s32 $0x4B00, v0;
	[tilespmem:s7+$0x15380] =	vst v4  }
0x97: {  	v0 =	vadd.s32 $0x4B80, v0;
	[tilespmem:s7+$0x15400] =	vst v6  }
0x98: {  	[tilespmem:s7+$0x15480] =	vst v7  }
0x99: {  	v6 =	vld.idx.msk [tilespmem:v61+s23+$0x0], $0xffff  }
0x9a: {  	v7 =	vld.idx.msk [tilespmem:v62+s23+$0x0], $0xffff  }
0x9b: {  	v4 =	vld.idx.msk [tilespmem:v63+s23+$0x0], $0xffff  }
0x9c: {  	v0 =	vld.idx.msk [tilespmem:v0+s23+$0x0], $0xffff;
	[tilespmem:s7+$0x15500] =	vst v12  }
0x9d: {  	[tilespmem:s7+$0x15580] =	vst v9  }
0x9e: {  	[tilespmem:s7+$0x15600] =	vst v10  }
0x9f: {  	[tilespmem:s7+$0x15680] =	vst v11  }
0xa0: {  	[tilespmem:s7+$0x16B00] =	vst v2  }
0xa1: {  	[tilespmem:s7+$0x16B80] =	vst v3  }
0xa2: {  	p0 =	sne.s32 s3, $0x2F0;
	[tilespmem:s7+$0x16C00] =	vst v5  }
.Ltmp1:
0xa3: {  	[tilespmem:s7+$0x16C80] =	vst v1;
	(pc) =	sbr.rel @p0 .LBB2_4-.Ltmp1, $4  }
0xa4: {  	[tilespmem:s7+$0x16D00] =	vst v6  }
0xa5: {  	[tilespmem:s7+$0x16D80] =	vst v7  }
0xa6: {  	[tilespmem:s7+$0x16E00] =	vst v4  }
0xa7: {  	s2 =	sadd.s32 $0x80, s2;
	s0 =	sadd.s32 $0x10, s0;
	s3 =	sadd.s32 $0x10, s3;
	[tilespmem:s7+$0x16E80] =	vst v0  }
0xa8: {  	[hbm4b:s11+s5] =	stream.linear.scatter [tilespmem:s28], [sflag:$0x4], $0x6000, $0x38;
	[tilespmem:$0x18300] =	vst v63  }
0xa9: {  	s2 =	simm.s32 $0x1  }
0xaa: {  	[tilespmem:s23], [sflag:$0x2] =	stream.linear.gather [hbm4b:s12+s5], $0x6000, $0x38;
	[tilespmem:$0x18300] =	vst v63  }
.LBB2_6:
0xab: {  	_ =	swait.ge [sflag:s24], $0x6000  }
0xac: {  	[sflag:s24] =	ssyncset.done $0x0  }
0xad: {  	[sflag:s24] =	ssyncadd.s32 $0xFFFFA000  }
0xae: {  	_ =	swait.ge [sflag:s29], $0x6000  }
0xaf: {  	s0 =	simm.s32 $0x0;
	[sflag:s29] =	ssyncset.done $0x0  }
0xb0: {  	s3 =	simm.s32 $0x0;
	s7 =	simm.s32 $0x0;
	[sflag:s29] =	ssyncadd.s32 $0xFFFFA000  }
.LBB2_7:
0xb1: {  	v0 =	vld [tilespmem:s0+$0x0];
	_ =	sdelay $0x4  }
0xb2: {  	v1 =	vshll.u32 v0, $0x3  }
0xb3: {  	v0 =	vand.u32 $0x7F, v0;
	v1 =	vand.u32 $0xFFFFFC00, v1  }
0xb4: {  	v0 =	vor.u32 v0, v1  }
0xb5: {  	v1 =	vor.u32 $0x80, v0  }
0xb6: {  	v2 =	vor.u32 $0x100, v0  }
0xb7: {  	v3 =	vor.u32 $0x180, v0  }
0xb8: {  	v4 =	vor.u32 $0x200, v0  }
0xb9: {  	v6 =	vor.u32 $0x280, v0;
	v5 =	vld.idx.msk [tilespmem:v0+s22+$0x0], $0xffff  }
0xba: {  	v7 =	vor.u32 $0x300, v0;
	v1 =	vld.idx.msk [tilespmem:v1+s22+$0x0], $0xffff  }
0xbb: {  	v8 =	vor.u32 $0x380, v0;
	v2 =	vld.idx.msk [tilespmem:v2+s22+$0x0], $0xffff  }
0xbc: {  	v9 =	vadd.s32 $0x1800, v0;
	v3 =	vld.idx.msk [tilespmem:v3+s22+$0x0], $0xffff  }
0xbd: {  	v10 =	vadd.s32 $0x1880, v0;
	v4 =	vld.idx.msk [tilespmem:v4+s22+$0x0], $0xffff  }
0xbe: {  	v11 =	vadd.s32 $0x1900, v0;
	v6 =	vld.idx.msk [tilespmem:v6+s22+$0x0], $0xffff  }
0xbf: {  	v12 =	vadd.s32 $0x1980, v0;
	v7 =	vld.idx.msk [tilespmem:v7+s22+$0x0], $0xffff  }
0xc0: {  	v8 =	vld.idx.msk [tilespmem:v8+s22+$0x0], $0xffff  }
0xc1: {  	v9 =	vld.idx.msk [tilespmem:v9+s22+$0x0], $0xffff  }
0xc2: {  	s8 =	sand.u32 $0x70, s7;
	s9 =	sand.u32 $0x1C00, s3;
	v10 =	vld.idx.msk [tilespmem:v10+s22+$0x0], $0xffff  }
0xc3: {  	s8 =	sor.u32 s8, s9;
	v13 =	vadd.s32 $0x1A00, v0;
	v11 =	vld.idx.msk [tilespmem:v11+s22+$0x0], $0xffff  }
0xc4: {  	v46 =	vadd.s32 $0x1A80, v0;
	v12 =	vld.idx.msk [tilespmem:v12+s22+$0x0], $0xffff;
	[tilespmem:s8+$0xC300] =	vst v5  }
0xc5: {  	v47 =	vadd.s32 $0x1B00, v0;
	[tilespmem:s8+$0xC380] =	vst v1  }
0xc6: {  	v48 =	vadd.s32 $0x1B80, v0;
	[tilespmem:s8+$0xC400] =	vst v2  }
0xc7: {  	[tilespmem:s8+$0xC480] =	vst v3  }
0xc8: {  	v3 =	vld.idx.msk [tilespmem:v13+s22+$0x0], $0xffff  }
0xc9: {  	v5 =	vld.idx.msk [tilespmem:v46+s22+$0x0], $0xffff  }
0xca: {  	v49 =	vadd.s32 $0x3000, v0;
	v1 =	vld.idx.msk [tilespmem:v47+s22+$0x0], $0xffff  }
0xcb: {  	v50 =	vadd.s32 $0x3080, v0;
	v2 =	vld.idx.msk [tilespmem:v48+s22+$0x0], $0xffff;
	[tilespmem:s8+$0xC500] =	vst v4  }
0xcc: {  	s10 =	sor.u32 s3, s7;
	v51 =	vadd.s32 $0x3100, v0;
	[tilespmem:s8+$0xC580] =	vst v6  }
0xcd: {  	s9 =	sor.u32 $0x380, s10;
	v52 =	vadd.s32 $0x3180, v0;
	[tilespmem:s8+$0xC600] =	vst v7  }
0xce: {  	[tilespmem:s9+$0xC300] =	vst v8  }
0xcf: {  	v8 =	vld.idx.msk [tilespmem:v49+s22+$0x0], $0xffff  }
0xd0: {  	v4 =	vld.idx.msk [tilespmem:v50+s22+$0x0], $0xffff  }
0xd1: {  	v53 =	vadd.s32 $0x3200, v0;
	v6 =	vld.idx.msk [tilespmem:v51+s22+$0x0], $0xffff  }
0xd2: {  	v54 =	vadd.s32 $0x3280, v0;
	v7 =	vld.idx.msk [tilespmem:v52+s22+$0x0], $0xffff;
	[tilespmem:s8+$0xDB00] =	vst v9  }
0xd3: {  	v55 =	vadd.s32 $0x3300, v0;
	[tilespmem:s8+$0xDB80] =	vst v10  }
0xd4: {  	v56 =	vadd.s32 $0x3380, v0;
	[tilespmem:s8+$0xDC00] =	vst v11  }
0xd5: {  	[tilespmem:s8+$0xDC80] =	vst v12  }
0xd6: {  	v12 =	vld.idx.msk [tilespmem:v53+s22+$0x0], $0xffff  }
0xd7: {  	v9 =	vld.idx.msk [tilespmem:v54+s22+$0x0], $0xffff  }
0xd8: {  	v57 =	vadd.s32 $0x4800, v0;
	v10 =	vld.idx.msk [tilespmem:v55+s22+$0x0], $0xffff  }
0xd9: {  	v58 =	vadd.s32 $0x4880, v0;
	v11 =	vld.idx.msk [tilespmem:v56+s22+$0x0], $0xffff;
	[tilespmem:s8+$0xDD00] =	vst v3  }
0xda: {  	v59 =	vadd.s32 $0x4900, v0;
	[tilespmem:s8+$0xDD80] =	vst v5  }
0xdb: {  	v60 =	vadd.s32 $0x4980, v0;
	[tilespmem:s8+$0xDE00] =	vst v1  }
0xdc: {  	[tilespmem:s8+$0xDE80] =	vst v2  }
0xdd: {  	v2 =	vld.idx.msk [tilespmem:v57+s22+$0x0], $0xffff  }
0xde: {  	v3 =	vld.idx.msk [tilespmem:v58+s22+$0x0], $0xffff  }
0xdf: {  	v61 =	vadd.s32 $0x4A00, v0;
	v5 =	vld.idx.msk [tilespmem:v59+s22+$0x0], $0xffff  }
0xe0: {  	v62 =	vadd.s32 $0x4A80, v0;
	v1 =	vld.idx.msk [tilespmem:v60+s22+$0x0], $0xffff;
	[tilespmem:s8+$0xF300] =	vst v8  }
0xe1: {  	v63 =	vadd.s32 $0x4B00, v0;
	[tilespmem:s8+$0xF380] =	vst v4  }
0xe2: {  	v0 =	vadd.s32 $0x4B80, v0;
	[tilespmem:s8+$0xF400] =	vst v6  }
0xe3: {  	[tilespmem:s8+$0xF480] =	vst v7  }
0xe4: {  	v6 =	vld.idx.msk [tilespmem:v61+s22+$0x0], $0xffff  }
0xe5: {  	v7 =	vld.idx.msk [tilespmem:v62+s22+$0x0], $0xffff  }
0xe6: {  	v4 =	vld.idx.msk [tilespmem:v63+s22+$0x0], $0xffff  }
0xe7: {  	v0 =	vld.idx.msk [tilespmem:v0+s22+$0x0], $0xffff;
	[tilespmem:s8+$0xF500] =	vst v12  }
0xe8: {  	[tilespmem:s8+$0xF580] =	vst v9  }
0xe9: {  	[tilespmem:s8+$0xF600] =	vst v10  }
0xea: {  	[tilespmem:s8+$0xF680] =	vst v11  }
0xeb: {  	[tilespmem:s8+$0x10B00] =	vst v2  }
0xec: {  	[tilespmem:s8+$0x10B80] =	vst v3  }
0xed: {  	p0 =	sne.s32 s7, $0x2F0;
	[tilespmem:s8+$0x10C00] =	vst v5  }
.Ltmp2:
0xee: {  	[tilespmem:s8+$0x10C80] =	vst v1;
	(pc) =	sbr.rel @p0 .LBB2_7-.Ltmp2, $4  }
0xef: {  	[tilespmem:s8+$0x10D00] =	vst v6  }
0xf0: {  	[tilespmem:s8+$0x10D80] =	vst v7  }
0xf1: {  	[tilespmem:s8+$0x10E00] =	vst v4  }
0xf2: {  	s3 =	sadd.s32 $0x80, s3;
	s0 =	sadd.s32 $0x10, s0;
	s7 =	sadd.s32 $0x10, s7;
	[tilespmem:s8+$0x10E80] =	vst v0  }
0xf3: {  	s0 =	sshll.u32 s2, $0x1  }
0xf4: {  	s3 =	sadd.s32 s6, s0  }
0xf5: {  	s3 =	smul.u32 $0xC00, s3  }
0xf6: {  	s7 =	sadd.s32 s0, s13  }
0xf7: {  	s7 =	smul.u32 $0xC00, s7;
	s8 =	sadd.s32 s4, s3;
	s3 =	simm.s32 $0x0  }
0xf8: {  	[hbm4b:s8+s3] =	stream.linear.scatter [tilespmem:s25], [sflag:$0x3], $0x6000, $0x38;
	[tilespmem:$0x18300] =	vst v63  }
0xf9: {  	s7 =	sadd.s32 s1, s7  }
0xfa: {  	[tilespmem:s22], [sflag:$0x1] =	stream.linear.gather [hbm4b:s7+s3], $0x6000, $0x38;
	[tilespmem:$0x18300] =	vst v63  }
0xfb: {  	_ =	swait.ge [sflag:s26], $0x6000  }
0xfc: {  	[sflag:s26] =	ssyncset.done $0x0  }
0xfd: {  	[sflag:s26] =	ssyncadd.s32 $0xFFFFA000  }
0xfe: {  	_ =	swait.ge [sflag:s30], $0x6000  }
0xff: {  	[sflag:s30] =	ssyncset.done $0x0  }
0x100: {  	s8 =	simm.s32 $0x0;
	s7 =	simm.s32 $0x0;
	[sflag:s30] =	ssyncadd.s32 $0xFFFFA000  }
.LBB2_9:
0x101: {  	v0 =	vld [tilespmem:s3+$0x0];
	_ =	sdelay $0x4  }
0x102: {  	v1 =	vshll.u32 v0, $0x3  }
0x103: {  	v0 =	vand.u32 $0x7F, v0;
	v1 =	vand.u32 $0xFFFFFC00, v1  }
0x104: {  	v0 =	vor.u32 v0, v1  }
0x105: {  	v1 =	vor.u32 $0x80, v0  }
0x106: {  	v2 =	vor.u32 $0x100, v0  }
0x107: {  	v3 =	vor.u32 $0x180, v0  }
0x108: {  	v4 =	vor.u32 $0x200, v0  }
0x109: {  	v6 =	vor.u32 $0x280, v0;
	v5 =	vld.idx.msk [tilespmem:v0+s23+$0x0], $0xffff  }
0x10a: {  	v7 =	vor.u32 $0x300, v0;
	v1 =	vld.idx.msk [tilespmem:v1+s23+$0x0], $0xffff  }
0x10b: {  	v8 =	vor.u32 $0x380, v0;
	v2 =	vld.idx.msk [tilespmem:v2+s23+$0x0], $0xffff  }
0x10c: {  	v9 =	vadd.s32 $0x1800, v0;
	v3 =	vld.idx.msk [tilespmem:v3+s23+$0x0], $0xffff  }
0x10d: {  	v10 =	vadd.s32 $0x1880, v0;
	v4 =	vld.idx.msk [tilespmem:v4+s23+$0x0], $0xffff  }
0x10e: {  	v11 =	vadd.s32 $0x1900, v0;
	v6 =	vld.idx.msk [tilespmem:v6+s23+$0x0], $0xffff  }
0x10f: {  	v12 =	vadd.s32 $0x1980, v0;
	v7 =	vld.idx.msk [tilespmem:v7+s23+$0x0], $0xffff  }
0x110: {  	v8 =	vld.idx.msk [tilespmem:v8+s23+$0x0], $0xffff  }
0x111: {  	v9 =	vld.idx.msk [tilespmem:v9+s23+$0x0], $0xffff  }
0x112: {  	s9 =	sand.u32 $0x70, s8;
	s10 =	sand.u32 $0x1C00, s7;
	v10 =	vld.idx.msk [tilespmem:v10+s23+$0x0], $0xffff  }
0x113: {  	s9 =	sor.u32 s9, s10;
	v13 =	vadd.s32 $0x1A00, v0;
	v11 =	vld.idx.msk [tilespmem:v11+s23+$0x0], $0xffff  }
0x114: {  	v46 =	vadd.s32 $0x1A80, v0;
	v12 =	vld.idx.msk [tilespmem:v12+s23+$0x0], $0xffff;
	[tilespmem:s9+$0x12300] =	vst v5  }
0x115: {  	v47 =	vadd.s32 $0x1B00, v0;
	[tilespmem:s9+$0x12380] =	vst v1  }
0x116: {  	v48 =	vadd.s32 $0x1B80, v0;
	[tilespmem:s9+$0x12400] =	vst v2  }
0x117: {  	[tilespmem:s9+$0x12480] =	vst v3  }
0x118: {  	v3 =	vld.idx.msk [tilespmem:v13+s23+$0x0], $0xffff  }
0x119: {  	v5 =	vld.idx.msk [tilespmem:v46+s23+$0x0], $0xffff  }
0x11a: {  	v49 =	vadd.s32 $0x3000, v0;
	v1 =	vld.idx.msk [tilespmem:v47+s23+$0x0], $0xffff  }
0x11b: {  	v50 =	vadd.s32 $0x3080, v0;
	v2 =	vld.idx.msk [tilespmem:v48+s23+$0x0], $0xffff;
	[tilespmem:s9+$0x12500] =	vst v4  }
0x11c: {  	s10 =	sor.u32 s7, s8;
	v51 =	vadd.s32 $0x3100, v0;
	[tilespmem:s9+$0x12580] =	vst v6  }
0x11d: {  	s10 =	sor.u32 $0x380, s10;
	v52 =	vadd.s32 $0x3180, v0;
	[tilespmem:s9+$0x12600] =	vst v7  }
0x11e: {  	[tilespmem:s10+$0x12300] =	vst v8  }
0x11f: {  	v8 =	vld.idx.msk [tilespmem:v49+s23+$0x0], $0xffff  }
0x120: {  	v4 =	vld.idx.msk [tilespmem:v50+s23+$0x0], $0xffff  }
0x121: {  	v53 =	vadd.s32 $0x3200, v0;
	v6 =	vld.idx.msk [tilespmem:v51+s23+$0x0], $0xffff  }
0x122: {  	v54 =	vadd.s32 $0x3280, v0;
	v7 =	vld.idx.msk [tilespmem:v52+s23+$0x0], $0xffff;
	[tilespmem:s9+$0x13B00] =	vst v9  }
0x123: {  	v55 =	vadd.s32 $0x3300, v0;
	[tilespmem:s9+$0x13B80] =	vst v10  }
0x124: {  	v56 =	vadd.s32 $0x3380, v0;
	[tilespmem:s9+$0x13C00] =	vst v11  }
0x125: {  	[tilespmem:s9+$0x13C80] =	vst v12  }
0x126: {  	v12 =	vld.idx.msk [tilespmem:v53+s23+$0x0], $0xffff  }
0x127: {  	v9 =	vld.idx.msk [tilespmem:v54+s23+$0x0], $0xffff  }
0x128: {  	v57 =	vadd.s32 $0x4800, v0;
	v10 =	vld.idx.msk [tilespmem:v55+s23+$0x0], $0xffff  }
0x129: {  	v58 =	vadd.s32 $0x4880, v0;
	v11 =	vld.idx.msk [tilespmem:v56+s23+$0x0], $0xffff;
	[tilespmem:s9+$0x13D00] =	vst v3  }
0x12a: {  	v59 =	vadd.s32 $0x4900, v0;
	[tilespmem:s9+$0x13D80] =	vst v5  }
0x12b: {  	v60 =	vadd.s32 $0x4980, v0;
	[tilespmem:s9+$0x13E00] =	vst v1  }
0x12c: {  	[tilespmem:s9+$0x13E80] =	vst v2  }
0x12d: {  	v2 =	vld.idx.msk [tilespmem:v57+s23+$0x0], $0xffff  }
0x12e: {  	v3 =	vld.idx.msk [tilespmem:v58+s23+$0x0], $0xffff  }
0x12f: {  	v61 =	vadd.s32 $0x4A00, v0;
	v5 =	vld.idx.msk [tilespmem:v59+s23+$0x0], $0xffff  }
0x130: {  	v62 =	vadd.s32 $0x4A80, v0;
	v1 =	vld.idx.msk [tilespmem:v60+s23+$0x0], $0xffff;
	[tilespmem:s9+$0x15300] =	vst v8  }
0x131: {  	v63 =	vadd.s32 $0x4B00, v0;
	[tilespmem:s9+$0x15380] =	vst v4  }
0x132: {  	v0 =	vadd.s32 $0x4B80, v0;
	[tilespmem:s9+$0x15400] =	vst v6  }
0x133: {  	[tilespmem:s9+$0x15480] =	vst v7  }
0x134: {  	v6 =	vld.idx.msk [tilespmem:v61+s23+$0x0], $0xffff  }
0x135: {  	v7 =	vld.idx.msk [tilespmem:v62+s23+$0x0], $0xffff  }
0x136: {  	v4 =	vld.idx.msk [tilespmem:v63+s23+$0x0], $0xffff  }
0x137: {  	v0 =	vld.idx.msk [tilespmem:v0+s23+$0x0], $0xffff;
	[tilespmem:s9+$0x15500] =	vst v12  }
0x138: {  	[tilespmem:s9+$0x15580] =	vst v9  }
0x139: {  	[tilespmem:s9+$0x15600] =	vst v10  }
0x13a: {  	[tilespmem:s9+$0x15680] =	vst v11  }
0x13b: {  	[tilespmem:s9+$0x16B00] =	vst v2  }
0x13c: {  	[tilespmem:s9+$0x16B80] =	vst v3  }
0x13d: {  	p0 =	sne.s32 s8, $0x2F0;
	[tilespmem:s9+$0x16C00] =	vst v5  }
.Ltmp3:
0x13e: {  	[tilespmem:s9+$0x16C80] =	vst v1;
	(pc) =	sbr.rel @p0 .LBB2_9-.Ltmp3, $4  }
0x13f: {  	[tilespmem:s9+$0x16D00] =	vst v6  }
0x140: {  	[tilespmem:s9+$0x16D80] =	vst v7  }
0x141: {  	[tilespmem:s9+$0x16E00] =	vst v4  }
0x142: {  	s3 =	sadd.s32 $0x10, s3;
	s7 =	sadd.s32 $0x80, s7;
	s8 =	sadd.s32 $0x10, s8;
	[tilespmem:s9+$0x16E80] =	vst v0  }
0x143: {  	s3 =	sadd.s32 s0, s14;
	s2 =	sadd.s32 $0x1, s2  }
0x144: {  	s3 =	smul.u32 $0xC00, s3;
	p0 =	sne.s32 s2, $0x17  }
.Ltmp4:
0x145: {  	s10 =	sadd.s32 s0, s15;
	(pc) =	sbr.rel @p0 .LBB2_6-.Ltmp4, $4  }
0x146: {  	s0 =	smul.u32 $0xC00, s10;
	s3 =	sadd.s32 s4, s3  }
0x147: {  	[hbm4b:s3+s5] =	stream.linear.scatter [tilespmem:s28], [sflag:$0x4], $0x6000, $0x38;
	[tilespmem:$0x18300] =	vst v63  }
0x148: {  	s0 =	sadd.s32 s1, s0  }
0x149: {  	[tilespmem:s23], [sflag:$0x2] =	stream.linear.gather [hbm4b:s0+s5], $0x6000, $0x38;
	[tilespmem:$0x18300] =	vst v63  }
0x14a: {  	_ =	swait.ge [sflag:s24], $0x6000  }
0x14b: {  	[sflag:s24] =	ssyncset.done $0x0  }
0x14c: {  	[sflag:s24] =	ssyncadd.s32 $0xFFFFA000  }
0x14d: {  	_ =	swait.ge [sflag:s29], $0x6000  }
0x14e: {  	s0 =	simm.s32 $0x0;
	[sflag:s29] =	ssyncset.done $0x0  }
0x14f: {  	s2 =	simm.s32 $0x0;
	s3 =	simm.s32 $0x0;
	[sflag:s29] =	ssyncadd.s32 $0xFFFFA000  }
.LBB2_12:
0x150: {  	v0 =	vld [tilespmem:s0+$0x0];
	_ =	sdelay $0x4  }
0x151: {  	v1 =	vshll.u32 v0, $0x3  }
0x152: {  	v0 =	vand.u32 $0x7F, v0;
	v1 =	vand.u32 $0xFFFFFC00, v1  }
0x153: {  	v0 =	vor.u32 v0, v1  }
0x154: {  	v1 =	vor.u32 $0x80, v0  }
0x155: {  	v2 =	vor.u32 $0x100, v0  }
0x156: {  	v3 =	vor.u32 $0x180, v0  }
0x157: {  	v4 =	vor.u32 $0x200, v0  }
0x158: {  	v6 =	vor.u32 $0x280, v0;
	v5 =	vld.idx.msk [tilespmem:v0+s22+$0x0], $0xffff  }
0x159: {  	v7 =	vor.u32 $0x300, v0;
	v1 =	vld.idx.msk [tilespmem:v1+s22+$0x0], $0xffff  }
0x15a: {  	v8 =	vor.u32 $0x380, v0;
	v2 =	vld.idx.msk [tilespmem:v2+s22+$0x0], $0xffff  }
0x15b: {  	v9 =	vadd.s32 $0x1800, v0;
	v3 =	vld.idx.msk [tilespmem:v3+s22+$0x0], $0xffff  }
0x15c: {  	v10 =	vadd.s32 $0x1880, v0;
	v4 =	vld.idx.msk [tilespmem:v4+s22+$0x0], $0xffff  }
0x15d: {  	v11 =	vadd.s32 $0x1900, v0;
	v6 =	vld.idx.msk [tilespmem:v6+s22+$0x0], $0xffff  }
0x15e: {  	v12 =	vadd.s32 $0x1980, v0;
	v7 =	vld.idx.msk [tilespmem:v7+s22+$0x0], $0xffff  }
0x15f: {  	v8 =	vld.idx.msk [tilespmem:v8+s22+$0x0], $0xffff  }
0x160: {  	v9 =	vld.idx.msk [tilespmem:v9+s22+$0x0], $0xffff  }
0x161: {  	s7 =	sand.u32 $0x70, s3;
	s8 =	sand.u32 $0x1C00, s2;
	v10 =	vld.idx.msk [tilespmem:v10+s22+$0x0], $0xffff  }
0x162: {  	s7 =	sor.u32 s7, s8;
	v13 =	vadd.s32 $0x1A00, v0;
	v11 =	vld.idx.msk [tilespmem:v11+s22+$0x0], $0xffff  }
0x163: {  	v46 =	vadd.s32 $0x1A80, v0;
	v12 =	vld.idx.msk [tilespmem:v12+s22+$0x0], $0xffff;
	[tilespmem:s7+$0xC300] =	vst v5  }
0x164: {  	v47 =	vadd.s32 $0x1B00, v0;
	[tilespmem:s7+$0xC380] =	vst v1  }
0x165: {  	v48 =	vadd.s32 $0x1B80, v0;
	[tilespmem:s7+$0xC400] =	vst v2  }
0x166: {  	[tilespmem:s7+$0xC480] =	vst v3  }
0x167: {  	v3 =	vld.idx.msk [tilespmem:v13+s22+$0x0], $0xffff  }
0x168: {  	v5 =	vld.idx.msk [tilespmem:v46+s22+$0x0], $0xffff  }
0x169: {  	v49 =	vadd.s32 $0x3000, v0;
	v1 =	vld.idx.msk [tilespmem:v47+s22+$0x0], $0xffff  }
0x16a: {  	v50 =	vadd.s32 $0x3080, v0;
	v2 =	vld.idx.msk [tilespmem:v48+s22+$0x0], $0xffff;
	[tilespmem:s7+$0xC500] =	vst v4  }
0x16b: {  	s10 =	sor.u32 s2, s3;
	v51 =	vadd.s32 $0x3100, v0;
	[tilespmem:s7+$0xC580] =	vst v6  }
0x16c: {  	s8 =	sor.u32 $0x380, s10;
	v52 =	vadd.s32 $0x3180, v0;
	[tilespmem:s7+$0xC600] =	vst v7  }
0x16d: {  	[tilespmem:s8+$0xC300] =	vst v8  }
0x16e: {  	v8 =	vld.idx.msk [tilespmem:v49+s22+$0x0], $0xffff  }
0x16f: {  	v4 =	vld.idx.msk [tilespmem:v50+s22+$0x0], $0xffff  }
0x170: {  	v53 =	vadd.s32 $0x3200, v0;
	v6 =	vld.idx.msk [tilespmem:v51+s22+$0x0], $0xffff  }
0x171: {  	v54 =	vadd.s32 $0x3280, v0;
	v7 =	vld.idx.msk [tilespmem:v52+s22+$0x0], $0xffff;
	[tilespmem:s7+$0xDB00] =	vst v9  }
0x172: {  	v55 =	vadd.s32 $0x3300, v0;
	[tilespmem:s7+$0xDB80] =	vst v10  }
0x173: {  	v56 =	vadd.s32 $0x3380, v0;
	[tilespmem:s7+$0xDC00] =	vst v11  }
0x174: {  	[tilespmem:s7+$0xDC80] =	vst v12  }
0x175: {  	v12 =	vld.idx.msk [tilespmem:v53+s22+$0x0], $0xffff  }
0x176: {  	v9 =	vld.idx.msk [tilespmem:v54+s22+$0x0], $0xffff  }
0x177: {  	v57 =	vadd.s32 $0x4800, v0;
	v10 =	vld.idx.msk [tilespmem:v55+s22+$0x0], $0xffff  }
0x178: {  	v58 =	vadd.s32 $0x4880, v0;
	v11 =	vld.idx.msk [tilespmem:v56+s22+$0x0], $0xffff;
	[tilespmem:s7+$0xDD00] =	vst v3  }
0x179: {  	v59 =	vadd.s32 $0x4900, v0;
	[tilespmem:s7+$0xDD80] =	vst v5  }
0x17a: {  	v60 =	vadd.s32 $0x4980, v0;
	[tilespmem:s7+$0xDE00] =	vst v1  }
0x17b: {  	[tilespmem:s7+$0xDE80] =	vst v2  }
0x17c: {  	v2 =	vld.idx.msk [tilespmem:v57+s22+$0x0], $0xffff  }
0x17d: {  	v3 =	vld.idx.msk [tilespmem:v58+s22+$0x0], $0xffff  }
0x17e: {  	v61 =	vadd.s32 $0x4A00, v0;
	v5 =	vld.idx.msk [tilespmem:v59+s22+$0x0], $0xffff  }
0x17f: {  	v62 =	vadd.s32 $0x4A80, v0;
	v1 =	vld.idx.msk [tilespmem:v60+s22+$0x0], $0xffff;
	[tilespmem:s7+$0xF300] =	vst v8  }
0x180: {  	v63 =	vadd.s32 $0x4B00, v0;
	[tilespmem:s7+$0xF380] =	vst v4  }
0x181: {  	v0 =	vadd.s32 $0x4B80, v0;
	[tilespmem:s7+$0xF400] =	vst v6  }
0x182: {  	[tilespmem:s7+$0xF480] =	vst v7  }
0x183: {  	v6 =	vld.idx.msk [tilespmem:v61+s22+$0x0], $0xffff  }
0x184: {  	v7 =	vld.idx.msk [tilespmem:v62+s22+$0x0], $0xffff  }
0x185: {  	v4 =	vld.idx.msk [tilespmem:v63+s22+$0x0], $0xffff  }
0x186: {  	v0 =	vld.idx.msk [tilespmem:v0+s22+$0x0], $0xffff;
	[tilespmem:s7+$0xF500] =	vst v12  }
0x187: {  	[tilespmem:s7+$0xF580] =	vst v9  }
0x188: {  	[tilespmem:s7+$0xF600] =	vst v10  }
0x189: {  	[tilespmem:s7+$0xF680] =	vst v11  }
0x18a: {  	[tilespmem:s7+$0x10B00] =	vst v2  }
0x18b: {  	[tilespmem:s7+$0x10B80] =	vst v3  }
0x18c: {  	p0 =	sne.s32 s3, $0x2F0;
	[tilespmem:s7+$0x10C00] =	vst v5  }
.Ltmp5:
0x18d: {  	[tilespmem:s7+$0x10C80] =	vst v1;
	(pc) =	sbr.rel @p0 .LBB2_12-.Ltmp5, $4  }
0x18e: {  	[tilespmem:s7+$0x10D00] =	vst v6  }
0x18f: {  	[tilespmem:s7+$0x10D80] =	vst v7  }
0x190: {  	[tilespmem:s7+$0x10E00] =	vst v4  }
0x191: {  	s2 =	sadd.s32 $0x80, s2;
	s0 =	sadd.s32 $0x10, s0;
	s3 =	sadd.s32 $0x10, s3;
	[tilespmem:s7+$0x10E80] =	vst v0  }
0x192: {  	s0 =	simm.s32 $0x0  }
0x193: {  	[hbm4b:s16+s0] =	stream.linear.scatter [tilespmem:s25], [sflag:$0x3], $0x6000, $0x38;
	[tilespmem:$0x18300] =	vst v63  }
0x194: {  	_ = 	snop  }
0x195: {  	[tilespmem:s22], [sflag:$0x1] =	stream.linear.gather [hbm4b:s17+s0], $0x6000, $0x38;
	[tilespmem:$0x18300] =	vst v63  }
0x196: {  	_ =	swait.ge [sflag:s26], $0x6000  }
0x197: {  	[sflag:s26] =	ssyncset.done $0x0  }
0x198: {  	[sflag:s26] =	ssyncadd.s32 $0xFFFFA000  }
0x199: {  	_ =	swait.ge [sflag:s30], $0x6000  }
0x19a: {  	[sflag:s30] =	ssyncset.done $0x0  }
0x19b: {  	s2 =	simm.s32 $0x0;
	s3 =	simm.s32 $0x0;
	[sflag:s30] =	ssyncadd.s32 $0xFFFFA000  }
.LBB2_14:
0x19c: {  	v0 =	vld [tilespmem:s0+$0x0];
	_ =	sdelay $0x4  }
0x19d: {  	v1 =	vshll.u32 v0, $0x3  }
0x19e: {  	v0 =	vand.u32 $0x7F, v0;
	v1 =	vand.u32 $0xFFFFFC00, v1  }
0x19f: {  	v0 =	vor.u32 v0, v1  }
0x1a0: {  	v1 =	vor.u32 $0x80, v0  }
0x1a1: {  	v2 =	vor.u32 $0x100, v0  }
0x1a2: {  	v3 =	vor.u32 $0x180, v0  }
0x1a3: {  	v4 =	vor.u32 $0x200, v0  }
0x1a4: {  	v6 =	vor.u32 $0x280, v0;
	v5 =	vld.idx.msk [tilespmem:v0+s23+$0x0], $0xffff  }
0x1a5: {  	v7 =	vor.u32 $0x300, v0;
	v1 =	vld.idx.msk [tilespmem:v1+s23+$0x0], $0xffff  }
0x1a6: {  	v8 =	vor.u32 $0x380, v0;
	v2 =	vld.idx.msk [tilespmem:v2+s23+$0x0], $0xffff  }
0x1a7: {  	v9 =	vadd.s32 $0x1800, v0;
	v3 =	vld.idx.msk [tilespmem:v3+s23+$0x0], $0xffff  }
0x1a8: {  	v10 =	vadd.s32 $0x1880, v0;
	v4 =	vld.idx.msk [tilespmem:v4+s23+$0x0], $0xffff  }
0x1a9: {  	v11 =	vadd.s32 $0x1900, v0;
	v6 =	vld.idx.msk [tilespmem:v6+s23+$0x0], $0xffff  }
0x1aa: {  	v12 =	vadd.s32 $0x1980, v0;
	v7 =	vld.idx.msk [tilespmem:v7+s23+$0x0], $0xffff  }
0x1ab: {  	v8 =	vld.idx.msk [tilespmem:v8+s23+$0x0], $0xffff  }
0x1ac: {  	v9 =	vld.idx.msk [tilespmem:v9+s23+$0x0], $0xffff  }
0x1ad: {  	s7 =	sand.u32 $0x70, s3;
	s8 =	sand.u32 $0x1C00, s2;
	v10 =	vld.idx.msk [tilespmem:v10+s23+$0x0], $0xffff  }
0x1ae: {  	s7 =	sor.u32 s7, s8;
	v13 =	vadd.s32 $0x1A00, v0;
	v11 =	vld.idx.msk [tilespmem:v11+s23+$0x0], $0xffff  }
0x1af: {  	v46 =	vadd.s32 $0x1A80, v0;
	v12 =	vld.idx.msk [tilespmem:v12+s23+$0x0], $0xffff;
	[tilespmem:s7+$0x12300] =	vst v5  }
0x1b0: {  	v47 =	vadd.s32 $0x1B00, v0;
	[tilespmem:s7+$0x12380] =	vst v1  }
0x1b1: {  	v48 =	vadd.s32 $0x1B80, v0;
	[tilespmem:s7+$0x12400] =	vst v2  }
0x1b2: {  	[tilespmem:s7+$0x12480] =	vst v3  }
0x1b3: {  	v3 =	vld.idx.msk [tilespmem:v13+s23+$0x0], $0xffff  }
0x1b4: {  	v5 =	vld.idx.msk [tilespmem:v46+s23+$0x0], $0xffff  }
0x1b5: {  	v49 =	vadd.s32 $0x3000, v0;
	v1 =	vld.idx.msk [tilespmem:v47+s23+$0x0], $0xffff  }
0x1b6: {  	v50 =	vadd.s32 $0x3080, v0;
	v2 =	vld.idx.msk [tilespmem:v48+s23+$0x0], $0xffff;
	[tilespmem:s7+$0x12500] =	vst v4  }
0x1b7: {  	s10 =	sor.u32 s2, s3;
	v51 =	vadd.s32 $0x3100, v0;
	[tilespmem:s7+$0x12580] =	vst v6  }
0x1b8: {  	s8 =	sor.u32 $0x380, s10;
	v52 =	vadd.s32 $0x3180, v0;
	[tilespmem:s7+$0x12600] =	vst v7  }
0x1b9: {  	[tilespmem:s8+$0x12300] =	vst v8  }
0x1ba: {  	v8 =	vld.idx.msk [tilespmem:v49+s23+$0x0], $0xffff  }
0x1bb: {  	v4 =	vld.idx.msk [tilespmem:v50+s23+$0x0], $0xffff  }
0x1bc: {  	v53 =	vadd.s32 $0x3200, v0;
	v6 =	vld.idx.msk [tilespmem:v51+s23+$0x0], $0xffff  }
0x1bd: {  	v54 =	vadd.s32 $0x3280, v0;
	v7 =	vld.idx.msk [tilespmem:v52+s23+$0x0], $0xffff;
	[tilespmem:s7+$0x13B00] =	vst v9  }
0x1be: {  	v55 =	vadd.s32 $0x3300, v0;
	[tilespmem:s7+$0x13B80] =	vst v10  }
0x1bf: {  	v56 =	vadd.s32 $0x3380, v0;
	[tilespmem:s7+$0x13C00] =	vst v11  }
0x1c0: {  	[tilespmem:s7+$0x13C80] =	vst v12  }
0x1c1: {  	v12 =	vld.idx.msk [tilespmem:v53+s23+$0x0], $0xffff  }
0x1c2: {  	v9 =	vld.idx.msk [tilespmem:v54+s23+$0x0], $0xffff  }
0x1c3: {  	v57 =	vadd.s32 $0x4800, v0;
	v10 =	vld.idx.msk [tilespmem:v55+s23+$0x0], $0xffff  }
0x1c4: {  	v58 =	vadd.s32 $0x4880, v0;
	v11 =	vld.idx.msk [tilespmem:v56+s23+$0x0], $0xffff;
	[tilespmem:s7+$0x13D00] =	vst v3  }
0x1c5: {  	v59 =	vadd.s32 $0x4900, v0;
	[tilespmem:s7+$0x13D80] =	vst v5  }
0x1c6: {  	v60 =	vadd.s32 $0x4980, v0;
	[tilespmem:s7+$0x13E00] =	vst v1  }
0x1c7: {  	[tilespmem:s7+$0x13E80] =	vst v2  }
0x1c8: {  	v2 =	vld.idx.msk [tilespmem:v57+s23+$0x0], $0xffff  }
0x1c9: {  	v3 =	vld.idx.msk [tilespmem:v58+s23+$0x0], $0xffff  }
0x1ca: {  	v61 =	vadd.s32 $0x4A00, v0;
	v5 =	vld.idx.msk [tilespmem:v59+s23+$0x0], $0xffff  }
0x1cb: {  	v62 =	vadd.s32 $0x4A80, v0;
	v1 =	vld.idx.msk [tilespmem:v60+s23+$0x0], $0xffff;
	[tilespmem:s7+$0x15300] =	vst v8  }
0x1cc: {  	v63 =	vadd.s32 $0x4B00, v0;
	[tilespmem:s7+$0x15380] =	vst v4  }
0x1cd: {  	v0 =	vadd.s32 $0x4B80, v0;
	[tilespmem:s7+$0x15400] =	vst v6  }
0x1ce: {  	[tilespmem:s7+$0x15480] =	vst v7  }
0x1cf: {  	v6 =	vld.idx.msk [tilespmem:v61+s23+$0x0], $0xffff  }
0x1d0: {  	v7 =	vld.idx.msk [tilespmem:v62+s23+$0x0], $0xffff  }
0x1d1: {  	v4 =	vld.idx.msk [tilespmem:v63+s23+$0x0], $0xffff  }
0x1d2: {  	v0 =	vld.idx.msk [tilespmem:v0+s23+$0x0], $0xffff;
	[tilespmem:s7+$0x15500] =	vst v12  }
0x1d3: {  	[tilespmem:s7+$0x15580] =	vst v9  }
0x1d4: {  	[tilespmem:s7+$0x15600] =	vst v10  }
0x1d5: {  	[tilespmem:s7+$0x15680] =	vst v11  }
0x1d6: {  	[tilespmem:s7+$0x16B00] =	vst v2  }
0x1d7: {  	[tilespmem:s7+$0x16B80] =	vst v3  }
0x1d8: {  	p0 =	sne.s32 s3, $0x2F0;
	[tilespmem:s7+$0x16C00] =	vst v5  }
.Ltmp6:
0x1d9: {  	[tilespmem:s7+$0x16C80] =	vst v1;
	(pc) =	sbr.rel @p0 .LBB2_14-.Ltmp6, $4  }
0x1da: {  	[tilespmem:s7+$0x16D00] =	vst v6  }
0x1db: {  	[tilespmem:s7+$0x16D80] =	vst v7  }
0x1dc: {  	[tilespmem:s7+$0x16E00] =	vst v4  }
0x1dd: {  	s2 =	sadd.s32 $0x80, s2;
	s0 =	sadd.s32 $0x10, s0;
	s3 =	sadd.s32 $0x10, s3;
	[tilespmem:s7+$0x16E80] =	vst v0  }
0x1de: {  	s0 =	simm.s32 $0x0  }
0x1df: {  	[hbm4b:s18+s0] =	stream.linear.scatter [tilespmem:s28], [sflag:$0x4], $0x6000, $0x38;
	[tilespmem:$0x18300] =	vst v63  }
0x1e0: {  	_ =	swait.ge [sflag:s24], $0x6000  }
0x1e1: {  	[sflag:s24] =	ssyncset.done $0x0  }
0x1e2: {  	[sflag:s24] =	ssyncadd.s32 $0xFFFFA000  }
0x1e3: {  	_ =	swait.ge [sflag:s29], $0x6000  }
0x1e4: {  	[sflag:s29] =	ssyncset.done $0x0  }
0x1e5: {  	s2 =	simm.s32 $0x0;
	s3 =	simm.s32 $0x0;
	[sflag:s29] =	ssyncadd.s32 $0xFFFFA000  }
.LBB2_16:
0x1e6: {  	v0 =	vld [tilespmem:s0+$0x0];
	_ =	sdelay $0x4  }
0x1e7: {  	v1 =	vshll.u32 v0, $0x3  }
0x1e8: {  	v0 =	vand.u32 $0x7F, v0;
	v1 =	vand.u32 $0xFFFFFC00, v1  }
0x1e9: {  	v0 =	vor.u32 v0, v1  }
0x1ea: {  	v1 =	vor.u32 $0x80, v0  }
0x1eb: {  	v2 =	vor.u32 $0x100, v0  }
0x1ec: {  	v3 =	vor.u32 $0x180, v0  }
0x1ed: {  	v4 =	vor.u32 $0x200, v0  }
0x1ee: {  	v6 =	vor.u32 $0x280, v0;
	v5 =	vld.idx.msk [tilespmem:v0+s22+$0x0], $0xffff  }
0x1ef: {  	v7 =	vor.u32 $0x300, v0;
	v1 =	vld.idx.msk [tilespmem:v1+s22+$0x0], $0xffff  }
0x1f0: {  	v8 =	vor.u32 $0x380, v0;
	v2 =	vld.idx.msk [tilespmem:v2+s22+$0x0], $0xffff  }
0x1f1: {  	v9 =	vadd.s32 $0x1800, v0;
	v3 =	vld.idx.msk [tilespmem:v3+s22+$0x0], $0xffff  }
0x1f2: {  	v10 =	vadd.s32 $0x1880, v0;
	v4 =	vld.idx.msk [tilespmem:v4+s22+$0x0], $0xffff  }
0x1f3: {  	v11 =	vadd.s32 $0x1900, v0;
	v6 =	vld.idx.msk [tilespmem:v6+s22+$0x0], $0xffff  }
0x1f4: {  	v12 =	vadd.s32 $0x1980, v0;
	v7 =	vld.idx.msk [tilespmem:v7+s22+$0x0], $0xffff  }
0x1f5: {  	v8 =	vld.idx.msk [tilespmem:v8+s22+$0x0], $0xffff  }
0x1f6: {  	v9 =	vld.idx.msk [tilespmem:v9+s22+$0x0], $0xffff  }
0x1f7: {  	s7 =	sand.u32 $0x70, s3;
	s8 =	sand.u32 $0x1C00, s2;
	v10 =	vld.idx.msk [tilespmem:v10+s22+$0x0], $0xffff  }
0x1f8: {  	s7 =	sor.u32 s7, s8;
	v13 =	vadd.s32 $0x1A00, v0;
	v11 =	vld.idx.msk [tilespmem:v11+s22+$0x0], $0xffff  }
0x1f9: {  	v46 =	vadd.s32 $0x1A80, v0;
	v12 =	vld.idx.msk [tilespmem:v12+s22+$0x0], $0xffff;
	[tilespmem:s7+$0xC300] =	vst v5  }
0x1fa: {  	v47 =	vadd.s32 $0x1B00, v0;
	[tilespmem:s7+$0xC380] =	vst v1  }
0x1fb: {  	v48 =	vadd.s32 $0x1B80, v0;
	[tilespmem:s7+$0xC400] =	vst v2  }
0x1fc: {  	[tilespmem:s7+$0xC480] =	vst v3  }
0x1fd: {  	v3 =	vld.idx.msk [tilespmem:v13+s22+$0x0], $0xffff  }
0x1fe: {  	v5 =	vld.idx.msk [tilespmem:v46+s22+$0x0], $0xffff  }
0x1ff: {  	v49 =	vadd.s32 $0x3000, v0;
	v1 =	vld.idx.msk [tilespmem:v47+s22+$0x0], $0xffff  }
0x200: {  	v50 =	vadd.s32 $0x3080, v0;
	v2 =	vld.idx.msk [tilespmem:v48+s22+$0x0], $0xffff;
	[tilespmem:s7+$0xC500] =	vst v4  }
0x201: {  	s10 =	sor.u32 s2, s3;
	v51 =	vadd.s32 $0x3100, v0;
	[tilespmem:s7+$0xC580] =	vst v6  }
0x202: {  	s8 =	sor.u32 $0x380, s10;
	v52 =	vadd.s32 $0x3180, v0;
	[tilespmem:s7+$0xC600] =	vst v7  }
0x203: {  	[tilespmem:s8+$0xC300] =	vst v8  }
0x204: {  	v8 =	vld.idx.msk [tilespmem:v49+s22+$0x0], $0xffff  }
0x205: {  	v4 =	vld.idx.msk [tilespmem:v50+s22+$0x0], $0xffff  }
0x206: {  	v53 =	vadd.s32 $0x3200, v0;
	v6 =	vld.idx.msk [tilespmem:v51+s22+$0x0], $0xffff  }
0x207: {  	v54 =	vadd.s32 $0x3280, v0;
	v7 =	vld.idx.msk [tilespmem:v52+s22+$0x0], $0xffff;
	[tilespmem:s7+$0xDB00] =	vst v9  }
0x208: {  	v55 =	vadd.s32 $0x3300, v0;
	[tilespmem:s7+$0xDB80] =	vst v10  }
0x209: {  	v56 =	vadd.s32 $0x3380, v0;
	[tilespmem:s7+$0xDC00] =	vst v11  }
0x20a: {  	[tilespmem:s7+$0xDC80] =	vst v12  }
0x20b: {  	v12 =	vld.idx.msk [tilespmem:v53+s22+$0x0], $0xffff  }
0x20c: {  	v9 =	vld.idx.msk [tilespmem:v54+s22+$0x0], $0xffff  }
0x20d: {  	v57 =	vadd.s32 $0x4800, v0;
	v10 =	vld.idx.msk [tilespmem:v55+s22+$0x0], $0xffff  }
0x20e: {  	v58 =	vadd.s32 $0x4880, v0;
	v11 =	vld.idx.msk [tilespmem:v56+s22+$0x0], $0xffff;
	[tilespmem:s7+$0xDD00] =	vst v3  }
0x20f: {  	v59 =	vadd.s32 $0x4900, v0;
	[tilespmem:s7+$0xDD80] =	vst v5  }
0x210: {  	v60 =	vadd.s32 $0x4980, v0;
	[tilespmem:s7+$0xDE00] =	vst v1  }
0x211: {  	[tilespmem:s7+$0xDE80] =	vst v2  }
0x212: {  	v2 =	vld.idx.msk [tilespmem:v57+s22+$0x0], $0xffff  }
0x213: {  	v3 =	vld.idx.msk [tilespmem:v58+s22+$0x0], $0xffff  }
0x214: {  	v61 =	vadd.s32 $0x4A00, v0;
	v5 =	vld.idx.msk [tilespmem:v59+s22+$0x0], $0xffff  }
0x215: {  	v62 =	vadd.s32 $0x4A80, v0;
	v1 =	vld.idx.msk [tilespmem:v60+s22+$0x0], $0xffff;
	[tilespmem:s7+$0xF300] =	vst v8  }
0x216: {  	v63 =	vadd.s32 $0x4B00, v0;
	[tilespmem:s7+$0xF380] =	vst v4  }
0x217: {  	v0 =	vadd.s32 $0x4B80, v0;
	[tilespmem:s7+$0xF400] =	vst v6  }
0x218: {  	[tilespmem:s7+$0xF480] =	vst v7  }
0x219: {  	v6 =	vld.idx.msk [tilespmem:v61+s22+$0x0], $0xffff  }
0x21a: {  	v7 =	vld.idx.msk [tilespmem:v62+s22+$0x0], $0xffff  }
0x21b: {  	v4 =	vld.idx.msk [tilespmem:v63+s22+$0x0], $0xffff  }
0x21c: {  	v0 =	vld.idx.msk [tilespmem:v0+s22+$0x0], $0xffff;
	[tilespmem:s7+$0xF500] =	vst v12  }
0x21d: {  	[tilespmem:s7+$0xF580] =	vst v9  }
0x21e: {  	[tilespmem:s7+$0xF600] =	vst v10  }
0x21f: {  	[tilespmem:s7+$0xF680] =	vst v11  }
0x220: {  	[tilespmem:s7+$0x10B00] =	vst v2  }
0x221: {  	[tilespmem:s7+$0x10B80] =	vst v3  }
0x222: {  	p0 =	sne.s32 s3, $0x2F0;
	[tilespmem:s7+$0x10C00] =	vst v5  }
.Ltmp7:
0x223: {  	[tilespmem:s7+$0x10C80] =	vst v1;
	(pc) =	sbr.rel @p0 .LBB2_16-.Ltmp7, $4  }
0x224: {  	[tilespmem:s7+$0x10D00] =	vst v6  }
0x225: {  	[tilespmem:s7+$0x10D80] =	vst v7  }
0x226: {  	[tilespmem:s7+$0x10E00] =	vst v4  }
0x227: {  	s2 =	sadd.s32 $0x80, s2;
	s0 =	sadd.s32 $0x10, s0;
	s3 =	sadd.s32 $0x10, s3;
	[tilespmem:s7+$0x10E80] =	vst v0  }
0x228: {  	[hbm4b:s19+s5] =	stream.linear.scatter [tilespmem:s25], [sflag:$0x3], $0x6000, $0x38;
	[tilespmem:$0x18300] =	vst v63  }
0x229: {  	s31 =	sadd.s32 $0x1, s31  }
0x22a: {  	_ =	swait.ge [sflag:s29], $0x6000;
	p0 =	sne.s32 s31, s20  }
.Ltmp8:
0x22b: {  	[sflag:s29] =	ssyncset.done $0x0;
	(pc) =	sbr.rel @p0 .LBB2_1-.Ltmp8, $4  }
0x22c: {  	[sflag:s29] =	ssyncadd.s32 $0xFFFFA000  }
0x22d: {  	_ =	swait.ge [sflag:s30], $0x6000  }
0x22e: {  	[sflag:s30] =	ssyncset.done $0x0  }
0x22f: {  	[sflag:s30] =	ssyncadd.s32 $0xFFFFA000  }
0x230: {  	_ =	sfence.sel $0x180000  }
0x231: {  	[bflag:$0x0] =	sbarrier.arrive $0xFFFF  }
0x232: {  	_ =	strace $0x90000047  }
0x233: {  	s0 =	stileid.u32;
	[bflag:$0x2] =	sbarrier.arrive $0xFFFF  }
0x234: {  	p0 =	sne.s32 s0, $0x0;
	s0 =	rddreg [dreg:$0x3]  }
0x235: {  	s0 =	sadd.s32 @!p0 $0x100000, s0  }
0x236: {  	[sflag:s0] =	ssyncadd.tile.s32 @!p0 $0x1;
	_ =	shalt  }
.Lfunc_end2:
_tile_overlayer_lowered:
.L_overlay_start_2:
0x237: {  	(tag) =	ssettag $0x2  }
0x238: {  	s0 =	rddreg [dreg:$0x0];
	s2 =	stileid.u32  }
0x239: {  	s1 =	rddreg [dreg:$0x1];
	p0 =	sne.s32 s2, $0x0  }
0x23a: {  	s3 =	rddreg [dreg:$0x2];
	[bflag:$0x3] =	sbarrier.arrive $0xFFFF;
	s2 =	simm.s32 @!p0 $0x1C05  }
0x23b: {  	[timem:s3], [sflag:s2] =	dma.local @!p0 [hbm:s0], s1  }
0x23c: {  	s0 =	simm.s32 @!p0 $0x5  }
0x23d: {  	_ =	swait.ge @!p0 [sflag:s0], s1  }
0x23e: {  	s1 =	ssub.s32 @!p0 $0x0, s1;
	[sflag:s0] =	ssyncset.done @!p0 $0x0  }
0x23f: {  	[sflag:s0] =	ssyncadd.s32 @!p0 s1  }
0x240: {  	[bflag:$0x3] =	sbarrier.arrive $0xFFFF  }
0x241: {  	_ =	shalt  }

</sc_bundles>
